<compile_context>
chip_gen: v7x
topology: tpu7x:2x2x1
jax: 0.10.2.dev20260603
libtpu: 0.0.44.dev20260713+nightly
codegen_flags: <defaults>
</compile_context>

<pallas_src>
import functools

import jax
import jax.numpy as jnp
from jax import lax
from jax.experimental import pallas as pl
from jax.experimental.pallas import tpu as pltpu
from jax.experimental.pallas import tpu_sc as plsc

N = 10000
NP = 10240
E = 320000
D = 128
NC = 2
NS = 16
EPT = E // NS
K = 80
NB = EPT // K
RPT = NP // NS

BR = 2048
GRID = (2 * NP) // BR

_mesh = plsc.VectorSubcoreMesh(
    core_axis_name="c", subcore_axis_name="s", num_cores=NC, num_subcores=NS)



def _deg_body(dst_s, dst_t, deg_out, acc_v, idx_v, red_v, out_v, shared):
    sid = lax.axis_index("s")
    cid = lax.axis_index("c")
    zero16 = jnp.zeros((16,), jnp.float32)
    ones16 = jnp.ones((16,), jnp.float32)

    def zero_acc(i, _):
        acc_v[pl.ds(i * 16, 16)] = zero16
        return 0
    lax.fori_loop(0, NP // 16, zero_acc, 0)

    def process(dst):
        base = sid * EPT

        def chunk(ci, _):
            pltpu.sync_copy(dst.at[pl.ds(base + ci * 2000, 2000)], idx_v)

            def inner(j, _):
                idx = idx_v[pl.ds(j * 16, 16)]
                plsc.addupdate_scatter(acc_v, [idx], ones16)
                return 0
            lax.fori_loop(0, 125, inner, 0)
            return 0
        lax.fori_loop(0, EPT // 2000, chunk, 0)

    @pl.when(cid == 0)
    def _():
        process(dst_s)

    @pl.when(cid == 1)
    def _():
        process(dst_t)

    pltpu.sync_copy(acc_v, shared.at[sid])
    plsc.subcore_barrier()
    pltpu.sync_copy(shared.at[:, pl.ds(sid * RPT, RPT)], red_v)

    def red_col(cc, _):
        s = red_v[0, pl.ds(cc * 16, 16)]
        for r in range(1, NS):
            s = s + red_v[r, pl.ds(cc * 16, 16)]
        out_v[pl.ds(cc * 16, 16)] = s
        return 0
    lax.fori_loop(0, RPT // 16, red_col, 0)

    @pl.when(cid == 0)
    def _():
        pltpu.sync_copy(out_v, deg_out.at[0, pl.ds(sid * RPT, RPT)])

    @pl.when(cid == 1)
    def _():
        pltpu.sync_copy(out_v, deg_out.at[1, pl.ds(sid * RPT, RPT)])


_deg_call = pl.kernel(
    _deg_body,
    out_type=jax.ShapeDtypeStruct((NC, NP), jnp.float32),
    mesh=_mesh,
    scratch_types=[
        pltpu.VMEM((NP,), jnp.float32),
        pltpu.VMEM((2000,), jnp.int32),
        pltpu.VMEM((NS, RPT), jnp.float32),
        pltpu.VMEM((RPT,), jnp.float32),
        pltpu.VMEM_SHARED((NS, NP), jnp.float32),
    ],
    compiler_params=pltpu.CompilerParams(needs_layout_passes=False),
)



CH = 2000


def _mp_body(hp, src_s, dst_s, src_t, dst_t, agg, srcc, dstc, src_v, dst_v,
             rows_v, acc, sem):
    sid = lax.axis_index("s")
    cid = lax.axis_index("c")
    zero16 = jnp.zeros((16,), jnp.float32)

    def zero_rows(i, _):
        rows_v[i, pl.ds(0, 16)] = zero16
        for j in range(1, D // 16):
            rows_v[i, pl.ds(j * 16, 16)] = zero16
        return 0
    lax.fori_loop(0, K, zero_rows, 0)
    for k in range(RPT // K):
        pltpu.sync_copy(rows_v, acc.at[pl.ds(sid * RPT + k * K, K)])
    plsc.subcore_barrier()

    def process(src, dst, off):
        base = sid * EPT

        def chunk(ci, _):
            pltpu.sync_copy(src.at[pl.ds(base + ci * CH, CH)], srcc)
            pltpu.sync_copy(dst.at[pl.ds(base + ci * CH, CH)], dstc)

            def batch(bi, _):
                e0 = bi * K
                for j in range(K // 16):
                    src_v[pl.ds(j * 16, 16)] = srcc[pl.ds(e0 + j * 16, 16)] + off
                    dst_v[pl.ds(j * 16, 16)] = dstc[pl.ds(e0 + j * 16, 16)]
                pltpu.async_copy(hp.at[src_v], rows_v, sem).wait()
                pltpu.sync_copy(rows_v, acc.at[dst_v], add=True)
                return 0
            lax.fori_loop(0, CH // K, batch, 0)
            return 0
        lax.fori_loop(0, EPT // CH, chunk, 0)

    @pl.when(cid == 0)
    def _():
        process(src_s, dst_s, 0)

    @pl.when(cid == 1)
    def _():
        process(src_t, dst_t, NP)

    plsc.subcore_barrier()

    @pl.when(cid == 0)
    def _():
        pltpu.sync_copy(acc.at[pl.ds(sid * RPT, RPT)],
                        agg.at[0, pl.ds(sid * RPT, RPT)])

    @pl.when(cid == 1)
    def _():
        pltpu.sync_copy(acc.at[pl.ds(sid * RPT, RPT)],
                        agg.at[1, pl.ds(sid * RPT, RPT)])


_mp_call = pl.kernel(
    _mp_body,
    out_type=jax.ShapeDtypeStruct((NC, NP, D), jnp.float32),
    mesh=_mesh,
    scratch_types=[
        pltpu.VMEM((CH,), jnp.int32),
        pltpu.VMEM((CH,), jnp.int32),
        pltpu.VMEM((K,), jnp.int32),
        pltpu.VMEM((K,), jnp.int32),
        pltpu.VMEM((K, D), jnp.float32),
        pltpu.VMEM_SHARED((NP, D), jnp.float32),
        pltpu.SemaphoreType.DMA,
    ],
)



def _isd(deg_blk):
    return lax.rsqrt(jnp.maximum(deg_blk, 1.0))


def _tc1_body(f_ref, w_ref, deg_ref, hp_ref):
    isd = _isd(deg_ref[...])
    hp_ref[...] = jnp.dot(f_ref[...], w_ref[...],
                          preferred_element_type=jnp.float32) * isd


_tc1_call = pl.pallas_call(
    _tc1_body,
    grid=(GRID,),
    in_specs=[
        pl.BlockSpec((BR, D), lambda i: (i, 0)),
        pl.BlockSpec((D, D), lambda i: (0, 0)),
        pl.BlockSpec((BR, 1), lambda i: (i, 0)),
    ],
    out_specs=pl.BlockSpec((BR, D), lambda i: (i, 0)),
    out_shape=jax.ShapeDtypeStruct((2 * NP, D), jnp.float32),
)


def _tc2_body(agg_ref, deg_ref, b_ref, w_ref, x1_ref, hp_ref):
    isd = _isd(deg_ref[...])
    x = agg_ref[...] * isd + b_ref[...]
    x1 = jnp.where(x >= 0, x, 0.01 * x)
    x1_ref[...] = x1
    hp_ref[...] = jnp.dot(x1, w_ref[...],
                          preferred_element_type=jnp.float32) * isd


_tc2_call = pl.pallas_call(
    _tc2_body,
    grid=(GRID,),
    in_specs=[
        pl.BlockSpec((BR, D), lambda i: (i, 0)),
        pl.BlockSpec((BR, 1), lambda i: (i, 0)),
        pl.BlockSpec((1, D), lambda i: (0, 0)),
        pl.BlockSpec((D, D), lambda i: (0, 0)),
    ],
    out_specs=[
        pl.BlockSpec((BR, D), lambda i: (i, 0)),
        pl.BlockSpec((BR, D), lambda i: (i, 0)),
    ],
    out_shape=[
        jax.ShapeDtypeStruct((2 * NP, D), jnp.float32),
        jax.ShapeDtypeStruct((2 * NP, D), jnp.float32),
    ],
)


def _tc3_body(agg_ref, deg_ref, b_ref, x1_ref, wf_ref, bf_ref, wdt_ref,
              lab_ref, out_ref, acc_sm):
    pi = pl.program_id(0)

    @pl.when(pi == 0)
    def _():
        acc_sm[0] = 0.0
        acc_sm[1] = 0.0

    isd = _isd(deg_ref[...])
    x = agg_ref[...] * isd + b_ref[...]
    x2 = jnp.where(x >= 0, x, 0.01 * x)
    logits = jnp.dot(x2, wf_ref[...],
                     preferred_element_type=jnp.float32) + bf_ref[...]

    col = lax.broadcasted_iota(jnp.int32, (BR, D), 1)
    is_cls = col < 10
    lg_m = jnp.where(is_cls, logits, jnp.float32(-1e30))
    m = jnp.max(lg_m, axis=1, keepdims=True)
    ex = jnp.where(is_cls, jnp.exp(logits - m), 0.0)
    lse = m + jnp.log(jnp.sum(ex, axis=1, keepdims=True))

    row = lax.broadcasted_iota(jnp.int32, (BR, 1), 0) + pi * BR
    is_s = row < N
    lab = lab_ref[...]
    sel = jnp.sum(jnp.where(col == lab, logits, 0.0), axis=1, keepdims=True)
    cls_part = jnp.sum(jnp.where(is_s, sel - lse, 0.0))

    x1 = x1_ref[...]
    wdt = wdt_ref[...]

    def dcol(a):
        z = (jnp.sum(x1 * wdt[a:a + 1, :], axis=1, keepdims=True)
             + jnp.sum(x2 * wdt[a + 2:a + 3, :], axis=1, keepdims=True)
             + jnp.sum(logits * wdt[a + 4:a + 5, :], axis=1, keepdims=True)
             + jnp.sum(wdt[a + 6:a + 7, :]))
        return z

    z0 = dcol(0)
    z1 = dcol(1)
    mz = jnp.maximum(z0, z1)
    lse2 = mz + jnp.log(jnp.exp(z0 - mz) + jnp.exp(z1 - mz))
    zsel = jnp.where(is_s, z0, z1)
    valid = is_s | ((row >= NP) & (row < NP + N))
    dom_part = jnp.sum(jnp.where(valid, zsel - lse2, 0.0))

    acc_sm[0] = acc_sm[0] + cls_part
    acc_sm[1] = acc_sm[1] + dom_part

    @pl.when(pi == GRID - 1)
    def _():
        loss = (-(acc_sm[0] / jnp.float32(N))
                - 0.02 * (acc_sm[1] / jnp.float32(2 * N)))
        out_ref[...] = jnp.full((1, 1), loss, jnp.float32)


_tc3_call = pl.pallas_call(
    _tc3_body,
    grid=(GRID,),
    in_specs=[
        pl.BlockSpec((BR, D), lambda i: (i, 0)),
        pl.BlockSpec((BR, 1), lambda i: (i, 0)),
        pl.BlockSpec((1, D), lambda i: (0, 0)),
        pl.BlockSpec((BR, D), lambda i: (i, 0)),
        pl.BlockSpec((D, D), lambda i: (0, 0)),
        pl.BlockSpec((1, D), lambda i: (0, 0)),
        pl.BlockSpec((8, D), lambda i: (0, 0)),
        pl.BlockSpec((BR, 1), lambda i: (i, 0)),
    ],
    out_specs=pl.BlockSpec((1, 1), lambda i: (0, 0)),
    out_shape=jax.ShapeDtypeStruct((1, 1), jnp.float32),
    scratch_shapes=[pltpu.SMEM((2,), jnp.float32)],
)



def kernel(features_s, features_t, labels_s, edge_index_s, edge_index_t,
           W0, b0, W1, b1, Wf, bf, Wd, bd):
    f32 = jnp.float32
    ei_s = edge_index_s.astype(jnp.int32)
    ei_t = edge_index_t.astype(jnp.int32)

    F = (jnp.zeros((2 * NP, D), f32)
         .at[0:N].set(features_s.astype(f32))
         .at[NP:NP + N].set(features_t.astype(f32)))
    lab_col = (jnp.zeros((2 * NP, 1), jnp.int32)
               .at[0:N, 0].set(labels_s.astype(jnp.int32)))
    wf_pad = jnp.zeros((D, D), f32).at[:, :10].set(Wf)
    bf_row = jnp.zeros((1, D), f32).at[0, :10].set(bf)
    wdt = (jnp.zeros((8, D), f32)
           .at[0, :].set(Wd[:D, 0]).at[1, :].set(Wd[:D, 1])
           .at[2, :].set(Wd[D:2 * D, 0]).at[3, :].set(Wd[D:2 * D, 1])
           .at[4, :10].set(Wd[2 * D:, 0]).at[5, :10].set(Wd[2 * D:, 1])
           .at[6, 0].set(bd[0]).at[7, 0].set(bd[1]))
    b0_row = b0.reshape(1, D)
    b1_row = b1.reshape(1, D)

    src_s, dst_s = ei_s[0], ei_s[1]
    src_t, dst_t = ei_t[0], ei_t[1]

    deg2 = _deg_call(dst_s, dst_t)
    deg_col = deg2.reshape(2 * NP, 1)

    hp0 = _tc1_call(F, W0, deg_col)
    agg0 = _mp_call(hp0, src_s, dst_s, src_t, dst_t).reshape(2 * NP, D)
    x1, hp1 = _tc2_call(agg0, deg_col, b0_row, W1)
    agg1 = _mp_call(hp1, src_s, dst_s, src_t, dst_t).reshape(2 * NP, D)
    out = _tc3_call(agg1, deg_col, b1_row, x1, wf_pad, bf_row, wdt, lab_col)
    return out.reshape(())

# --- scband reference (transcript-rebuilt; emitter-appended) ---
"""Pipeline reference for scband-grade-63874753626443 (READ-ONLY COPY).

The authoritative reference and input builder live on the scoring server;
editing this copy changes nothing except your own understanding.
"""

import jax, jax.numpy as jnp
import numpy as np

N_NODES = 10000
N_EDGES = 320000
D_FEAT = 128
HIDDEN = 128
N_CLASSES = 10
ALPHA = 1.0


def gcn_layer(x, W, b, src, dst, n_nodes):
    # h = X W (linear transform)
    h = x @ W
    # symmetric degree normalization
    ones = jnp.ones((src.shape[0],), dtype=x.dtype)
    deg = jnp.zeros((n_nodes,), dtype=x.dtype).at[dst].add(ones)
    deg = jnp.maximum(deg, 1.0)
    inv_sqrt_deg = jax.lax.rsqrt(deg)
    coef = (inv_sqrt_deg[src] * inv_sqrt_deg[dst])[:, None]
    msgs = h[src] * coef                      # gather (SparseCore)
    agg = jnp.zeros_like(h).at[dst].add(msgs)  # scatter-add (SparseCore)
    return jax.nn.leaky_relu(agg + b, negative_slope=0.01)


def setup_inputs(seed: int = 0):
    key = jax.random.key(seed)
    ks = jax.random.split(key, 12)
    s = 0.05
    inp = {}
    inp["features_s"] = jax.random.normal(ks[0], (N_NODES, D_FEAT), dtype=jnp.float32)
    inp["features_t"] = jax.random.normal(ks[1], (N_NODES, D_FEAT), dtype=jnp.float32)
    inp["labels_s"] = jax.random.randint(ks[2], (N_NODES,), 0, N_CLASSES)
    inp["edge_index_s"] = jax.random.randint(ks[3], (2, N_EDGES), 0, N_NODES)
    inp["edge_index_t"] = jax.random.randint(ks[4], (2, N_EDGES), 0, N_NODES)
    # learned parameters: 2 GCN layers (n_hidden=1 -> 1 input layer + 1 hidden)
    inp["W0"] = jax.random.normal(ks[5], (D_FEAT, HIDDEN), dtype=jnp.float32) * s
    inp["b0"] = jnp.zeros((HIDDEN,), dtype=jnp.float32)
    inp["W1"] = jax.random.normal(ks[6], (HIDDEN, HIDDEN), dtype=jnp.float32) * s
    inp["b1"] = jnp.zeros((HIDDEN,), dtype=jnp.float32)
    inp["Wf"] = jax.random.normal(ks[7], (HIDDEN, N_CLASSES), dtype=jnp.float32) * s
    inp["bf"] = jnp.zeros((N_CLASSES,), dtype=jnp.float32)
    disc_in = HIDDEN * 2 + N_CLASSES  # hidden_dim*(n_hidden+1) + n_classes  (JS disc)
    inp["Wd"] = jax.random.normal(ks[8], (disc_in, 2), dtype=jnp.float32) * s
    inp["bd"] = jnp.zeros((2,), dtype=jnp.float32)
    return inp


# gradient reversal layer (identity forward, -alpha * grad backward)
@jax.custom_vjp
def grad_reverse(x):
    return x

def _gr_fwd(x):
    return x, None

def _gr_bwd(res, g):
    return (-ALPHA * g,)

grad_reverse.defvjp(_gr_fwd, _gr_bwd)


def reference(features_s, features_t, labels_s, edge_index_s, edge_index_t,
              W0, b0, W1, b1, Wf, bf, Wd, bd):
    src_s, dst_s = edge_index_s[0], edge_index_s[1]
    src_t, dst_t = edge_index_t[0], edge_index_t[1]

    s_f = []
    t_f = []
    # layer 0
    features_s = gcn_layer(features_s, W0, b0, src_s, dst_s, N_NODES)
    features_t = gcn_layer(features_t, W0, b0, src_t, dst_t, N_NODES)
    s_f.append(features_s)
    t_f.append(features_t)
    # layer 1
    features_s = gcn_layer(features_s, W1, b1, src_s, dst_s, N_NODES)
    features_t = gcn_layer(features_t, W1, b1, src_t, dst_t, N_NODES)
    s_f.append(features_s)
    t_f.append(features_t)
    # fc head
    features_s = features_s @ Wf + bf
    features_t = features_t @ Wf + bf
    s_f.append(features_s)
    t_f.append(features_t)

    preds_s = jax.nn.log_softmax(features_s, axis=-1)
    # nll_loss (mean reduction)
    class_loss = -jnp.mean(preds_s[jnp.arange(N_NODES), labels_s])

    s_cat = jnp.concatenate(s_f, axis=1)
    t_cat = jnp.concatenate(t_f, axis=1)

    # JS discriminator with gradient reversal
    dom_in = grad_reverse(jnp.concatenate([s_cat, t_cat], axis=0))
    domain_preds = dom_in @ Wd + bd
    domain_labels = jnp.concatenate([
        jnp.zeros((N_NODES,), dtype=jnp.int32),
        jnp.ones((N_NODES,), dtype=jnp.int32)
    ])
    logp = jax.nn.log_softmax(domain_preds, axis=-1)
    domain_loss = -jnp.mean(logp[jnp.arange(2 * N_NODES), domain_labels])

    loss = class_loss + domain_loss * 0.02
    return loss

if __name__ == "__main__":
    import jax
    _d = setup_inputs()
    print(jax.jit(kernel)(*tuple(_d.values())))

</pallas_src>

<mosaic_0001>
#map = affine_map<(d0, d1) -> (0, 0)>
#map1 = affine_map<(d0, d1) -> (0)>
#map2 = affine_map<(d0, d1) -> (0, 0, 0)>
module attributes {stable_mosaic.version = 14 : i64} {
  func.func @_mp_body(%arg0: i32, %arg1: i32, %arg2: memref<20480x128xf32, #tpu.memory_space<hbm>>, %arg3: memref<320000xi32, #tpu.memory_space<hbm>>, %arg4: memref<320000xi32, #tpu.memory_space<hbm>>, %arg5: memref<320000xi32, #tpu.memory_space<hbm>>, %arg6: memref<320000xi32, #tpu.memory_space<hbm>>, %arg7: memref<2x10240x128xf32, #tpu.memory_space<hbm>>, %arg8: memref<2000xi32, #tpu.memory_space<vmem>>, %arg9: memref<2000xi32, #tpu.memory_space<vmem>>, %arg10: memref<80xi32, #tpu.memory_space<vmem>>, %arg11: memref<80xi32, #tpu.memory_space<vmem>>, %arg12: memref<80x128xf32, #tpu.memory_space<vmem>>, %arg13: memref<10240x128xf32, #tpu.memory_space<vmem_shared>>, %arg14: memref<!tpu.dma_semaphore, #tpu.memory_space<semaphore_mem>>) attributes {dimension_semantics = [#tpu.dimension_semantics<core_parallel>, #tpu.dimension_semantics<subcore_parallel>], iteration_bounds = array<i64: 2, 16>, scalar_prefetch = 0 : i64, scratch_operands = 7 : i64, tpu.core_type = #tpu.core_type<sc_vector_subcore>, window_params = [{transform_indices = #map}, {transform_indices = #map1}, {transform_indices = #map1}, {transform_indices = #map1}, {transform_indices = #map1}, {transform_indices = #map2}]} {
    %broadcast_in_dim3A = arith.constant 0.000000e+00 : f32
    %broadcast_in_dim3A_0 = vector.broadcast %broadcast_in_dim3A : f32 to vector<16xf32>
    %scan3A = arith.constant 0 : i32
    %scan3A_1 = arith.constant 0 : i32
    %scan3A_2 = arith.constant 80 : i32
    %scan3A_3 = arith.addi %scan3A_1, %scan3A_2 : i32
    %scan3A_4 = arith.constant 1 : i32
    %scan3A_5 = scf.for %scan3A_55 = %scan3A_1 to %scan3A_3 step %scan3A_4 iter_args(%scan3A_56 = %scan3A) -> (i32)  : i32 {
      %swap3A = arith.index_cast %scan3A_55 : i32 to index
      %swap3A_57 = arith.constant 0 : index
      %swap3A_58 = tpu.vector_load %arg12[%swap3A, %swap3A_57] {strides = array<i32>} : memref<80x128xf32, #tpu.memory_space<vmem>>, vector<1x16xf32>,
      %swap3A_59 = vector.shape_cast %swap3A_58 : vector<1x16xf32> to vector<16xf32>
      %swap3A_60 = vector.shape_cast %broadcast_in_dim3A_0 : vector<16xf32> to vector<1x16xf32>
      tpu.vector_store %arg12[%swap3A, %swap3A_57], %swap3A_60 {strides = array<i32>} : memref<80x128xf32, #tpu.memory_space<vmem>>, vector<1x16xf32>,
      %swap3A_61 = arith.index_cast %scan3A_55 : i32 to index
      %swap3A_62 = arith.constant 16 : index
      %swap3A_63 = tpu.vector_load %arg12[%swap3A_61, %swap3A_62] {strides = array<i32>} : memref<80x128xf32, #tpu.memory_space<vmem>>, vector<1x16xf32>,
      %swap3A_64 = vector.shape_cast %swap3A_63 : vector<1x16xf32> to vector<16xf32>
      %swap3A_65 = vector.shape_cast %broadcast_in_dim3A_0 : vector<16xf32> to vector<1x16xf32>
      tpu.vector_store %arg12[%swap3A_61, %swap3A_62], %swap3A_65 {strides = array<i32>} : memref<80x128xf32, #tpu.memory_space<vmem>>, vector<1x16xf32>,
      %swap3A_66 = arith.index_cast %scan3A_55 : i32 to index
      %swap3A_67 = arith.constant 32 : index
      %swap3A_68 = tpu.vector_load %arg12[%swap3A_66, %swap3A_67] {strides = array<i32>} : memref<80x128xf32, #tpu.memory_space<vmem>>, vector<1x16xf32>,
      %swap3A_69 = vector.shape_cast %swap3A_68 : vector<1x16xf32> to vector<16xf32>
      %swap3A_70 = vector.shape_cast %broadcast_in_dim3A_0 : vector<16xf32> to vector<1x16xf32>
      tpu.vector_store %arg12[%swap3A_66, %swap3A_67], %swap3A_70 {strides = array<i32>} : memref<80x128xf32, #tpu.memory_space<vmem>>, vector<1x16xf32>,
      %swap3A_71 = arith.index_cast %scan3A_55 : i32 to index
      %swap3A_72 = arith.constant 48 : index
      %swap3A_73 = tpu.vector_load %arg12[%swap3A_71, %swap3A_72] {strides = array<i32>} : memref<80x128xf32, #tpu.memory_space<vmem>>, vector<1x16xf32>,
      %swap3A_74 = vector.shape_cast %swap3A_73 : vector<1x16xf32> to vector<16xf32>
      %swap3A_75 = vector.shape_cast %broadcast_in_dim3A_0 : vector<16xf32> to vector<1x16xf32>
      tpu.vector_store %arg12[%swap3A_71, %swap3A_72], %swap3A_75 {strides = array<i32>} : memref<80x128xf32, #tpu.memory_space<vmem>>, vector<1x16xf32>,
      %swap3A_76 = arith.index_cast %scan3A_55 : i32 to index
      %swap3A_77 = arith.constant 64 : index
      %swap3A_78 = tpu.vector_load %arg12[%swap3A_76, %swap3A_77] {strides = array<i32>} : memref<80x128xf32, #tpu.memory_space<vmem>>, vector<1x16xf32>,
      %swap3A_79 = vector.shape_cast %swap3A_78 : vector<1x16xf32> to vector<16xf32>
      %swap3A_80 = vector.shape_cast %broadcast_in_dim3A_0 : vector<16xf32> to vector<1x16xf32>
      tpu.vector_store %arg12[%swap3A_76, %swap3A_77], %swap3A_80 {strides = array<i32>} : memref<80x128xf32, #tpu.memory_space<vmem>>, vector<1x16xf32>,
      %swap3A_81 = arith.index_cast %scan3A_55 : i32 to index
      %swap3A_82 = arith.constant 80 : index
      %swap3A_83 = tpu.vector_load %arg12[%swap3A_81, %swap3A_82] {strides = array<i32>} : memref<80x128xf32, #tpu.memory_space<vmem>>, vector<1x16xf32>,
      %swap3A_84 = vector.shape_cast %swap3A_83 : vector<1x16xf32> to vector<16xf32>
      %swap3A_85 = vector.shape_cast %broadcast_in_dim3A_0 : vector<16xf32> to vector<1x16xf32>
      tpu.vector_store %arg12[%swap3A_81, %swap3A_82], %swap3A_85 {strides = array<i32>} : memref<80x128xf32, #tpu.memory_space<vmem>>, vector<1x16xf32>,
      %swap3A_86 = arith.index_cast %scan3A_55 : i32 to index
      %swap3A_87 = arith.constant 96 : index
      %swap3A_88 = tpu.vector_load %arg12[%swap3A_86, %swap3A_87] {strides = array<i32>} : memref<80x128xf32, #tpu.memory_space<vmem>>, vector<1x16xf32>,
      %swap3A_89 = vector.shape_cast %swap3A_88 : vector<1x16xf32> to vector<16xf32>
      %swap3A_90 = vector.shape_cast %broadcast_in_dim3A_0 : vector<16xf32> to vector<1x16xf32>
      tpu.vector_store %arg12[%swap3A_86, %swap3A_87], %swap3A_90 {strides = array<i32>} : memref<80x128xf32, #tpu.memory_space<vmem>>, vector<1x16xf32>,
      %swap3A_91 = arith.index_cast %scan3A_55 : i32 to index
      %swap3A_92 = arith.constant 112 : index
      %swap3A_93 = tpu.vector_load %arg12[%swap3A_91, %swap3A_92] {strides = array<i32>} : memref<80x128xf32, #tpu.memory_space<vmem>>, vector<1x16xf32>,
      %swap3A_94 = vector.shape_cast %swap3A_93 : vector<1x16xf32> to vector<16xf32>
      %swap3A_95 = vector.shape_cast %broadcast_in_dim3A_0 : vector<16xf32> to vector<1x16xf32>
      tpu.vector_store %arg12[%swap3A_91, %swap3A_92], %swap3A_95 {strides = array<i32>} : memref<80x128xf32, #tpu.memory_space<vmem>>, vector<1x16xf32>,
      %scan3A_96 = arith.constant 0 : i32
      scf.yield %scan3A_96 : i32
    }
    %scan3A_6 = arith.constant 80 : i32
    %mul3A = arith.constant 640 : i32
    %mul3A_7 = arith.muli %arg1, %mul3A : i32
    %add3A = arith.constant 0 : i32
    %add3A_8 = arith.addi %mul3A_7, %add3A : i32
    "tpu.region"() ({
      %run_scoped3A = tpu.sem_alloc : memref<!tpu.dma_semaphore, #tpu.memory_space<semaphore_mem>>
      %dma_start3A = arith.constant 0 : i32
      %dma_start3A_55 = tpu.memref_slice %arg13[%add3A_8, %dma_start3A] : memref<10240x128xf32, #tpu.memory_space<vmem_shared>> -> memref<80x128xf32, #tpu.memory_space<vmem_shared>>
      %dma_start3A_56 = arith.constant 0 : i32
      %dma_start3A_57 = tpu.memref_slice %arg13[%add3A_8, %dma_start3A_56] : memref<10240x128xf32, #tpu.memory_space<vmem_shared>> -> memref<80x128xf32, #tpu.memory_space<vmem_shared>>
      tpu.enqueue_dma source(%arg12 : memref<80x128xf32, #tpu.memory_space<vmem>>) target(%dma_start3A_57 : memref<80x128xf32, #tpu.memory_space<vmem_shared>>) target_semaphore(%run_scoped3A : memref<!tpu.dma_semaphore, #tpu.memory_space<semaphore_mem>>)
      %dma_wait3A = arith.constant 0 : i32
      %dma_wait3A_58 = tpu.memref_slice %arg13[%add3A_8, %dma_wait3A] : memref<10240x128xf32, #tpu.memory_space<vmem_shared>> -> memref<80x128xf32, #tpu.memory_space<vmem_shared>>
      %dma_wait3A_59 = arith.constant 0 : i32
      %dma_wait3A_60 = tpu.memref_slice %arg13[%add3A_8, %dma_wait3A_59] : memref<10240x128xf32, #tpu.memory_space<vmem_shared>> -> memref<80x128xf32, #tpu.memory_space<vmem_shared>>
      tpu.wait_dma2 semaphore(%run_scoped3A : memref<!tpu.dma_semaphore, #tpu.memory_space<semaphore_mem>>) src(%arg12 : memref<80x128xf32, #tpu.memory_space<vmem>>) dst(%dma_wait3A_60 : memref<80x128xf32, #tpu.memory_space<vmem_shared>>)
      tpu.yield
    }) : () -> ()
    %mul3A_9 = arith.constant 640 : i32
    %mul3A_10 = arith.muli %arg1, %mul3A_9 : i32
    %add3A_11 = arith.constant 80 : i32
    %add3A_12 = arith.addi %mul3A_10, %add3A_11 : i32
    "tpu.region"() ({
      %run_scoped3A = tpu.sem_alloc : memref<!tpu.dma_semaphore, #tpu.memory_space<semaphore_mem>>
      %dma_start3A = arith.constant 0 : i32
      %dma_start3A_55 = tpu.memref_slice %arg13[%add3A_12, %dma_start3A] : memref<10240x128xf32, #tpu.memory_space<vmem_shared>> -> memref<80x128xf32, #tpu.memory_space<vmem_shared>>
      %dma_start3A_56 = arith.constant 0 : i32
      %dma_start3A_57 = tpu.memref_slice %arg13[%add3A_12, %dma_start3A_56] : memref<10240x128xf32, #tpu.memory_space<vmem_shared>> -> memref<80x128xf32, #tpu.memory_space<vmem_shared>>
      tpu.enqueue_dma source(%arg12 : memref<80x128xf32, #tpu.memory_space<vmem>>) target(%dma_start3A_57 : memref<80x128xf32, #tpu.memory_space<vmem_shared>>) target_semaphore(%run_scoped3A : memref<!tpu.dma_semaphore, #tpu.memory_space<semaphore_mem>>)
      %dma_wait3A = arith.constant 0 : i32
      %dma_wait3A_58 = tpu.memref_slice %arg13[%add3A_12, %dma_wait3A] : memref<10240x128xf32, #tpu.memory_space<vmem_shared>> -> memref<80x128xf32, #tpu.memory_space<vmem_shared>>
      %dma_wait3A_59 = arith.constant 0 : i32
      %dma_wait3A_60 = tpu.memref_slice %arg13[%add3A_12, %dma_wait3A_59] : memref<10240x128xf32, #tpu.memory_space<vmem_shared>> -> memref<80x128xf32, #tpu.memory_space<vmem_shared>>
      tpu.wait_dma2 semaphore(%run_scoped3A : memref<!tpu.dma_semaphore, #tpu.memory_space<semaphore_mem>>) src(%arg12 : memref<80x128xf32, #tpu.memory_space<vmem>>) dst(%dma_wait3A_60 : memref<80x128xf32, #tpu.memory_space<vmem_shared>>)
      tpu.yield
    }) : () -> ()
    %mul3A_13 = arith.constant 640 : i32
    %mul3A_14 = arith.muli %arg1, %mul3A_13 : i32
    %add3A_15 = arith.constant 160 : i32
    %add3A_16 = arith.addi %mul3A_14, %add3A_15 : i32
    "tpu.region"() ({
      %run_scoped3A = tpu.sem_alloc : memref<!tpu.dma_semaphore, #tpu.memory_space<semaphore_mem>>
      %dma_start3A = arith.constant 0 : i32
      %dma_start3A_55 = tpu.memref_slice %arg13[%add3A_16, %dma_start3A] : memref<10240x128xf32, #tpu.memory_space<vmem_shared>> -> memref<80x128xf32, #tpu.memory_space<vmem_shared>>
      %dma_start3A_56 = arith.constant 0 : i32
      %dma_start3A_57 = tpu.memref_slice %arg13[%add3A_16, %dma_start3A_56] : memref<10240x128xf32, #tpu.memory_space<vmem_shared>> -> memref<80x128xf32, #tpu.memory_space<vmem_shared>>
      tpu.enqueue_dma source(%arg12 : memref<80x128xf32, #tpu.memory_space<vmem>>) target(%dma_start3A_57 : memref<80x128xf32, #tpu.memory_space<vmem_shared>>) target_semaphore(%run_scoped3A : memref<!tpu.dma_semaphore, #tpu.memory_space<semaphore_mem>>)
      %dma_wait3A = arith.constant 0 : i32
      %dma_wait3A_58 = tpu.memref_slice %arg13[%add3A_16, %dma_wait3A] : memref<10240x128xf32, #tpu.memory_space<vmem_shared>> -> memref<80x128xf32, #tpu.memory_space<vmem_shared>>
      %dma_wait3A_59 = arith.constant 0 : i32
      %dma_wait3A_60 = tpu.memref_slice %arg13[%add3A_16, %dma_wait3A_59] : memref<10240x128xf32, #tpu.memory_space<vmem_shared>> -> memref<80x128xf32, #tpu.memory_space<vmem_shared>>
      tpu.wait_dma2 semaphore(%run_scoped3A : memref<!tpu.dma_semaphore, #tpu.memory_space<semaphore_mem>>) src(%arg12 : memref<80x128xf32, #tpu.memory_space<vmem>>) dst(%dma_wait3A_60 : memref<80x128xf32, #tpu.memory_space<vmem_shared>>)
      tpu.yield
    }) : () -> ()
    %mul3A_17 = arith.constant 640 : i32
    %mul3A_18 = arith.muli %arg1, %mul3A_17 : i32
    %add3A_19 = arith.constant 240 : i32
    %add3A_20 = arith.addi %mul3A_18, %add3A_19 : i32
    "tpu.region"() ({
      %run_scoped3A = tpu.sem_alloc : memref<!tpu.dma_semaphore, #tpu.memory_space<semaphore_mem>>
      %dma_start3A = arith.constant 0 : i32
      %dma_start3A_55 = tpu.memref_slice %arg13[%add3A_20, %dma_start3A] : memref<10240x128xf32, #tpu.memory_space<vmem_shared>> -> memref<80x128xf32, #tpu.memory_space<vmem_shared>>
      %dma_start3A_56 = arith.constant 0 : i32
      %dma_start3A_57 = tpu.memref_slice %arg13[%add3A_20, %dma_start3A_56] : memref<10240x128xf32, #tpu.memory_space<vmem_shared>> -> memref<80x128xf32, #tpu.memory_space<vmem_shared>>
      tpu.enqueue_dma source(%arg12 : memref<80x128xf32, #tpu.memory_space<vmem>>) target(%dma_start3A_57 : memref<80x128xf32, #tpu.memory_space<vmem_shared>>) target_semaphore(%run_scoped3A : memref<!tpu.dma_semaphore, #tpu.memory_space<semaphore_mem>>)
      %dma_wait3A = arith.constant 0 : i32
      %dma_wait3A_58 = tpu.memref_slice %arg13[%add3A_20, %dma_wait3A] : memref<10240x128xf32, #tpu.memory_space<vmem_shared>> -> memref<80x128xf32, #tpu.memory_space<vmem_shared>>
      %dma_wait3A_59 = arith.constant 0 : i32
      %dma_wait3A_60 = tpu.memref_slice %arg13[%add3A_20, %dma_wait3A_59] : memref<10240x128xf32, #tpu.memory_space<vmem_shared>> -> memref<80x128xf32, #tpu.memory_space<vmem_shared>>
      tpu.wait_dma2 semaphore(%run_scoped3A : memref<!tpu.dma_semaphore, #tpu.memory_space<semaphore_mem>>) src(%arg12 : memref<80x128xf32, #tpu.memory_space<vmem>>) dst(%dma_wait3A_60 : memref<80x128xf32, #tpu.memory_space<vmem_shared>>)
      tpu.yield
    }) : () -> ()
    %mul3A_21 = arith.constant 640 : i32
    %mul3A_22 = arith.muli %arg1, %mul3A_21 : i32
    %add3A_23 = arith.constant 320 : i32
    %add3A_24 = arith.addi %mul3A_22, %add3A_23 : i32
    "tpu.region"() ({
      %run_scoped3A = tpu.sem_alloc : memref<!tpu.dma_semaphore, #tpu.memory_space<semaphore_mem>>
      %dma_start3A = arith.constant 0 : i32
      %dma_start3A_55 = tpu.memref_slice %arg13[%add3A_24, %dma_start3A] : memref<10240x128xf32, #tpu.memory_space<vmem_shared>> -> memref<80x128xf32, #tpu.memory_space<vmem_shared>>
      %dma_start3A_56 = arith.constant 0 : i32
      %dma_start3A_57 = tpu.memref_slice %arg13[%add3A_24, %dma_start3A_56] : memref<10240x128xf32, #tpu.memory_space<vmem_shared>> -> memref<80x128xf32, #tpu.memory_space<vmem_shared>>
      tpu.enqueue_dma source(%arg12 : memref<80x128xf32, #tpu.memory_space<vmem>>) target(%dma_start3A_57 : memref<80x128xf32, #tpu.memory_space<vmem_shared>>) target_semaphore(%run_scoped3A : memref<!tpu.dma_semaphore, #tpu.memory_space<semaphore_mem>>)
      %dma_wait3A = arith.constant 0 : i32
      %dma_wait3A_58 = tpu.memref_slice %arg13[%add3A_24, %dma_wait3A] : memref<10240x128xf32, #tpu.memory_space<vmem_shared>> -> memref<80x128xf32, #tpu.memory_space<vmem_shared>>
      %dma_wait3A_59 = arith.constant 0 : i32
      %dma_wait3A_60 = tpu.memref_slice %arg13[%add3A_24, %dma_wait3A_59] : memref<10240x128xf32, #tpu.memory_space<vmem_shared>> -> memref<80x128xf32, #tpu.memory_space<vmem_shared>>
      tpu.wait_dma2 semaphore(%run_scoped3A : memref<!tpu.dma_semaphore, #tpu.memory_space<semaphore_mem>>) src(%arg12 : memref<80x128xf32, #tpu.memory_space<vmem>>) dst(%dma_wait3A_60 : memref<80x128xf32, #tpu.memory_space<vmem_shared>>)
      tpu.yield
    }) : () -> ()
    %mul3A_25 = arith.constant 640 : i32
    %mul3A_26 = arith.muli %arg1, %mul3A_25 : i32
    %add3A_27 = arith.constant 400 : i32
    %add3A_28 = arith.addi %mul3A_26, %add3A_27 : i32
    "tpu.region"() ({
      %run_scoped3A = tpu.sem_alloc : memref<!tpu.dma_semaphore, #tpu.memory_space<semaphore_mem>>
      %dma_start3A = arith.constant 0 : i32
      %dma_start3A_55 = tpu.memref_slice %arg13[%add3A_28, %dma_start3A] : memref<10240x128xf32, #tpu.memory_space<vmem_shared>> -> memref<80x128xf32, #tpu.memory_space<vmem_shared>>
      %dma_start3A_56 = arith.constant 0 : i32
      %dma_start3A_57 = tpu.memref_slice %arg13[%add3A_28, %dma_start3A_56] : memref<10240x128xf32, #tpu.memory_space<vmem_shared>> -> memref<80x128xf32, #tpu.memory_space<vmem_shared>>
      tpu.enqueue_dma source(%arg12 : memref<80x128xf32, #tpu.memory_space<vmem>>) target(%dma_start3A_57 : memref<80x128xf32, #tpu.memory_space<vmem_shared>>) target_semaphore(%run_scoped3A : memref<!tpu.dma_semaphore, #tpu.memory_space<semaphore_mem>>)
      %dma_wait3A = arith.constant 0 : i32
      %dma_wait3A_58 = tpu.memref_slice %arg13[%add3A_28, %dma_wait3A] : memref<10240x128xf32, #tpu.memory_space<vmem_shared>> -> memref<80x128xf32, #tpu.memory_space<vmem_shared>>
      %dma_wait3A_59 = arith.constant 0 : i32
      %dma_wait3A_60 = tpu.memref_slice %arg13[%add3A_28, %dma_wait3A_59] : memref<10240x128xf32, #tpu.memory_space<vmem_shared>> -> memref<80x128xf32, #tpu.memory_space<vmem_shared>>
      tpu.wait_dma2 semaphore(%run_scoped3A : memref<!tpu.dma_semaphore, #tpu.memory_space<semaphore_mem>>) src(%arg12 : memref<80x128xf32, #tpu.memory_space<vmem>>) dst(%dma_wait3A_60 : memref<80x128xf32, #tpu.memory_space<vmem_shared>>)
      tpu.yield
    }) : () -> ()
    %mul3A_29 = arith.constant 640 : i32
    %mul3A_30 = arith.muli %arg1, %mul3A_29 : i32
    %add3A_31 = arith.constant 480 : i32
    %add3A_32 = arith.addi %mul3A_30, %add3A_31 : i32
    "tpu.region"() ({
      %run_scoped3A = tpu.sem_alloc : memref<!tpu.dma_semaphore, #tpu.memory_space<semaphore_mem>>
      %dma_start3A = arith.constant 0 : i32
      %dma_start3A_55 = tpu.memref_slice %arg13[%add3A_32, %dma_start3A] : memref<10240x128xf32, #tpu.memory_space<vmem_shared>> -> memref<80x128xf32, #tpu.memory_space<vmem_shared>>
      %dma_start3A_56 = arith.constant 0 : i32
      %dma_start3A_57 = tpu.memref_slice %arg13[%add3A_32, %dma_start3A_56] : memref<10240x128xf32, #tpu.memory_space<vmem_shared>> -> memref<80x128xf32, #tpu.memory_space<vmem_shared>>
      tpu.enqueue_dma source(%arg12 : memref<80x128xf32, #tpu.memory_space<vmem>>) target(%dma_start3A_57 : memref<80x128xf32, #tpu.memory_space<vmem_shared>>) target_semaphore(%run_scoped3A : memref<!tpu.dma_semaphore, #tpu.memory_space<semaphore_mem>>)
      %dma_wait3A = arith.constant 0 : i32
      %dma_wait3A_58 = tpu.memref_slice %arg13[%add3A_32, %dma_wait3A] : memref<10240x128xf32, #tpu.memory_space<vmem_shared>> -> memref<80x128xf32, #tpu.memory_space<vmem_shared>>
      %dma_wait3A_59 = arith.constant 0 : i32
      %dma_wait3A_60 = tpu.memref_slice %arg13[%add3A_32, %dma_wait3A_59] : memref<10240x128xf32, #tpu.memory_space<vmem_shared>> -> memref<80x128xf32, #tpu.memory_space<vmem_shared>>
      tpu.wait_dma2 semaphore(%run_scoped3A : memref<!tpu.dma_semaphore, #tpu.memory_space<semaphore_mem>>) src(%arg12 : memref<80x128xf32, #tpu.memory_space<vmem>>) dst(%dma_wait3A_60 : memref<80x128xf32, #tpu.memory_space<vmem_shared>>)
      tpu.yield
    }) : () -> ()
    %mul3A_33 = arith.constant 640 : i32
    %mul3A_34 = arith.muli %arg1, %mul3A_33 : i32
    %add3A_35 = arith.constant 560 : i32
    %add3A_36 = arith.addi %mul3A_34, %add3A_35 : i32
    "tpu.region"() ({
      %run_scoped3A = tpu.sem_alloc : memref<!tpu.dma_semaphore, #tpu.memory_space<semaphore_mem>>
      %dma_start3A = arith.constant 0 : i32
      %dma_start3A_55 = tpu.memref_slice %arg13[%add3A_36, %dma_start3A] : memref<10240x128xf32, #tpu.memory_space<vmem_shared>> -> memref<80x128xf32, #tpu.memory_space<vmem_shared>>
      %dma_start3A_56 = arith.constant 0 : i32
      %dma_start3A_57 = tpu.memref_slice %arg13[%add3A_36, %dma_start3A_56] : memref<10240x128xf32, #tpu.memory_space<vmem_shared>> -> memref<80x128xf32, #tpu.memory_space<vmem_shared>>
      tpu.enqueue_dma source(%arg12 : memref<80x128xf32, #tpu.memory_space<vmem>>) target(%dma_start3A_57 : memref<80x128xf32, #tpu.memory_space<vmem_shared>>) target_semaphore(%run_scoped3A : memref<!tpu.dma_semaphore, #tpu.memory_space<semaphore_mem>>)
      %dma_wait3A = arith.constant 0 : i32
      %dma_wait3A_58 = tpu.memref_slice %arg13[%add3A_36, %dma_wait3A] : memref<10240x128xf32, #tpu.memory_space<vmem_shared>> -> memref<80x128xf32, #tpu.memory_space<vmem_shared>>
      %dma_wait3A_59 = arith.constant 0 : i32
      %dma_wait3A_60 = tpu.memref_slice %arg13[%add3A_36, %dma_wait3A_59] : memref<10240x128xf32, #tpu.memory_space<vmem_shared>> -> memref<80x128xf32, #tpu.memory_space<vmem_shared>>
      tpu.wait_dma2 semaphore(%run_scoped3A : memref<!tpu.dma_semaphore, #tpu.memory_space<semaphore_mem>>) src(%arg12 : memref<80x128xf32, #tpu.memory_space<vmem>>) dst(%dma_wait3A_60 : memref<80x128xf32, #tpu.memory_space<vmem_shared>>)
      tpu.yield
    }) : () -> ()
    %barrier3A = arith.constant 0 : index
    tpu.barrier barrier_id(%barrier3A)
    %eq3A = arith.constant 0 : i32
    %eq3A_37 = arith.cmpi eq, %arg0, %eq3A : i32
    %convert_element_type3A = arith.extui %eq3A_37 : i1 to i32
    %cond3A = arith.constant 0 : i32
    %cond3A_38 = arith.cmpi ne, %convert_element_type3A, %cond3A : i32
    scf.if %cond3A_38 {
      %mul3A_55 = arith.constant 20000 : i32
      %mul3A_56 = arith.muli %arg1, %mul3A_55 : i32
      %scan3A_57 = arith.constant 0 : i32
      %scan3A_58 = arith.constant 0 : i32
      %scan3A_59 = arith.constant 10 : i32
      %scan3A_60 = arith.addi %scan3A_58, %scan3A_59 : i32
      %scan3A_61 = arith.constant 1 : i32
      %scan3A_62 = scf.for %scan3A_64 = %scan3A_58 to %scan3A_60 step %scan3A_61 iter_args(%scan3A_65 = %scan3A_57) -> (i32)  : i32 {
        %mul3A_66 = arith.constant 2000 : i32
        %mul3A_67 = arith.muli %scan3A_64, %mul3A_66 : i32
        %add3A_68 = arith.addi %mul3A_56, %mul3A_67 : i32
        "tpu.region"() ({
          %run_scoped3A = tpu.sem_alloc : memref<!tpu.dma_semaphore, #tpu.memory_space<semaphore_mem>>
          %dma_start3A = tpu.memref_slice %arg3[%add3A_68] : memref<320000xi32, #tpu.memory_space<hbm>> -> memref<2000xi32, #tpu.memory_space<hbm>>
          %dma_start3A_80 = tpu.memref_slice %arg3[%add3A_68] : memref<320000xi32, #tpu.memory_space<hbm>> -> memref<2000xi32, #tpu.memory_space<hbm>>
          tpu.enqueue_dma source(%dma_start3A_80 : memref<2000xi32, #tpu.memory_space<hbm>>) target(%arg8 : memref<2000xi32, #tpu.memory_space<vmem>>) target_semaphore(%run_scoped3A : memref<!tpu.dma_semaphore, #tpu.memory_space<semaphore_mem>>)
          %dma_wait3A = tpu.memref_slice %arg3[%add3A_68] : memref<320000xi32, #tpu.memory_space<hbm>> -> memref<2000xi32, #tpu.memory_space<hbm>>
          %dma_wait3A_81 = tpu.memref_slice %arg3[%add3A_68] : memref<320000xi32, #tpu.memory_space<hbm>> -> memref<2000xi32, #tpu.memory_space<hbm>>
          tpu.wait_dma2 semaphore(%run_scoped3A : memref<!tpu.dma_semaphore, #tpu.memory_space<semaphore_mem>>) src(%dma_wait3A_81 : memref<2000xi32, #tpu.memory_space<hbm>>) dst(%arg8 : memref<2000xi32, #tpu.memory_space<vmem>>)
          tpu.yield
        }) : () -> ()
        %mul3A_69 = arith.constant 2000 : i32
        %mul3A_70 = arith.muli %scan3A_64, %mul3A_69 : i32
        %add3A_71 = arith.addi %mul3A_56, %mul3A_70 : i32
        "tpu.region"() ({
          %run_scoped3A = tpu.sem_alloc : memref<!tpu.dma_semaphore, #tpu.memory_space<semaphore_mem>>
          %dma_start3A = tpu.memref_slice %arg4[%add3A_71] : memref<320000xi32, #tpu.memory_space<hbm>> -> memref<2000xi32, #tpu.memory_space<hbm>>
          %dma_start3A_80 = tpu.memref_slice %arg4[%add3A_71] : memref<320000xi32, #tpu.memory_space<hbm>> -> memref<2000xi32, #tpu.memory_space<hbm>>
          tpu.enqueue_dma source(%dma_start3A_80 : memref<2000xi32, #tpu.memory_space<hbm>>) target(%arg9 : memref<2000xi32, #tpu.memory_space<vmem>>) target_semaphore(%run_scoped3A : memref<!tpu.dma_semaphore, #tpu.memory_space<semaphore_mem>>)
          %dma_wait3A = tpu.memref_slice %arg4[%add3A_71] : memref<320000xi32, #tpu.memory_space<hbm>> -> memref<2000xi32, #tpu.memory_space<hbm>>
          %dma_wait3A_81 = tpu.memref_slice %arg4[%add3A_71] : memref<320000xi32, #tpu.memory_space<hbm>> -> memref<2000xi32, #tpu.memory_space<hbm>>
          tpu.wait_dma2 semaphore(%run_scoped3A : memref<!tpu.dma_semaphore, #tpu.memory_space<semaphore_mem>>) src(%dma_wait3A_81 : memref<2000xi32, #tpu.memory_space<hbm>>) dst(%arg9 : memref<2000xi32, #tpu.memory_space<vmem>>)
          tpu.yield
        }) : () -> ()
        %scan3A_72 = arith.constant 0 : i32
        %scan3A_73 = arith.constant 0 : i32
        %scan3A_74 = arith.constant 25 : i32
        %scan3A_75 = arith.addi %scan3A_73, %scan3A_74 : i32
        %scan3A_76 = arith.constant 1 : i32
        %scan3A_77 = scf.for %scan3A_80 = %scan3A_73 to %scan3A_75 step %scan3A_76 iter_args(%scan3A_81 = %scan3A_72) -> (i32)  : i32 {
          %mul3A_82 = arith.constant 80 : i32
          %mul3A_83 = arith.muli %scan3A_80, %mul3A_82 : i32
          %add3A_84 = arith.constant 0 : i32
          %add3A_85 = arith.addi %mul3A_83, %add3A_84 : i32
          %get3A = arith.index_cast %add3A_85 : i32 to index
          %get3A_86 = tpu.vector_load %arg8[%get3A] {strides = array<i32>} : memref<2000xi32, #tpu.memory_space<vmem>>, vector<16xi32>,
          %add3A_87 = arith.constant 0 : i32
          %add3A_88 = vector.broadcast %add3A_87 : i32 to vector<16xi32>
          %add3A_89 = arith.addi %get3A_86, %add3A_88 : vector<16xi32>
          %swap3A = arith.constant 0 : index
          %swap3A_90 = tpu.vector_load %arg10[%swap3A] {strides = array<i32>} : memref<80xi32, #tpu.memory_space<vmem>>, vector<16xi32>,
          %swap3A_91 = vector.shape_cast %swap3A_90 : vector<16xi32> to vector<16xi32>
          %swap3A_92 = vector.shape_cast %add3A_89 : vector<16xi32> to vector<16xi32>
          tpu.vector_store %arg10[%swap3A], %swap3A_92 {strides = array<i32>} : memref<80xi32, #tpu.memory_space<vmem>>, vector<16xi32>,
          %add3A_93 = arith.constant 0 : i32
          %add3A_94 = arith.addi %mul3A_83, %add3A_93 : i32
          %get3A_95 = arith.index_cast %add3A_94 : i32 to index
          %get3A_96 = tpu.vector_load %arg9[%get3A_95] {strides = array<i32>} : memref<2000xi32, #tpu.memory_space<vmem>>, vector<16xi32>,
          %swap3A_97 = arith.constant 0 : index
          %swap3A_98 = tpu.vector_load %arg11[%swap3A_97] {strides = array<i32>} : memref<80xi32, #tpu.memory_space<vmem>>, vector<16xi32>,
          %swap3A_99 = vector.shape_cast %swap3A_98 : vector<16xi32> to vector<16xi32>
          %swap3A_100 = vector.shape_cast %get3A_96 : vector<16xi32> to vector<16xi32>
          tpu.vector_store %arg11[%swap3A_97], %swap3A_100 {strides = array<i32>} : memref<80xi32, #tpu.memory_space<vmem>>, vector<16xi32>,
          %add3A_101 = arith.constant 16 : i32
          %add3A_102 = arith.addi %mul3A_83, %add3A_101 : i32
          %get3A_103 = arith.index_cast %add3A_102 : i32 to index
          %get3A_104 = tpu.vector_load %arg8[%get3A_103] {strides = array<i32>} : memref<2000xi32, #tpu.memory_space<vmem>>, vector<16xi32>,
          %add3A_105 = arith.constant 0 : i32
          %add3A_106 = vector.broadcast %add3A_105 : i32 to vector<16xi32>
          %add3A_107 = arith.addi %get3A_104, %add3A_106 : vector<16xi32>
          %swap3A_108 = arith.constant 16 : index
          %swap3A_109 = tpu.vector_load %arg10[%swap3A_108] {strides = array<i32>} : memref<80xi32, #tpu.memory_space<vmem>>, vector<16xi32>,
          %swap3A_110 = vector.shape_cast %swap3A_109 : vector<16xi32> to vector<16xi32>
          %swap3A_111 = vector.shape_cast %add3A_107 : vector<16xi32> to vector<16xi32>
          tpu.vector_store %arg10[%swap3A_108], %swap3A_111 {strides = array<i32>} : memref<80xi32, #tpu.memory_space<vmem>>, vector<16xi32>,
          %add3A_112 = arith.constant 16 : i32
          %add3A_113 = arith.addi %mul3A_83, %add3A_112 : i32
          %get3A_114 = arith.index_cast %add3A_113 : i32 to index
          %get3A_115 = tpu.vector_load %arg9[%get3A_114] {strides = array<i32>} : memref<2000xi32, #tpu.memory_space<vmem>>, vector<16xi32>,
          %swap3A_116 = arith.constant 16 : index
          %swap3A_117 = tpu.vector_load %arg11[%swap3A_116] {strides = array<i32>} : memref<80xi32, #tpu.memory_space<vmem>>, vector<16xi32>,
          %swap3A_118 = vector.shape_cast %swap3A_117 : vector<16xi32> to vector<16xi32>
          %swap3A_119 = vector.shape_cast %get3A_115 : vector<16xi32> to vector<16xi32>
          tpu.vector_store %arg11[%swap3A_116], %swap3A_119 {strides = array<i32>} : memref<80xi32, #tpu.memory_space<vmem>>, vector<16xi32>,
          %add3A_120 = arith.constant 32 : i32
          %add3A_121 = arith.addi %mul3A_83, %add3A_120 : i32
          %get3A_122 = arith.index_cast %add3A_121 : i32 to index
          %get3A_123 = tpu.vector_load %arg8[%get3A_122] {strides = array<i32>} : memref<2000xi32, #tpu.memory_space<vmem>>, vector<16xi32>,
          %add3A_124 = arith.constant 0 : i32
          %add3A_125 = vector.broadcast %add3A_124 : i32 to vector<16xi32>
          %add3A_126 = arith.addi %get3A_123, %add3A_125 : vector<16xi32>
          %swap3A_127 = arith.constant 32 : index
          %swap3A_128 = tpu.vector_load %arg10[%swap3A_127] {strides = array<i32>} : memref<80xi32, #tpu.memory_space<vmem>>, vector<16xi32>,
          %swap3A_129 = vector.shape_cast %swap3A_128 : vector<16xi32> to vector<16xi32>
          %swap3A_130 = vector.shape_cast %add3A_126 : vector<16xi32> to vector<16xi32>
          tpu.vector_store %arg10[%swap3A_127], %swap3A_130 {strides = array<i32>} : memref<80xi32, #tpu.memory_space<vmem>>, vector<16xi32>,
          %add3A_131 = arith.constant 32 : i32
          %add3A_132 = arith.addi %mul3A_83, %add3A_131 : i32
          %get3A_133 = arith.index_cast %add3A_132 : i32 to index
          %get3A_134 = tpu.vector_load %arg9[%get3A_133] {strides = array<i32>} : memref<2000xi32, #tpu.memory_space<vmem>>, vector<16xi32>,
          %swap3A_135 = arith.constant 32 : index
          %swap3A_136 = tpu.vector_load %arg11[%swap3A_135] {strides = array<i32>} : memref<80xi32, #tpu.memory_space<vmem>>, vector<16xi32>,
          %swap3A_137 = vector.shape_cast %swap3A_136 : vector<16xi32> to vector<16xi32>
          %swap3A_138 = vector.shape_cast %get3A_134 : vector<16xi32> to vector<16xi32>
          tpu.vector_store %arg11[%swap3A_135], %swap3A_138 {strides = array<i32>} : memref<80xi32, #tpu.memory_space<vmem>>, vector<16xi32>,
          %add3A_139 = arith.constant 48 : i32
          %add3A_140 = arith.addi %mul3A_83, %add3A_139 : i32
          %get3A_141 = arith.index_cast %add3A_140 : i32 to index
          %get3A_142 = tpu.vector_load %arg8[%get3A_141] {strides = array<i32>} : memref<2000xi32, #tpu.memory_space<vmem>>, vector<16xi32>,
          %add3A_143 = arith.constant 0 : i32
          %add3A_144 = vector.broadcast %add3A_143 : i32 to vector<16xi32>
          %add3A_145 = arith.addi %get3A_142, %add3A_144 : vector<16xi32>
          %swap3A_146 = arith.constant 48 : index
          %swap3A_147 = tpu.vector_load %arg10[%swap3A_146] {strides = array<i32>} : memref<80xi32, #tpu.memory_space<vmem>>, vector<16xi32>,
          %swap3A_148 = vector.shape_cast %swap3A_147 : vector<16xi32> to vector<16xi32>
          %swap3A_149 = vector.shape_cast %add3A_145 : vector<16xi32> to vector<16xi32>
          tpu.vector_store %arg10[%swap3A_146], %swap3A_149 {strides = array<i32>} : memref<80xi32, #tpu.memory_space<vmem>>, vector<16xi32>,
          %add3A_150 = arith.constant 48 : i32
          %add3A_151 = arith.addi %mul3A_83, %add3A_150 : i32
          %get3A_152 = arith.index_cast %add3A_151 : i32 to index
          %get3A_153 = tpu.vector_load %arg9[%get3A_152] {strides = array<i32>} : memref<2000xi32, #tpu.memory_space<vmem>>, vector<16xi32>,
          %swap3A_154 = arith.constant 48 : index
          %swap3A_155 = tpu.vector_load %arg11[%swap3A_154] {strides = array<i32>} : memref<80xi32, #tpu.memory_space<vmem>>, vector<16xi32>,
          %swap3A_156 = vector.shape_cast %swap3A_155 : vector<16xi32> to vector<16xi32>
          %swap3A_157 = vector.shape_cast %get3A_153 : vector<16xi32> to vector<16xi32>
          tpu.vector_store %arg11[%swap3A_154], %swap3A_157 {strides = array<i32>} : memref<80xi32, #tpu.memory_space<vmem>>, vector<16xi32>,
          %add3A_158 = arith.constant 64 : i32
          %add3A_159 = arith.addi %mul3A_83, %add3A_158 : i32
          %get3A_160 = arith.index_cast %add3A_159 : i32 to index
          %get3A_161 = tpu.vector_load %arg8[%get3A_160] {strides = array<i32>} : memref<2000xi32, #tpu.memory_space<vmem>>, vector<16xi32>,
          %add3A_162 = arith.constant 0 : i32
          %add3A_163 = vector.broadcast %add3A_162 : i32 to vector<16xi32>
          %add3A_164 = arith.addi %get3A_161, %add3A_163 : vector<16xi32>
          %swap3A_165 = arith.constant 64 : index
          %swap3A_166 = tpu.vector_load %arg10[%swap3A_165] {strides = array<i32>} : memref<80xi32, #tpu.memory_space<vmem>>, vector<16xi32>,
          %swap3A_167 = vector.shape_cast %swap3A_166 : vector<16xi32> to vector<16xi32>
          %swap3A_168 = vector.shape_cast %add3A_164 : vector<16xi32> to vector<16xi32>
          tpu.vector_store %arg10[%swap3A_165], %swap3A_168 {strides = array<i32>} : memref<80xi32, #tpu.memory_space<vmem>>, vector<16xi32>,
          %add3A_169 = arith.constant 64 : i32
          %add3A_170 = arith.addi %mul3A_83, %add3A_169 : i32
          %get3A_171 = arith.index_cast %add3A_170 : i32 to index
          %get3A_172 = tpu.vector_load %arg9[%get3A_171] {strides = array<i32>} : memref<2000xi32, #tpu.memory_space<vmem>>, vector<16xi32>,
          %swap3A_173 = arith.constant 64 : index
          %swap3A_174 = tpu.vector_load %arg11[%swap3A_173] {strides = array<i32>} : memref<80xi32, #tpu.memory_space<vmem>>, vector<16xi32>,
          %swap3A_175 = vector.shape_cast %swap3A_174 : vector<16xi32> to vector<16xi32>
          %swap3A_176 = vector.shape_cast %get3A_172 : vector<16xi32> to vector<16xi32>
          tpu.vector_store %arg11[%swap3A_173], %swap3A_176 {strides = array<i32>} : memref<80xi32, #tpu.memory_space<vmem>>, vector<16xi32>,
          %dma_start3A = arith.constant 0 : i32
          %dma_start3A_177 = arith.constant 0 : i32
          %dma_start3A_178 = tpu.memref_slice %arg2[%dma_start3A, %dma_start3A_177] : memref<20480x128xf32, #tpu.memory_space<hbm>> -> memref<20480x128xf32, #tpu.memory_space<hbm>>
          tpu.enqueue_indirect_dma source(%dma_start3A_178 : memref<20480x128xf32, #tpu.memory_space<hbm>>) target(%arg12 : memref<80x128xf32, #tpu.memory_space<vmem>>) offsets(%arg10 : memref<80xi32, #tpu.memory_space<vmem>>) semaphore(%arg14 : memref<!tpu.dma_semaphore, #tpu.memory_space<semaphore_mem>>)
          %dma_wait3A = arith.constant 0 : i32
          %dma_wait3A_179 = arith.constant 0 : i32
          %dma_wait3A_180 = tpu.memref_slice %arg2[%dma_wait3A, %dma_wait3A_179] : memref<20480x128xf32, #tpu.memory_space<hbm>> -> memref<20480x128xf32, #tpu.memory_space<hbm>>
          tpu.wait_indirect_dma semaphore(%arg14 : memref<!tpu.dma_semaphore, #tpu.memory_space<semaphore_mem>>) src(%dma_wait3A_180 : memref<20480x128xf32, #tpu.memory_space<hbm>>) dst(%arg12 : memref<80x128xf32, #tpu.memory_space<vmem>>)
          "tpu.region"() ({
            %run_scoped3A = tpu.sem_alloc : memref<!tpu.dma_semaphore, #tpu.memory_space<semaphore_mem>>
            %dma_start3A_182 = arith.constant 0 : i32
            %dma_start3A_183 = arith.constant 0 : i32
            %dma_start3A_184 = tpu.memref_slice %arg13[%dma_start3A_182, %dma_start3A_183] : memref<10240x128xf32, #tpu.memory_space<vmem_shared>> -> memref<10240x128xf32, #tpu.memory_space<vmem_shared>>
            tpu.enqueue_indirect_dma source(%arg12 : memref<80x128xf32, #tpu.memory_space<vmem>>) target(%dma_start3A_184 : memref<10240x128xf32, #tpu.memory_space<vmem_shared>>) offsets(%arg11 : memref<80xi32, #tpu.memory_space<vmem>>) semaphore(%run_scoped3A : memref<!tpu.dma_semaphore, #tpu.memory_space<semaphore_mem>>) {add = true}
            %dma_wait3A_185 = arith.constant 0 : i32
            %dma_wait3A_186 = arith.constant 0 : i32
            %dma_wait3A_187 = tpu.memref_slice %arg13[%dma_wait3A_185, %dma_wait3A_186] : memref<10240x128xf32, #tpu.memory_space<vmem_shared>> -> memref<10240x128xf32, #tpu.memory_space<vmem_shared>>
            tpu.wait_indirect_dma semaphore(%run_scoped3A : memref<!tpu.dma_semaphore, #tpu.memory_space<semaphore_mem>>) src(%arg12 : memref<80x128xf32, #tpu.memory_space<vmem>>) dst(%dma_wait3A_187 : memref<10240x128xf32, #tpu.memory_space<vmem_shared>>)
            tpu.yield
          }) : () -> ()
          %scan3A_181 = arith.constant 0 : i32
          scf.yield %scan3A_181 : i32
        }
        %scan3A_78 = arith.constant 25 : i32
        %scan3A_79 = arith.constant 0 : i32
        scf.yield %scan3A_79 : i32
      }
      %scan3A_63 = arith.constant 10 : i32
    } else {
    }
    %eq3A_39 = arith.constant 1 : i32
    %eq3A_40 = arith.cmpi eq, %arg0, %eq3A_39 : i32
    %convert_element_type3A_41 = arith.extui %eq3A_40 : i1 to i32
    %cond3A_42 = arith.constant 0 : i32
    %cond3A_43 = arith.cmpi ne, %convert_element_type3A_41, %cond3A_42 : i32
    scf.if %cond3A_43 {
      %mul3A_55 = arith.constant 20000 : i32
      %mul3A_56 = arith.muli %arg1, %mul3A_55 : i32
      %scan3A_57 = arith.constant 0 : i32
      %scan3A_58 = arith.constant 0 : i32
      %scan3A_59 = arith.constant 10 : i32
      %scan3A_60 = arith.addi %scan3A_58, %scan3A_59 : i32
      %scan3A_61 = arith.constant 1 : i32
      %scan3A_62 = scf.for %scan3A_64 = %scan3A_58 to %scan3A_60 step %scan3A_61 iter_args(%scan3A_65 = %scan3A_57) -> (i32)  : i32 {
        %mul3A_66 = arith.constant 2000 : i32
        %mul3A_67 = arith.muli %scan3A_64, %mul3A_66 : i32
        %add3A_68 = arith.addi %mul3A_56, %mul3A_67 : i32
        "tpu.region"() ({
          %run_scoped3A = tpu.sem_alloc : memref<!tpu.dma_semaphore, #tpu.memory_space<semaphore_mem>>
          %dma_start3A = tpu.memref_slice %arg5[%add3A_68] : memref<320000xi32, #tpu.memory_space<hbm>> -> memref<2000xi32, #tpu.memory_space<hbm>>
          %dma_start3A_80 = tpu.memref_slice %arg5[%add3A_68] : memref<320000xi32, #tpu.memory_space<hbm>> -> memref<2000xi32, #tpu.memory_space<hbm>>
          tpu.enqueue_dma source(%dma_start3A_80 : memref<2000xi32, #tpu.memory_space<hbm>>) target(%arg8 : memref<2000xi32, #tpu.memory_space<vmem>>) target_semaphore(%run_scoped3A : memref<!tpu.dma_semaphore, #tpu.memory_space<semaphore_mem>>)
          %dma_wait3A = tpu.memref_slice %arg5[%add3A_68] : memref<320000xi32, #tpu.memory_space<hbm>> -> memref<2000xi32, #tpu.memory_space<hbm>>
          %dma_wait3A_81 = tpu.memref_slice %arg5[%add3A_68] : memref<320000xi32, #tpu.memory_space<hbm>> -> memref<2000xi32, #tpu.memory_space<hbm>>
          tpu.wait_dma2 semaphore(%run_scoped3A : memref<!tpu.dma_semaphore, #tpu.memory_space<semaphore_mem>>) src(%dma_wait3A_81 : memref<2000xi32, #tpu.memory_space<hbm>>) dst(%arg8 : memref<2000xi32, #tpu.memory_space<vmem>>)
          tpu.yield
        }) : () -> ()
        %mul3A_69 = arith.constant 2000 : i32
        %mul3A_70 = arith.muli %scan3A_64, %mul3A_69 : i32
        %add3A_71 = arith.addi %mul3A_56, %mul3A_70 : i32
        "tpu.region"() ({
          %run_scoped3A = tpu.sem_alloc : memref<!tpu.dma_semaphore, #tpu.memory_space<semaphore_mem>>
          %dma_start3A = tpu.memref_slice %arg6[%add3A_71] : memref<320000xi32, #tpu.memory_space<hbm>> -> memref<2000xi32, #tpu.memory_space<hbm>>
          %dma_start3A_80 = tpu.memref_slice %arg6[%add3A_71] : memref<320000xi32, #tpu.memory_space<hbm>> -> memref<2000xi32, #tpu.memory_space<hbm>>
          tpu.enqueue_dma source(%dma_start3A_80 : memref<2000xi32, #tpu.memory_space<hbm>>) target(%arg9 : memref<2000xi32, #tpu.memory_space<vmem>>) target_semaphore(%run_scoped3A : memref<!tpu.dma_semaphore, #tpu.memory_space<semaphore_mem>>)
          %dma_wait3A = tpu.memref_slice %arg6[%add3A_71] : memref<320000xi32, #tpu.memory_space<hbm>> -> memref<2000xi32, #tpu.memory_space<hbm>>
          %dma_wait3A_81 = tpu.memref_slice %arg6[%add3A_71] : memref<320000xi32, #tpu.memory_space<hbm>> -> memref<2000xi32, #tpu.memory_space<hbm>>
          tpu.wait_dma2 semaphore(%run_scoped3A : memref<!tpu.dma_semaphore, #tpu.memory_space<semaphore_mem>>) src(%dma_wait3A_81 : memref<2000xi32, #tpu.memory_space<hbm>>) dst(%arg9 : memref<2000xi32, #tpu.memory_space<vmem>>)
          tpu.yield
        }) : () -> ()
        %scan3A_72 = arith.constant 0 : i32
        %scan3A_73 = arith.constant 0 : i32
        %scan3A_74 = arith.constant 25 : i32
        %scan3A_75 = arith.addi %scan3A_73, %scan3A_74 : i32
        %scan3A_76 = arith.constant 1 : i32
        %scan3A_77 = scf.for %scan3A_80 = %scan3A_73 to %scan3A_75 step %scan3A_76 iter_args(%scan3A_81 = %scan3A_72) -> (i32)  : i32 {
          %mul3A_82 = arith.constant 80 : i32
          %mul3A_83 = arith.muli %scan3A_80, %mul3A_82 : i32
          %add3A_84 = arith.constant 0 : i32
          %add3A_85 = arith.addi %mul3A_83, %add3A_84 : i32
          %get3A = arith.index_cast %add3A_85 : i32 to index
          %get3A_86 = tpu.vector_load %arg8[%get3A] {strides = array<i32>} : memref<2000xi32, #tpu.memory_space<vmem>>, vector<16xi32>,
          %add3A_87 = arith.constant 10240 : i32
          %add3A_88 = vector.broadcast %add3A_87 : i32 to vector<16xi32>
          %add3A_89 = arith.addi %get3A_86, %add3A_88 : vector<16xi32>
          %swap3A = arith.constant 0 : index
          %swap3A_90 = tpu.vector_load %arg10[%swap3A] {strides = array<i32>} : memref<80xi32, #tpu.memory_space<vmem>>, vector<16xi32>,
          %swap3A_91 = vector.shape_cast %swap3A_90 : vector<16xi32> to vector<16xi32>
          %swap3A_92 = vector.shape_cast %add3A_89 : vector<16xi32> to vector<16xi32>
          tpu.vector_store %arg10[%swap3A], %swap3A_92 {strides = array<i32>} : memref<80xi32, #tpu.memory_space<vmem>>, vector<16xi32>,
          %add3A_93 = arith.constant 0 : i32
          %add3A_94 = arith.addi %mul3A_83, %add3A_93 : i32
          %get3A_95 = arith.index_cast %add3A_94 : i32 to index
          %get3A_96 = tpu.vector_load %arg9[%get3A_95] {strides = array<i32>} : memref<2000xi32, #tpu.memory_space<vmem>>, vector<16xi32>,
          %swap3A_97 = arith.constant 0 : index
          %swap3A_98 = tpu.vector_load %arg11[%swap3A_97] {strides = array<i32>} : memref<80xi32, #tpu.memory_space<vmem>>, vector<16xi32>,
          %swap3A_99 = vector.shape_cast %swap3A_98 : vector<16xi32> to vector<16xi32>
          %swap3A_100 = vector.shape_cast %get3A_96 : vector<16xi32> to vector<16xi32>
          tpu.vector_store %arg11[%swap3A_97], %swap3A_100 {strides = array<i32>} : memref<80xi32, #tpu.memory_space<vmem>>, vector<16xi32>,
          %add3A_101 = arith.constant 16 : i32
          %add3A_102 = arith.addi %mul3A_83, %add3A_101 : i32
          %get3A_103 = arith.index_cast %add3A_102 : i32 to index
          %get3A_104 = tpu.vector_load %arg8[%get3A_103] {strides = array<i32>} : memref<2000xi32, #tpu.memory_space<vmem>>, vector<16xi32>,
          %add3A_105 = arith.constant 10240 : i32
          %add3A_106 = vector.broadcast %add3A_105 : i32 to vector<16xi32>
          %add3A_107 = arith.addi %get3A_104, %add3A_106 : vector<16xi32>
          %swap3A_108 = arith.constant 16 : index
          %swap3A_109 = tpu.vector_load %arg10[%swap3A_108] {strides = array<i32>} : memref<80xi32, #tpu.memory_space<vmem>>, vector<16xi32>,
          %swap3A_110 = vector.shape_cast %swap3A_109 : vector<16xi32> to vector<16xi32>
          %swap3A_111 = vector.shape_cast %add3A_107 : vector<16xi32> to vector<16xi32>
          tpu.vector_store %arg10[%swap3A_108], %swap3A_111 {strides = array<i32>} : memref<80xi32, #tpu.memory_space<vmem>>, vector<16xi32>,
          %add3A_112 = arith.constant 16 : i32
          %add3A_113 = arith.addi %mul3A_83, %add3A_112 : i32
          %get3A_114 = arith.index_cast %add3A_113 : i32 to index
          %get3A_115 = tpu.vector_load %arg9[%get3A_114] {strides = array<i32>} : memref<2000xi32, #tpu.memory_space<vmem>>, vector<16xi32>,
          %swap3A_116 = arith.constant 16 : index
          %swap3A_117 = tpu.vector_load %arg11[%swap3A_116] {strides = array<i32>} : memref<80xi32, #tpu.memory_space<vmem>>, vector<16xi32>,
          %swap3A_118 = vector.shape_cast %swap3A_117 : vector<16xi32> to vector<16xi32>
          %swap3A_119 = vector.shape_cast %get3A_115 : vector<16xi32> to vector<16xi32>
          tpu.vector_store %arg11[%swap3A_116], %swap3A_119 {strides = array<i32>} : memref<80xi32, #tpu.memory_space<vmem>>, vector<16xi32>,
          %add3A_120 = arith.constant 32 : i32
          %add3A_121 = arith.addi %mul3A_83, %add3A_120 : i32
          %get3A_122 = arith.index_cast %add3A_121 : i32 to index
          %get3A_123 = tpu.vector_load %arg8[%get3A_122] {strides = array<i32>} : memref<2000xi32, #tpu.memory_space<vmem>>, vector<16xi32>,
          %add3A_124 = arith.constant 10240 : i32
          %add3A_125 = vector.broadcast %add3A_124 : i32 to vector<16xi32>
          %add3A_126 = arith.addi %get3A_123, %add3A_125 : vector<16xi32>
          %swap3A_127 = arith.constant 32 : index
          %swap3A_128 = tpu.vector_load %arg10[%swap3A_127] {strides = array<i32>} : memref<80xi32, #tpu.memory_space<vmem>>, vector<16xi32>,
          %swap3A_129 = vector.shape_cast %swap3A_128 : vector<16xi32> to vector<16xi32>
          %swap3A_130 = vector.shape_cast %add3A_126 : vector<16xi32> to vector<16xi32>
          tpu.vector_store %arg10[%swap3A_127], %swap3A_130 {strides = array<i32>} : memref<80xi32, #tpu.memory_space<vmem>>, vector<16xi32>,
          %add3A_131 = arith.constant 32 : i32
          %add3A_132 = arith.addi %mul3A_83, %add3A_131 : i32
          %get3A_133 = arith.index_cast %add3A_132 : i32 to index
          %get3A_134 = tpu.vector_load %arg9[%get3A_133] {strides = array<i32>} : memref<2000xi32, #tpu.memory_space<vmem>>, vector<16xi32>,
          %swap3A_135 = arith.constant 32 : index
          %swap3A_136 = tpu.vector_load %arg11[%swap3A_135] {strides = array<i32>} : memref<80xi32, #tpu.memory_space<vmem>>, vector<16xi32>,
          %swap3A_137 = vector.shape_cast %swap3A_136 : vector<16xi32> to vector<16xi32>
          %swap3A_138 = vector.shape_cast %get3A_134 : vector<16xi32> to vector<16xi32>
          tpu.vector_store %arg11[%swap3A_135], %swap3A_138 {strides = array<i32>} : memref<80xi32, #tpu.memory_space<vmem>>, vector<16xi32>,
          %add3A_139 = arith.constant 48 : i32
          %add3A_140 = arith.addi %mul3A_83, %add3A_139 : i32
          %get3A_141 = arith.index_cast %add3A_140 : i32 to index
          %get3A_142 = tpu.vector_load %arg8[%get3A_141] {strides = array<i32>} : memref<2000xi32, #tpu.memory_space<vmem>>, vector<16xi32>,
          %add3A_143 = arith.constant 10240 : i32
          %add3A_144 = vector.broadcast %add3A_143 : i32 to vector<16xi32>
          %add3A_145 = arith.addi %get3A_142, %add3A_144 : vector<16xi32>
          %swap3A_146 = arith.constant 48 : index
          %swap3A_147 = tpu.vector_load %arg10[%swap3A_146] {strides = array<i32>} : memref<80xi32, #tpu.memory_space<vmem>>, vector<16xi32>,
          %swap3A_148 = vector.shape_cast %swap3A_147 : vector<16xi32> to vector<16xi32>
          %swap3A_149 = vector.shape_cast %add3A_145 : vector<16xi32> to vector<16xi32>
          tpu.vector_store %arg10[%swap3A_146], %swap3A_149 {strides = array<i32>} : memref<80xi32, #tpu.memory_space<vmem>>, vector<16xi32>,
          %add3A_150 = arith.constant 48 : i32
          %add3A_151 = arith.addi %mul3A_83, %add3A_150 : i32
          %get3A_152 = arith.index_cast %add3A_151 : i32 to index
          %get3A_153 = tpu.vector_load %arg9[%get3A_152] {strides = array<i32>} : memref<2000xi32, #tpu.memory_space<vmem>>, vector<16xi32>,
          %swap3A_154 = arith.constant 48 : index
          %swap3A_155 = tpu.vector_load %arg11[%swap3A_154] {strides = array<i32>} : memref<80xi32, #tpu.memory_space<vmem>>, vector<16xi32>,
          %swap3A_156 = vector.shape_cast %swap3A_155 : vector<16xi32> to vector<16xi32>
          %swap3A_157 = vector.shape_cast %get3A_153 : vector<16xi32> to vector<16xi32>
          tpu.vector_store %arg11[%swap3A_154], %swap3A_157 {strides = array<i32>} : memref<80xi32, #tpu.memory_space<vmem>>, vector<16xi32>,
          %add3A_158 = arith.constant 64 : i32
          %add3A_159 = arith.addi %mul3A_83, %add3A_158 : i32
          %get3A_160 = arith.index_cast %add3A_159 : i32 to index
          %get3A_161 = tpu.vector_load %arg8[%get3A_160] {strides = array<i32>} : memref<2000xi32, #tpu.memory_space<vmem>>, vector<16xi32>,
          %add3A_162 = arith.constant 10240 : i32
          %add3A_163 = vector.broadcast %add3A_162 : i32 to vector<16xi32>
          %add3A_164 = arith.addi %get3A_161, %add3A_163 : vector<16xi32>
          %swap3A_165 = arith.constant 64 : index
          %swap3A_166 = tpu.vector_load %arg10[%swap3A_165] {strides = array<i32>} : memref<80xi32, #tpu.memory_space<vmem>>, vector<16xi32>,
          %swap3A_167 = vector.shape_cast %swap3A_166 : vector<16xi32> to vector<16xi32>
          %swap3A_168 = vector.shape_cast %add3A_164 : vector<16xi32> to vector<16xi32>
          tpu.vector_store %arg10[%swap3A_165], %swap3A_168 {strides = array<i32>} : memref<80xi32, #tpu.memory_space<vmem>>, vector<16xi32>,
          %add3A_169 = arith.constant 64 : i32
          %add3A_170 = arith.addi %mul3A_83, %add3A_169 : i32
          %get3A_171 = arith.index_cast %add3A_170 : i32 to index
          %get3A_172 = tpu.vector_load %arg9[%get3A_171] {strides = array<i32>} : memref<2000xi32, #tpu.memory_space<vmem>>, vector<16xi32>,
          %swap3A_173 = arith.constant 64 : index
          %swap3A_174 = tpu.vector_load %arg11[%swap3A_173] {strides = array<i32>} : memref<80xi32, #tpu.memory_space<vmem>>, vector<16xi32>,
          %swap3A_175 = vector.shape_cast %swap3A_174 : vector<16xi32> to vector<16xi32>
          %swap3A_176 = vector.shape_cast %get3A_172 : vector<16xi32> to vector<16xi32>
          tpu.vector_store %arg11[%swap3A_173], %swap3A_176 {strides = array<i32>} : memref<80xi32, #tpu.memory_space<vmem>>, vector<16xi32>,
          %dma_start3A = arith.constant 0 : i32
          %dma_start3A_177 = arith.constant 0 : i32
          %dma_start3A_178 = tpu.memref_slice %arg2[%dma_start3A, %dma_start3A_177] : memref<20480x128xf32, #tpu.memory_space<hbm>> -> memref<20480x128xf32, #tpu.memory_space<hbm>>
          tpu.enqueue_indirect_dma source(%dma_start3A_178 : memref<20480x128xf32, #tpu.memory_space<hbm>>) target(%arg12 : memref<80x128xf32, #tpu.memory_space<vmem>>) offsets(%arg10 : memref<80xi32, #tpu.memory_space<vmem>>) semaphore(%arg14 : memref<!tpu.dma_semaphore, #tpu.memory_space<semaphore_mem>>)
          %dma_wait3A = arith.constant 0 : i32
          %dma_wait3A_179 = arith.constant 0 : i32
          %dma_wait3A_180 = tpu.memref_slice %arg2[%dma_wait3A, %dma_wait3A_179] : memref<20480x128xf32, #tpu.memory_space<hbm>> -> memref<20480x128xf32, #tpu.memory_space<hbm>>
          tpu.wait_indirect_dma semaphore(%arg14 : memref<!tpu.dma_semaphore, #tpu.memory_space<semaphore_mem>>) src(%dma_wait3A_180 : memref<20480x128xf32, #tpu.memory_space<hbm>>) dst(%arg12 : memref<80x128xf32, #tpu.memory_space<vmem>>)
          "tpu.region"() ({
            %run_scoped3A = tpu.sem_alloc : memref<!tpu.dma_semaphore, #tpu.memory_space<semaphore_mem>>
            %dma_start3A_182 = arith.constant 0 : i32
            %dma_start3A_183 = arith.constant 0 : i32
            %dma_start3A_184 = tpu.memref_slice %arg13[%dma_start3A_182, %dma_start3A_183] : memref<10240x128xf32, #tpu.memory_space<vmem_shared>> -> memref<10240x128xf32, #tpu.memory_space<vmem_shared>>
            tpu.enqueue_indirect_dma source(%arg12 : memref<80x128xf32, #tpu.memory_space<vmem>>) target(%dma_start3A_184 : memref<10240x128xf32, #tpu.memory_space<vmem_shared>>) offsets(%arg11 : memref<80xi32, #tpu.memory_space<vmem>>) semaphore(%run_scoped3A : memref<!tpu.dma_semaphore, #tpu.memory_space<semaphore_mem>>) {add = true}
            %dma_wait3A_185 = arith.constant 0 : i32
            %dma_wait3A_186 = arith.constant 0 : i32
            %dma_wait3A_187 = tpu.memref_slice %arg13[%dma_wait3A_185, %dma_wait3A_186] : memref<10240x128xf32, #tpu.memory_space<vmem_shared>> -> memref<10240x128xf32, #tpu.memory_space<vmem_shared>>
            tpu.wait_indirect_dma semaphore(%run_scoped3A : memref<!tpu.dma_semaphore, #tpu.memory_space<semaphore_mem>>) src(%arg12 : memref<80x128xf32, #tpu.memory_space<vmem>>) dst(%dma_wait3A_187 : memref<10240x128xf32, #tpu.memory_space<vmem_shared>>)
            tpu.yield
          }) : () -> ()
          %scan3A_181 = arith.constant 0 : i32
          scf.yield %scan3A_181 : i32
        }
        %scan3A_78 = arith.constant 25 : i32
        %scan3A_79 = arith.constant 0 : i32
        scf.yield %scan3A_79 : i32
      }
      %scan3A_63 = arith.constant 10 : i32
    } else {
    }
    %barrier3A_44 = arith.constant 0 : index
    tpu.barrier barrier_id(%barrier3A_44)
    %eq3A_45 = arith.constant 0 : i32
    %eq3A_46 = arith.cmpi eq, %arg0, %eq3A_45 : i32
    %convert_element_type3A_47 = arith.extui %eq3A_46 : i1 to i32
    %cond3A_48 = arith.constant 0 : i32
    %cond3A_49 = arith.cmpi ne, %convert_element_type3A_47, %cond3A_48 : i32
    scf.if %cond3A_49 {
      %mul3A_55 = arith.constant 640 : i32
      %mul3A_56 = arith.muli %arg1, %mul3A_55 : i32
      %mul3A_57 = arith.constant 640 : i32
      %mul3A_58 = arith.muli %arg1, %mul3A_57 : i32
      %run_scoped3A = arith.constant 0 : i32
      "tpu.region"() ({
        %run_scoped3A_59 = tpu.sem_alloc : memref<!tpu.dma_semaphore, #tpu.memory_space<semaphore_mem>>
        %dma_start3A = arith.constant 0 : i32
        %dma_start3A_60 = tpu.memref_slice %arg7[%run_scoped3A, %mul3A_58, %dma_start3A] : memref<2x10240x128xf32, #tpu.memory_space<hbm>> -> memref<1x640x128xf32, #tpu.memory_space<hbm>>
        %dma_start3A_61 = tpu.memref_squeeze %dma_start3A_60 : memref<1x640x128xf32, #tpu.memory_space<hbm>> -> memref<640x128xf32, #tpu.memory_space<hbm>>
        %dma_start3A_62 = arith.constant 0 : i32
        %dma_start3A_63 = tpu.memref_slice %arg13[%mul3A_56, %dma_start3A_62] : memref<10240x128xf32, #tpu.memory_space<vmem_shared>> -> memref<640x128xf32, #tpu.memory_space<vmem_shared>>
        tpu.enqueue_dma source(%dma_start3A_63 : memref<640x128xf32, #tpu.memory_space<vmem_shared>>) target(%dma_start3A_61 : memref<640x128xf32, #tpu.memory_space<hbm>>) target_semaphore(%run_scoped3A_59 : memref<!tpu.dma_semaphore, #tpu.memory_space<semaphore_mem>>)
        %dma_wait3A = arith.constant 0 : i32
        %dma_wait3A_64 = tpu.memref_slice %arg7[%run_scoped3A, %mul3A_58, %dma_wait3A] : memref<2x10240x128xf32, #tpu.memory_space<hbm>> -> memref<1x640x128xf32, #tpu.memory_space<hbm>>
        %dma_wait3A_65 = tpu.memref_squeeze %dma_wait3A_64 : memref<1x640x128xf32, #tpu.memory_space<hbm>> -> memref<640x128xf32, #tpu.memory_space<hbm>>
        %dma_wait3A_66 = arith.constant 0 : i32
        %dma_wait3A_67 = tpu.memref_slice %arg13[%mul3A_56, %dma_wait3A_66] : memref<10240x128xf32, #tpu.memory_space<vmem_shared>> -> memref<640x128xf32, #tpu.memory_space<vmem_shared>>
        tpu.wait_dma2 semaphore(%run_scoped3A_59 : memref<!tpu.dma_semaphore, #tpu.memory_space<semaphore_mem>>) src(%dma_wait3A_67 : memref<640x128xf32, #tpu.memory_space<vmem_shared>>) dst(%dma_wait3A_65 : memref<640x128xf32, #tpu.memory_space<hbm>>)
        tpu.yield
      }) : () -> ()
    } else {
    }
    %eq3A_50 = arith.constant 1 : i32
    %eq3A_51 = arith.cmpi eq, %arg0, %eq3A_50 : i32
    %convert_element_type3A_52 = arith.extui %eq3A_51 : i1 to i32
    %cond3A_53 = arith.constant 0 : i32
    %cond3A_54 = arith.cmpi ne, %convert_element_type3A_52, %cond3A_53 : i32
    scf.if %cond3A_54 {
      %mul3A_55 = arith.constant 640 : i32
      %mul3A_56 = arith.muli %arg1, %mul3A_55 : i32
      %mul3A_57 = arith.constant 640 : i32
      %mul3A_58 = arith.muli %arg1, %mul3A_57 : i32
      %run_scoped3A = arith.constant 1 : i32
      "tpu.region"() ({
        %run_scoped3A_59 = tpu.sem_alloc : memref<!tpu.dma_semaphore, #tpu.memory_space<semaphore_mem>>
        %dma_start3A = arith.constant 0 : i32
        %dma_start3A_60 = tpu.memref_slice %arg7[%run_scoped3A, %mul3A_58, %dma_start3A] : memref<2x10240x128xf32, #tpu.memory_space<hbm>> -> memref<1x640x128xf32, #tpu.memory_space<hbm>>
        %dma_start3A_61 = tpu.memref_squeeze %dma_start3A_60 : memref<1x640x128xf32, #tpu.memory_space<hbm>> -> memref<640x128xf32, #tpu.memory_space<hbm>>
        %dma_start3A_62 = arith.constant 0 : i32
        %dma_start3A_63 = tpu.memref_slice %arg13[%mul3A_56, %dma_start3A_62] : memref<10240x128xf32, #tpu.memory_space<vmem_shared>> -> memref<640x128xf32, #tpu.memory_space<vmem_shared>>
        tpu.enqueue_dma source(%dma_start3A_63 : memref<640x128xf32, #tpu.memory_space<vmem_shared>>) target(%dma_start3A_61 : memref<640x128xf32, #tpu.memory_space<hbm>>) target_semaphore(%run_scoped3A_59 : memref<!tpu.dma_semaphore, #tpu.memory_space<semaphore_mem>>)
        %dma_wait3A = arith.constant 0 : i32
        %dma_wait3A_64 = tpu.memref_slice %arg7[%run_scoped3A, %mul3A_58, %dma_wait3A] : memref<2x10240x128xf32, #tpu.memory_space<hbm>> -> memref<1x640x128xf32, #tpu.memory_space<hbm>>
        %dma_wait3A_65 = tpu.memref_squeeze %dma_wait3A_64 : memref<1x640x128xf32, #tpu.memory_space<hbm>> -> memref<640x128xf32, #tpu.memory_space<hbm>>
        %dma_wait3A_66 = arith.constant 0 : i32
        %dma_wait3A_67 = tpu.memref_slice %arg13[%mul3A_56, %dma_wait3A_66] : memref<10240x128xf32, #tpu.memory_space<vmem_shared>> -> memref<640x128xf32, #tpu.memory_space<vmem_shared>>
        tpu.wait_dma2 semaphore(%run_scoped3A_59 : memref<!tpu.dma_semaphore, #tpu.memory_space<semaphore_mem>>) src(%dma_wait3A_67 : memref<640x128xf32, #tpu.memory_space<vmem_shared>>) dst(%dma_wait3A_65 : memref<640x128xf32, #tpu.memory_space<hbm>>)
        tpu.yield
      }) : () -> ()
    } else {
    }
    return
  }
}

#map = affine_map<(d0, d1) -> (0, 0)>
#map1 = affine_map<(d0, d1) -> (0)>
#map2 = affine_map<(d0, d1) -> (0, 0, 0)>
module attributes {stable_mosaic.version = 14 : i64} {
  func.func @_mp_body(%arg0: i32, %arg1: i32, %arg2: memref<20480x128xf32, #tpu.memory_space<hbm>>, %arg3: memref<320000xi32, #tpu.memory_space<hbm>>, %arg4: memref<320000xi32, #tpu.memory_space<hbm>>, %arg5: memref<320000xi32, #tpu.memory_space<hbm>>, %arg6: memref<320000xi32, #tpu.memory_space<hbm>>, %arg7: memref<2x10240x128xf32, #tpu.memory_space<hbm>>, %arg8: memref<2000xi32, #tpu.memory_space<vmem>>, %arg9: memref<2000xi32, #tpu.memory_space<vmem>>, %arg10: memref<80xi32, #tpu.memory_space<vmem>>, %arg11: memref<80xi32, #tpu.memory_space<vmem>>, %arg12: memref<80x128xf32, #tpu.memory_space<vmem>>, %arg13: memref<10240x128xf32, #tpu.memory_space<vmem_shared>>, %arg14: memref<!tpu.dma_semaphore, #tpu.memory_space<semaphore_mem>>) attributes {dimension_semantics = [#tpu.dimension_semantics<core_parallel>, #tpu.dimension_semantics<subcore_parallel>], iteration_bounds = array<i64: 2, 16>, scalar_prefetch = 0 : i64, scratch_operands = 7 : i64, tpu.core_type = #tpu.core_type<sc_vector_subcore>, window_params = [{transform_indices = #map}, {transform_indices = #map1}, {transform_indices = #map1}, {transform_indices = #map1}, {transform_indices = #map1}, {transform_indices = #map2}]} {
    %broadcast_in_dim3A = arith.constant 0.000000e+00 : f32
    %broadcast_in_dim3A_0 = vector.broadcast %broadcast_in_dim3A : f32 to vector<16xf32>
    %scan3A = arith.constant 0 : i32
    %scan3A_1 = arith.constant 0 : i32
    %scan3A_2 = arith.constant 80 : i32
    %scan3A_3 = arith.addi %scan3A_1, %scan3A_2 : i32
    %scan3A_4 = arith.constant 1 : i32
    %scan3A_5 = scf.for %scan3A_55 = %scan3A_1 to %scan3A_3 step %scan3A_4 iter_args(%scan3A_56 = %scan3A) -> (i32)  : i32 {
      %swap3A = arith.index_cast %scan3A_55 : i32 to index
      %swap3A_57 = arith.constant 0 : index
      %swap3A_58 = tpu.vector_load %arg12[%swap3A, %swap3A_57] {strides = array<i32>} : memref<80x128xf32, #tpu.memory_space<vmem>>, vector<1x16xf32>,
      %swap3A_59 = vector.shape_cast %swap3A_58 : vector<1x16xf32> to vector<16xf32>
      %swap3A_60 = vector.shape_cast %broadcast_in_dim3A_0 : vector<16xf32> to vector<1x16xf32>
      tpu.vector_store %arg12[%swap3A, %swap3A_57], %swap3A_60 {strides = array<i32>} : memref<80x128xf32, #tpu.memory_space<vmem>>, vector<1x16xf32>,
      %swap3A_61 = arith.index_cast %scan3A_55 : i32 to index
      %swap3A_62 = arith.constant 16 : index
      %swap3A_63 = tpu.vector_load %arg12[%swap3A_61, %swap3A_62] {strides = array<i32>} : memref<80x128xf32, #tpu.memory_space<vmem>>, vector<1x16xf32>,
      %swap3A_64 = vector.shape_cast %swap3A_63 : vector<1x16xf32> to vector<16xf32>
      %swap3A_65 = vector.shape_cast %broadcast_in_dim3A_0 : vector<16xf32> to vector<1x16xf32>
      tpu.vector_store %arg12[%swap3A_61, %swap3A_62], %swap3A_65 {strides = array<i32>} : memref<80x128xf32, #tpu.memory_space<vmem>>, vector<1x16xf32>,
      %swap3A_66 = arith.index_cast %scan3A_55 : i32 to index
      %swap3A_67 = arith.constant 32 : index
      %swap3A_68 = tpu.vector_load %arg12[%swap3A_66, %swap3A_67] {strides = array<i32>} : memref<80x128xf32, #tpu.memory_space<vmem>>, vector<1x16xf32>,
      %swap3A_69 = vector.shape_cast %swap3A_68 : vector<1x16xf32> to vector<16xf32>
      %swap3A_70 = vector.shape_cast %broadcast_in_dim3A_0 : vector<16xf32> to vector<1x16xf32>
      tpu.vector_store %arg12[%swap3A_66, %swap3A_67], %swap3A_70 {strides = array<i32>} : memref<80x128xf32, #tpu.memory_space<vmem>>, vector<1x16xf32>,
      %swap3A_71 = arith.index_cast %scan3A_55 : i32 to index
      %swap3A_72 = arith.constant 48 : index
      %swap3A_73 = tpu.vector_load %arg12[%swap3A_71, %swap3A_72] {strides = array<i32>} : memref<80x128xf32, #tpu.memory_space<vmem>>, vector<1x16xf32>,
      %swap3A_74 = vector.shape_cast %swap3A_73 : vector<1x16xf32> to vector<16xf32>
      %swap3A_75 = vector.shape_cast %broadcast_in_dim3A_0 : vector<16xf32> to vector<1x16xf32>
      tpu.vector_store %arg12[%swap3A_71, %swap3A_72], %swap3A_75 {strides = array<i32>} : memref<80x128xf32, #tpu.memory_space<vmem>>, vector<1x16xf32>,
      %swap3A_76 = arith.index_cast %scan3A_55 : i32 to index
      %swap3A_77 = arith.constant 64 : index
      %swap3A_78 = tpu.vector_load %arg12[%swap3A_76, %swap3A_77] {strides = array<i32>} : memref<80x128xf32, #tpu.memory_space<vmem>>, vector<1x16xf32>,
      %swap3A_79 = vector.shape_cast %swap3A_78 : vector<1x16xf32> to vector<16xf32>
      %swap3A_80 = vector.shape_cast %broadcast_in_dim3A_0 : vector<16xf32> to vector<1x16xf32>
      tpu.vector_store %arg12[%swap3A_76, %swap3A_77], %swap3A_80 {strides = array<i32>} : memref<80x128xf32, #tpu.memory_space<vmem>>, vector<1x16xf32>,
      %swap3A_81 = arith.index_cast %scan3A_55 : i32 to index
      %swap3A_82 = arith.constant 80 : index
      %swap3A_83 = tpu.vector_load %arg12[%swap3A_81, %swap3A_82] {strides = array<i32>} : memref<80x128xf32, #tpu.memory_space<vmem>>, vector<1x16xf32>,
      %swap3A_84 = vector.shape_cast %swap3A_83 : vector<1x16xf32> to vector<16xf32>
      %swap3A_85 = vector.shape_cast %broadcast_in_dim3A_0 : vector<16xf32> to vector<1x16xf32>
      tpu.vector_store %arg12[%swap3A_81, %swap3A_82], %swap3A_85 {strides = array<i32>} : memref<80x128xf32, #tpu.memory_space<vmem>>, vector<1x16xf32>,
      %swap3A_86 = arith.index_cast %scan3A_55 : i32 to index
      %swap3A_87 = arith.constant 96 : index
      %swap3A_88 = tpu.vector_load %arg12[%swap3A_86, %swap3A_87] {strides = array<i32>} : memref<80x128xf32, #tpu.memory_space<vmem>>, vector<1x16xf32>,
      %swap3A_89 = vector.shape_cast %swap3A_88 : vector<1x16xf32> to vector<16xf32>
      %swap3A_90 = vector.shape_cast %broadcast_in_dim3A_0 : vector<16xf32> to vector<1x16xf32>
      tpu.vector_store %arg12[%swap3A_86, %swap3A_87], %swap3A_90 {strides = array<i32>} : memref<80x128xf32, #tpu.memory_space<vmem>>, vector<1x16xf32>,
      %swap3A_91 = arith.index_cast %scan3A_55 : i32 to index
      %swap3A_92 = arith.constant 112 : index
      %swap3A_93 = tpu.vector_load %arg12[%swap3A_91, %swap3A_92] {strides = array<i32>} : memref<80x128xf32, #tpu.memory_space<vmem>>, vector<1x16xf32>,
      %swap3A_94 = vector.shape_cast %swap3A_93 : vector<1x16xf32> to vector<16xf32>
      %swap3A_95 = vector.shape_cast %broadcast_in_dim3A_0 : vector<16xf32> to vector<1x16xf32>
      tpu.vector_store %arg12[%swap3A_91, %swap3A_92], %swap3A_95 {strides = array<i32>} : memref<80x128xf32, #tpu.memory_space<vmem>>, vector<1x16xf32>,
      %scan3A_96 = arith.constant 0 : i32
      scf.yield %scan3A_96 : i32
    }
    %scan3A_6 = arith.constant 80 : i32
    %mul3A = arith.constant 640 : i32
    %mul3A_7 = arith.muli %arg1, %mul3A : i32
    %add3A = arith.constant 0 : i32
    %add3A_8 = arith.addi %mul3A_7, %add3A : i32
    "tpu.region"() ({
      %run_scoped3A = tpu.sem_alloc : memref<!tpu.dma_semaphore, #tpu.memory_space<semaphore_mem>>
      %dma_start3A = arith.constant 0 : i32
      %dma_start3A_55 = tpu.memref_slice %arg13[%add3A_8, %dma_start3A] : memref<10240x128xf32, #tpu.memory_space<vmem_shared>> -> memref<80x128xf32, #tpu.memory_space<vmem_shared>>
      %dma_start3A_56 = arith.constant 0 : i32
      %dma_start3A_57 = tpu.memref_slice %arg13[%add3A_8, %dma_start3A_56] : memref<10240x128xf32, #tpu.memory_space<vmem_shared>> -> memref<80x128xf32, #tpu.memory_space<vmem_shared>>
      tpu.enqueue_dma source(%arg12 : memref<80x128xf32, #tpu.memory_space<vmem>>) target(%dma_start3A_57 : memref<80x128xf32, #tpu.memory_space<vmem_shared>>) target_semaphore(%run_scoped3A : memref<!tpu.dma_semaphore, #tpu.memory_space<semaphore_mem>>)
      %dma_wait3A = arith.constant 0 : i32
      %dma_wait3A_58 = tpu.memref_slice %arg13[%add3A_8, %dma_wait3A] : memref<10240x128xf32, #tpu.memory_space<vmem_shared>> -> memref<80x128xf32, #tpu.memory_space<vmem_shared>>
      %dma_wait3A_59 = arith.constant 0 : i32
      %dma_wait3A_60 = tpu.memref_slice %arg13[%add3A_8, %dma_wait3A_59] : memref<10240x128xf32, #tpu.memory_space<vmem_shared>> -> memref<80x128xf32, #tpu.memory_space<vmem_shared>>
      tpu.wait_dma2 semaphore(%run_scoped3A : memref<!tpu.dma_semaphore, #tpu.memory_space<semaphore_mem>>) src(%arg12 : memref<80x128xf32, #tpu.memory_space<vmem>>) dst(%dma_wait3A_60 : memref<80x128xf32, #tpu.memory_space<vmem_shared>>)
      tpu.yield
    }) : () -> ()
    %mul3A_9 = arith.constant 640 : i32
    %mul3A_10 = arith.muli %arg1, %mul3A_9 : i32
    %add3A_11 = arith.constant 80 : i32
    %add3A_12 = arith.addi %mul3A_10, %add3A_11 : i32
    "tpu.region"() ({
      %run_scoped3A = tpu.sem_alloc : memref<!tpu.dma_semaphore, #tpu.memory_space<semaphore_mem>>
      %dma_start3A = arith.constant 0 : i32
      %dma_start3A_55 = tpu.memref_slice %arg13[%add3A_12, %dma_start3A] : memref<10240x128xf32, #tpu.memory_space<vmem_shared>> -> memref<80x128xf32, #tpu.memory_space<vmem_shared>>
      %dma_start3A_56 = arith.constant 0 : i32
      %dma_start3A_57 = tpu.memref_slice %arg13[%add3A_12, %dma_start3A_56] : memref<10240x128xf32, #tpu.memory_space<vmem_shared>> -> memref<80x128xf32, #tpu.memory_space<vmem_shared>>
      tpu.enqueue_dma source(%arg12 : memref<80x128xf32, #tpu.memory_space<vmem>>) target(%dma_start3A_57 : memref<80x128xf32, #tpu.memory_space<vmem_shared>>) target_semaphore(%run_scoped3A : memref<!tpu.dma_semaphore, #tpu.memory_space<semaphore_mem>>)
      %dma_wait3A = arith.constant 0 : i32
      %dma_wait3A_58 = tpu.memref_slice %arg13[%add3A_12, %dma_wait3A] : memref<10240x128xf32, #tpu.memory_space<vmem_shared>> -> memref<80x128xf32, #tpu.memory_space<vmem_shared>>
      %dma_wait3A_59 = arith.constant 0 : i32
      %dma_wait3A_60 = tpu.memref_slice %arg13[%add3A_12, %dma_wait3A_59] : memref<10240x128xf32, #tpu.memory_space<vmem_shared>> -> memref<80x128xf32, #tpu.memory_space<vmem_shared>>
      tpu.wait_dma2 semaphore(%run_scoped3A : memref<!tpu.dma_semaphore, #tpu.memory_space<semaphore_mem>>) src(%arg12 : memref<80x128xf32, #tpu.memory_space<vmem>>) dst(%dma_wait3A_60 : memref<80x128xf32, #tpu.memory_space<vmem_shared>>)
      tpu.yield
    }) : () -> ()
    %mul3A_13 = arith.constant 640 : i32
    %mul3A_14 = arith.muli %arg1, %mul3A_13 : i32
    %add3A_15 = arith.constant 160 : i32
    %add3A_16 = arith.addi %mul3A_14, %add3A_15 : i32
    "tpu.region"() ({
      %run_scoped3A = tpu.sem_alloc : memref<!tpu.dma_semaphore, #tpu.memory_space<semaphore_mem>>
      %dma_start3A = arith.constant 0 : i32
      %dma_start3A_55 = tpu.memref_slice %arg13[%add3A_16, %dma_start3A] : memref<10240x128xf32, #tpu.memory_space<vmem_shared>> -> memref<80x128xf32, #tpu.memory_space<vmem_shared>>
      %dma_start3A_56 = arith.constant 0 : i32
      %dma_start3A_57 = tpu.memref_slice %arg13[%add3A_16, %dma_start3A_56] : memref<10240x128xf32, #tpu.memory_space<vmem_shared>> -> memref<80x128xf32, #tpu.memory_space<vmem_shared>>
      tpu.enqueue_dma source(%arg12 : memref<80x128xf32, #tpu.memory_space<vmem>>) target(%dma_start3A_57 : memref<80x128xf32, #tpu.memory_space<vmem_shared>>) target_semaphore(%run_scoped3A : memref<!tpu.dma_semaphore, #tpu.memory_space<semaphore_mem>>)
      %dma_wait3A = arith.constant 0 : i32
      %dma_wait3A_58 = tpu.memref_slice %arg13[%add3A_16, %dma_wait3A] : memref<10240x128xf32, #tpu.memory_space<vmem_shared>> -> memref<80x128xf32, #tpu.memory_space<vmem_shared>>
      %dma_wait3A_59 = arith.constant 0 : i32
      %dma_wait3A_60 = tpu.memref_slice %arg13[%add3A_16, %dma_wait3A_59] : memref<10240x128xf32, #tpu.memory_space<vmem_shared>> -> memref<80x128xf32, #tpu.memory_space<vmem_shared>>
      tpu.wait_dma2 semaphore(%run_scoped3A : memref<!tpu.dma_semaphore, #tpu.memory_space<semaphore_mem>>) src(%arg12 : memref<80x128xf32, #tpu.memory_space<vmem>>) dst(%dma_wait3A_60 : memref<80x128xf32, #tpu.memory_space<vmem_shared>>)
      tpu.yield
    }) : () -> ()
    %mul3A_17 = arith.constant 640 : i32
    %mul3A_18 = arith.muli %arg1, %mul3A_17 : i32
    %add3A_19 = arith.constant 240 : i32
    %add3A_20 = arith.addi %mul3A_18, %add3A_19 : i32
    "tpu.region"() ({
      %run_scoped3A = tpu.sem_alloc : memref<!tpu.dma_semaphore, #tpu.memory_space<semaphore_mem>>
      %dma_start3A = arith.constant 0 : i32
      %dma_start3A_55 = tpu.memref_slice %arg13[%add3A_20, %dma_start3A] : memref<10240x128xf32, #tpu.memory_space<vmem_shared>> -> memref<80x128xf32, #tpu.memory_space<vmem_shared>>
      %dma_start3A_56 = arith.constant 0 : i32
      %dma_start3A_57 = tpu.memref_slice %arg13[%add3A_20, %dma_start3A_56] : memref<10240x128xf32, #tpu.memory_space<vmem_shared>> -> memref<80x128xf32, #tpu.memory_space<vmem_shared>>
      tpu.enqueue_dma source(%arg12 : memref<80x128xf32, #tpu.memory_space<vmem>>) target(%dma_start3A_57 : memref<80x128xf32, #tpu.memory_space<vmem_shared>>) target_semaphore(%run_scoped3A : memref<!tpu.dma_semaphore, #tpu.memory_space<semaphore_mem>>)
      %dma_wait3A = arith.constant 0 : i32
      %dma_wait3A_58 = tpu.memref_slice %arg13[%add3A_20, %dma_wait3A] : memref<10240x128xf32, #tpu.memory_space<vmem_shared>> -> memref<80x128xf32, #tpu.memory_space<vmem_shared>>
      %dma_wait3A_59 = arith.constant 0 : i32
      %dma_wait3A_60 = tpu.memref_slice %arg13[%add3A_20, %dma_wait3A_59] : memref<10240x128xf32, #tpu.memory_space<vmem_shared>> -> memref<80x128xf32, #tpu.memory_space<vmem_shared>>
      tpu.wait_dma2 semaphore(%run_scoped3A : memref<!tpu.dma_semaphore, #tpu.memory_space<semaphore_mem>>) src(%arg12 : memref<80x128xf32, #tpu.memory_space<vmem>>) dst(%dma_wait3A_60 : memref<80x128xf32, #tpu.memory_space<vmem_shared>>)
      tpu.yield
    }) : () -> ()
    %mul3A_21 = arith.constant 640 : i32
    %mul3A_22 = arith.muli %arg1, %mul3A_21 : i32
    %add3A_23 = arith.constant 320 : i32
    %add3A_24 = arith.addi %mul3A_22, %add3A_23 : i32
    "tpu.region"() ({
      %run_scoped3A = tpu.sem_alloc : memref<!tpu.dma_semaphore, #tpu.memory_space<semaphore_mem>>
      %dma_start3A = arith.constant 0 : i32
      %dma_start3A_55 = tpu.memref_slice %arg13[%add3A_24, %dma_start3A] : memref<10240x128xf32, #tpu.memory_space<vmem_shared>> -> memref<80x128xf32, #tpu.memory_space<vmem_shared>>
      %dma_start3A_56 = arith.constant 0 : i32
      %dma_start3A_57 = tpu.memref_slice %arg13[%add3A_24, %dma_start3A_56] : memref<10240x128xf32, #tpu.memory_space<vmem_shared>> -> memref<80x128xf32, #tpu.memory_space<vmem_shared>>
      tpu.enqueue_dma source(%arg12 : memref<80x128xf32, #tpu.memory_space<vmem>>) target(%dma_start3A_57 : memref<80x128xf32, #tpu.memory_space<vmem_shared>>) target_semaphore(%run_scoped3A : memref<!tpu.dma_semaphore, #tpu.memory_space<semaphore_mem>>)
      %dma_wait3A = arith.constant 0 : i32
      %dma_wait3A_58 = tpu.memref_slice %arg13[%add3A_24, %dma_wait3A] : memref<10240x128xf32, #tpu.memory_space<vmem_shared>> -> memref<80x128xf32, #tpu.memory_space<vmem_shared>>
      %dma_wait3A_59 = arith.constant 0 : i32
      %dma_wait3A_60 = tpu.memref_slice %arg13[%add3A_24, %dma_wait3A_59] : memref<10240x128xf32, #tpu.memory_space<vmem_shared>> -> memref<80x128xf32, #tpu.memory_space<vmem_shared>>
      tpu.wait_dma2 semaphore(%run_scoped3A : memref<!tpu.dma_semaphore, #tpu.memory_space<semaphore_mem>>) src(%arg12 : memref<80x128xf32, #tpu.memory_space<vmem>>) dst(%dma_wait3A_60 : memref<80x128xf32, #tpu.memory_space<vmem_shared>>)
      tpu.yield
    }) : () -> ()
    %mul3A_25 = arith.constant 640 : i32
    %mul3A_26 = arith.muli %arg1, %mul3A_25 : i32
    %add3A_27 = arith.constant 400 : i32
    %add3A_28 = arith.addi %mul3A_26, %add3A_27 : i32
    "tpu.region"() ({
      %run_scoped3A = tpu.sem_alloc : memref<!tpu.dma_semaphore, #tpu.memory_space<semaphore_mem>>
      %dma_start3A = arith.constant 0 : i32
      %dma_start3A_55 = tpu.memref_slice %arg13[%add3A_28, %dma_start3A] : memref<10240x128xf32, #tpu.memory_space<vmem_shared>> -> memref<80x128xf32, #tpu.memory_space<vmem_shared>>
      %dma_start3A_56 = arith.constant 0 : i32
      %dma_start3A_57 = tpu.memref_slice %arg13[%add3A_28, %dma_start3A_56] : memref<10240x128xf32, #tpu.memory_space<vmem_shared>> -> memref<80x128xf32, #tpu.memory_space<vmem_shared>>
      tpu.enqueue_dma source(%arg12 : memref<80x128xf32, #tpu.memory_space<vmem>>) target(%dma_start3A_57 : memref<80x128xf32, #tpu.memory_space<vmem_shared>>) target_semaphore(%run_scoped3A : memref<!tpu.dma_semaphore, #tpu.memory_space<semaphore_mem>>)
      %dma_wait3A = arith.constant 0 : i32
      %dma_wait3A_58 = tpu.memref_slice %arg13[%add3A_28, %dma_wait3A] : memref<10240x128xf32, #tpu.memory_space<vmem_shared>> -> memref<80x128xf32, #tpu.memory_space<vmem_shared>>
      %dma_wait3A_59 = arith.constant 0 : i32
      %dma_wait3A_60 = tpu.memref_slice %arg13[%add3A_28, %dma_wait3A_59] : memref<10240x128xf32, #tpu.memory_space<vmem_shared>> -> memref<80x128xf32, #tpu.memory_space<vmem_shared>>
      tpu.wait_dma2 semaphore(%run_scoped3A : memref<!tpu.dma_semaphore, #tpu.memory_space<semaphore_mem>>) src(%arg12 : memref<80x128xf32, #tpu.memory_space<vmem>>) dst(%dma_wait3A_60 : memref<80x128xf32, #tpu.memory_space<vmem_shared>>)
      tpu.yield
    }) : () -> ()
    %mul3A_29 = arith.constant 640 : i32
    %mul3A_30 = arith.muli %arg1, %mul3A_29 : i32
    %add3A_31 = arith.constant 480 : i32
    %add3A_32 = arith.addi %mul3A_30, %add3A_31 : i32
    "tpu.region"() ({
      %run_scoped3A = tpu.sem_alloc : memref<!tpu.dma_semaphore, #tpu.memory_space<semaphore_mem>>
      %dma_start3A = arith.constant 0 : i32
      %dma_start3A_55 = tpu.memref_slice %arg13[%add3A_32, %dma_start3A] : memref<10240x128xf32, #tpu.memory_space<vmem_shared>> -> memref<80x128xf32, #tpu.memory_space<vmem_shared>>
      %dma_start3A_56 = arith.constant 0 : i32
      %dma_start3A_57 = tpu.memref_slice %arg13[%add3A_32, %dma_start3A_56] : memref<10240x128xf32, #tpu.memory_space<vmem_shared>> -> memref<80x128xf32, #tpu.memory_space<vmem_shared>>
      tpu.enqueue_dma source(%arg12 : memref<80x128xf32, #tpu.memory_space<vmem>>) target(%dma_start3A_57 : memref<80x128xf32, #tpu.memory_space<vmem_shared>>) target_semaphore(%run_scoped3A : memref<!tpu.dma_semaphore, #tpu.memory_space<semaphore_mem>>)
      %dma_wait3A = arith.constant 0 : i32
      %dma_wait3A_58 = tpu.memref_slice %arg13[%add3A_32, %dma_wait3A] : memref<10240x128xf32, #tpu.memory_space<vmem_shared>> -> memref<80x128xf32, #tpu.memory_space<vmem_shared>>
      %dma_wait3A_59 = arith.constant 0 : i32
      %dma_wait3A_60 = tpu.memref_slice %arg13[%add3A_32, %dma_wait3A_59] : memref<10240x128xf32, #tpu.memory_space<vmem_shared>> -> memref<80x128xf32, #tpu.memory_space<vmem_shared>>
      tpu.wait_dma2 semaphore(%run_scoped3A : memref<!tpu.dma_semaphore, #tpu.memory_space<semaphore_mem>>) src(%arg12 : memref<80x128xf32, #tpu.memory_space<vmem>>) dst(%dma_wait3A_60 : memref<80x128xf32, #tpu.memory_space<vmem_shared>>)
      tpu.yield
    }) : () -> ()
    %mul3A_33 = arith.constant 640 : i32
    %mul3A_34 = arith.muli %arg1, %mul3A_33 : i32
    %add3A_35 = arith.constant 560 : i32
    %add3A_36 = arith.addi %mul3A_34, %add3A_35 : i32
    "tpu.region"() ({
      %run_scoped3A = tpu.sem_alloc : memref<!tpu.dma_semaphore, #tpu.memory_space<semaphore_mem>>
      %dma_start3A = arith.constant 0 : i32
      %dma_start3A_55 = tpu.memref_slice %arg13[%add3A_36, %dma_start3A] : memref<10240x128xf32, #tpu.memory_space<vmem_shared>> -> memref<80x128xf32, #tpu.memory_space<vmem_shared>>
      %dma_start3A_56 = arith.constant 0 : i32
      %dma_start3A_57 = tpu.memref_slice %arg13[%add3A_36, %dma_start3A_56] : memref<10240x128xf32, #tpu.memory_space<vmem_shared>> -> memref<80x128xf32, #tpu.memory_space<vmem_shared>>
      tpu.enqueue_dma source(%arg12 : memref<80x128xf32, #tpu.memory_space<vmem>>) target(%dma_start3A_57 : memref<80x128xf32, #tpu.memory_space<vmem_shared>>) target_semaphore(%run_scoped3A : memref<!tpu.dma_semaphore, #tpu.memory_space<semaphore_mem>>)
      %dma_wait3A = arith.constant 0 : i32
      %dma_wait3A_58 = tpu.memref_slice %arg13[%add3A_36, %dma_wait3A] : memref<10240x128xf32, #tpu.memory_space<vmem_shared>> -> memref<80x128xf32, #tpu.memory_space<vmem_shared>>
      %dma_wait3A_59 = arith.constant 0 : i32
      %dma_wait3A_60 = tpu.memref_slice %arg13[%add3A_36, %dma_wait3A_59] : memref<10240x128xf32, #tpu.memory_space<vmem_shared>> -> memref<80x128xf32, #tpu.memory_space<vmem_shared>>
      tpu.wait_dma2 semaphore(%run_scoped3A : memref<!tpu.dma_semaphore, #tpu.memory_space<semaphore_mem>>) src(%arg12 : memref<80x128xf32, #tpu.memory_space<vmem>>) dst(%dma_wait3A_60 : memref<80x128xf32, #tpu.memory_space<vmem_shared>>)
      tpu.yield
    }) : () -> ()
    %barrier3A = arith.constant 0 : index
    tpu.barrier barrier_id(%barrier3A)
    %eq3A = arith.constant 0 : i32
    %eq3A_37 = arith.cmpi eq, %arg0, %eq3A : i32
    %convert_element_type3A = arith.extui %eq3A_37 : i1 to i32
    %cond3A = arith.constant 0 : i32
    %cond3A_38 = arith.cmpi ne, %convert_element_type3A, %cond3A : i32
    scf.if %cond3A_38 {
      %mul3A_55 = arith.constant 20000 : i32
      %mul3A_56 = arith.muli %arg1, %mul3A_55 : i32
      %scan3A_57 = arith.constant 0 : i32
      %scan3A_58 = arith.constant 0 : i32
      %scan3A_59 = arith.constant 10 : i32
      %scan3A_60 = arith.addi %scan3A_58, %scan3A_59 : i32
      %scan3A_61 = arith.constant 1 : i32
      %scan3A_62 = scf.for %scan3A_64 = %scan3A_58 to %scan3A_60 step %scan3A_61 iter_args(%scan3A_65 = %scan3A_57) -> (i32)  : i32 {
        %mul3A_66 = arith.constant 2000 : i32
        %mul3A_67 = arith.muli %scan3A_64, %mul3A_66 : i32
        %add3A_68 = arith.addi %mul3A_56, %mul3A_67 : i32
        "tpu.region"() ({
          %run_scoped3A = tpu.sem_alloc : memref<!tpu.dma_semaphore, #tpu.memory_space<semaphore_mem>>
          %dma_start3A = tpu.memref_slice %arg3[%add3A_68] : memref<320000xi32, #tpu.memory_space<hbm>> -> memref<2000xi32, #tpu.memory_space<hbm>>
          %dma_start3A_80 = tpu.memref_slice %arg3[%add3A_68] : memref<320000xi32, #tpu.memory_space<hbm>> -> memref<2000xi32, #tpu.memory_space<hbm>>
          tpu.enqueue_dma source(%dma_start3A_80 : memref<2000xi32, #tpu.memory_space<hbm>>) target(%arg8 : memref<2000xi32, #tpu.memory_space<vmem>>) target_semaphore(%run_scoped3A : memref<!tpu.dma_semaphore, #tpu.memory_space<semaphore_mem>>)
          %dma_wait3A = tpu.memref_slice %arg3[%add3A_68] : memref<320000xi32, #tpu.memory_space<hbm>> -> memref<2000xi32, #tpu.memory_space<hbm>>
          %dma_wait3A_81 = tpu.memref_slice %arg3[%add3A_68] : memref<320000xi32, #tpu.memory_space<hbm>> -> memref<2000xi32, #tpu.memory_space<hbm>>
          tpu.wait_dma2 semaphore(%run_scoped3A : memref<!tpu.dma_semaphore, #tpu.memory_space<semaphore_mem>>) src(%dma_wait3A_81 : memref<2000xi32, #tpu.memory_space<hbm>>) dst(%arg8 : memref<2000xi32, #tpu.memory_space<vmem>>)
          tpu.yield
        }) : () -> ()
        %mul3A_69 = arith.constant 2000 : i32
        %mul3A_70 = arith.muli %scan3A_64, %mul3A_69 : i32
        %add3A_71 = arith.addi %mul3A_56, %mul3A_70 : i32
        "tpu.region"() ({
          %run_scoped3A = tpu.sem_alloc : memref<!tpu.dma_semaphore, #tpu.memory_space<semaphore_mem>>
          %dma_start3A = tpu.memref_slice %arg4[%add3A_71] : memref<320000xi32, #tpu.memory_space<hbm>> -> memref<2000xi32, #tpu.memory_space<hbm>>
          %dma_start3A_80 = tpu.memref_slice %arg4[%add3A_71] : memref<320000xi32, #tpu.memory_space<hbm>> -> memref<2000xi32, #tpu.memory_space<hbm>>
          tpu.enqueue_dma source(%dma_start3A_80 : memref<2000xi32, #tpu.memory_space<hbm>>) target(%arg9 : memref<2000xi32, #tpu.memory_space<vmem>>) target_semaphore(%run_scoped3A : memref<!tpu.dma_semaphore, #tpu.memory_space<semaphore_mem>>)
          %dma_wait3A = tpu.memref_slice %arg4[%add3A_71] : memref<320000xi32, #tpu.memory_space<hbm>> -> memref<2000xi32, #tpu.memory_space<hbm>>
          %dma_wait3A_81 = tpu.memref_slice %arg4[%add3A_71] : memref<320000xi32, #tpu.memory_space<hbm>> -> memref<2000xi32, #tpu.memory_space<hbm>>
          tpu.wait_dma2 semaphore(%run_scoped3A : memref<!tpu.dma_semaphore, #tpu.memory_space<semaphore_mem>>) src(%dma_wait3A_81 : memref<2000xi32, #tpu.memory_space<hbm>>) dst(%arg9 : memref<2000xi32, #tpu.memory_space<vmem>>)
          tpu.yield
        }) : () -> ()
        %scan3A_72 = arith.constant 0 : i32
        %scan3A_73 = arith.constant 0 : i32
        %scan3A_74 = arith.constant 25 : i32
        %scan3A_75 = arith.addi %scan3A_73, %scan3A_74 : i32
        %scan3A_76 = arith.constant 1 : i32
        %scan3A_77 = scf.for %scan3A_80 = %scan3A_73 to %scan3A_75 step %scan3A_76 iter_args(%scan3A_81 = %scan3A_72) -> (i32)  : i32 {
          %mul3A_82 = arith.constant 80 : i32
          %mul3A_83 = arith.muli %scan3A_80, %mul3A_82 : i32
          %add3A_84 = arith.constant 0 : i32
          %add3A_85 = arith.addi %mul3A_83, %add3A_84 : i32
          %get3A = arith.index_cast %add3A_85 : i32 to index
          %get3A_86 = tpu.vector_load %arg8[%get3A] {strides = array<i32>} : memref<2000xi32, #tpu.memory_space<vmem>>, vector<16xi32>,
          %add3A_87 = arith.constant 0 : i32
          %add3A_88 = vector.broadcast %add3A_87 : i32 to vector<16xi32>
          %add3A_89 = arith.addi %get3A_86, %add3A_88 : vector<16xi32>
          %swap3A = arith.constant 0 : index
          %swap3A_90 = tpu.vector_load %arg10[%swap3A] {strides = array<i32>} : memref<80xi32, #tpu.memory_space<vmem>>, vector<16xi32>,
          %swap3A_91 = vector.shape_cast %swap3A_90 : vector<16xi32> to vector<16xi32>
          %swap3A_92 = vector.shape_cast %add3A_89 : vector<16xi32> to vector<16xi32>
          tpu.vector_store %arg10[%swap3A], %swap3A_92 {strides = array<i32>} : memref<80xi32, #tpu.memory_space<vmem>>, vector<16xi32>,
          %add3A_93 = arith.constant 0 : i32
          %add3A_94 = arith.addi %mul3A_83, %add3A_93 : i32
          %get3A_95 = arith.index_cast %add3A_94 : i32 to index
          %get3A_96 = tpu.vector_load %arg9[%get3A_95] {strides = array<i32>} : memref<2000xi32, #tpu.memory_space<vmem>>, vector<16xi32>,
          %swap3A_97 = arith.constant 0 : index
          %swap3A_98 = tpu.vector_load %arg11[%swap3A_97] {strides = array<i32>} : memref<80xi32, #tpu.memory_space<vmem>>, vector<16xi32>,
          %swap3A_99 = vector.shape_cast %swap3A_98 : vector<16xi32> to vector<16xi32>
          %swap3A_100 = vector.shape_cast %get3A_96 : vector<16xi32> to vector<16xi32>
          tpu.vector_store %arg11[%swap3A_97], %swap3A_100 {strides = array<i32>} : memref<80xi32, #tpu.memory_space<vmem>>, vector<16xi32>,
          %add3A_101 = arith.constant 16 : i32
          %add3A_102 = arith.addi %mul3A_83, %add3A_101 : i32
          %get3A_103 = arith.index_cast %add3A_102 : i32 to index
          %get3A_104 = tpu.vector_load %arg8[%get3A_103] {strides = array<i32>} : memref<2000xi32, #tpu.memory_space<vmem>>, vector<16xi32>,
          %add3A_105 = arith.constant 0 : i32
          %add3A_106 = vector.broadcast %add3A_105 : i32 to vector<16xi32>
          %add3A_107 = arith.addi %get3A_104, %add3A_106 : vector<16xi32>
          %swap3A_108 = arith.constant 16 : index
          %swap3A_109 = tpu.vector_load %arg10[%swap3A_108] {strides = array<i32>} : memref<80xi32, #tpu.memory_space<vmem>>, vector<16xi32>,
          %swap3A_110 = vector.shape_cast %swap3A_109 : vector<16xi32> to vector<16xi32>
          %swap3A_111 = vector.shape_cast %add3A_107 : vector<16xi32> to vector<16xi32>
          tpu.vector_store %arg10[%swap3A_108], %swap3A_111 {strides = array<i32>} : memref<80xi32, #tpu.memory_space<vmem>>, vector<16xi32>,
          %add3A_112 = arith.constant 16 : i32
          %add3A_113 = arith.addi %mul3A_83, %add3A_112 : i32
          %get3A_114 = arith.index_cast %add3A_113 : i32 to index
          %get3A_115 = tpu.vector_load %arg9[%get3A_114] {strides = array<i32>} : memref<2000xi32, #tpu.memory_space<vmem>>, vector<16xi32>,
          %swap3A_116 = arith.constant 16 : index
          %swap3A_117 = tpu.vector_load %arg11[%swap3A_116] {strides = array<i32>} : memref<80xi32, #tpu.memory_space<vmem>>, vector<16xi32>,
          %swap3A_118 = vector.shape_cast %swap3A_117 : vector<16xi32> to vector<16xi32>
          %swap3A_119 = vector.shape_cast %get3A_115 : vector<16xi32> to vector<16xi32>
          tpu.vector_store %arg11[%swap3A_116], %swap3A_119 {strides = array<i32>} : memref<80xi32, #tpu.memory_space<vmem>>, vector<16xi32>,
          %add3A_120 = arith.constant 32 : i32
          %add3A_121 = arith.addi %mul3A_83, %add3A_120 : i32
          %get3A_122 = arith.index_cast %add3A_121 : i32 to index
          %get3A_123 = tpu.vector_load %arg8[%get3A_122] {strides = array<i32>} : memref<2000xi32, #tpu.memory_space<vmem>>, vector<16xi32>,
          %add3A_124 = arith.constant 0 : i32
          %add3A_125 = vector.broadcast %add3A_124 : i32 to vector<16xi32>
          %add3A_126 = arith.addi %get3A_123, %add3A_125 : vector<16xi32>
          %swap3A_127 = arith.constant 32 : index
          %swap3A_128 = tpu.vector_load %arg10[%swap3A_127] {strides = array<i32>} : memref<80xi32, #tpu.memory_space<vmem>>, vector<16xi32>,
          %swap3A_129 = vector.shape_cast %swap3A_128 : vector<16xi32> to vector<16xi32>
          %swap3A_130 = vector.shape_cast %add3A_126 : vector<16xi32> to vector<16xi32>
          tpu.vector_store %arg10[%swap3A_127], %swap3A_130 {strides = array<i32>} : memref<80xi32, #tpu.memory_space<vmem>>, vector<16xi32>,
          %add3A_131 = arith.constant 32 : i32
          %add3A_132 = arith.addi %mul3A_83, %add3A_131 : i32
          %get3A_133 = arith.index_cast %add3A_132 : i32 to index
          %get3A_134 = tpu.vector_load %arg9[%get3A_133] {strides = array<i32>} : memref<2000xi32, #tpu.memory_space<vmem>>, vector<16xi32>,
          %swap3A_135 = arith.constant 32 : index
          %swap3A_136 = tpu.vector_load %arg11[%swap3A_135] {strides = array<i32>} : memref<80xi32, #tpu.memory_space<vmem>>, vector<16xi32>,
          %swap3A_137 = vector.shape_cast %swap3A_136 : vector<16xi32> to vector<16xi32>
          %swap3A_138 = vector.shape_cast %get3A_134 : vector<16xi32> to vector<16xi32>
          tpu.vector_store %arg11[%swap3A_135], %swap3A_138 {strides = array<i32>} : memref<80xi32, #tpu.memory_space<vmem>>, vector<16xi32>,
          %add3A_139 = arith.constant 48 : i32
          %add3A_140 = arith.addi %mul3A_83, %add3A_139 : i32
          %get3A_141 = arith.index_cast %add3A_140 : i32 to index
          %get3A_142 = tpu.vector_load %arg8[%get3A_141] {strides = array<i32>} : memref<2000xi32, #tpu.memory_space<vmem>>, vector<16xi32>,
          %add3A_143 = arith.constant 0 : i32
          %add3A_144 = vector.broadcast %add3A_143 : i32 to vector<16xi32>
          %add3A_145 = arith.addi %get3A_142, %add3A_144 : vector<16xi32>
          %swap3A_146 = arith.constant 48 : index
          %swap3A_147 = tpu.vector_load %arg10[%swap3A_146] {strides = array<i32>} : memref<80xi32, #tpu.memory_space<vmem>>, vector<16xi32>,
          %swap3A_148 = vector.shape_cast %swap3A_147 : vector<16xi32> to vector<16xi32>
          %swap3A_149 = vector.shape_cast %add3A_145 : vector<16xi32> to vector<16xi32>
          tpu.vector_store %arg10[%swap3A_146], %swap3A_149 {strides = array<i32>} : memref<80xi32, #tpu.memory_space<vmem>>, vector<16xi32>,
          %add3A_150 = arith.constant 48 : i32
          %add3A_151 = arith.addi %mul3A_83, %add3A_150 : i32
          %get3A_152 = arith.index_cast %add3A_151 : i32 to index
          %get3A_153 = tpu.vector_load %arg9[%get3A_152] {strides = array<i32>} : memref<2000xi32, #tpu.memory_space<vmem>>, vector<16xi32>,
          %swap3A_154 = arith.constant 48 : index
          %swap3A_155 = tpu.vector_load %arg11[%swap3A_154] {strides = array<i32>} : memref<80xi32, #tpu.memory_space<vmem>>, vector<16xi32>,
          %swap3A_156 = vector.shape_cast %swap3A_155 : vector<16xi32> to vector<16xi32>
          %swap3A_157 = vector.shape_cast %get3A_153 : vector<16xi32> to vector<16xi32>
          tpu.vector_store %arg11[%swap3A_154], %swap3A_157 {strides = array<i32>} : memref<80xi32, #tpu.memory_space<vmem>>, vector<16xi32>,
          %add3A_158 = arith.constant 64 : i32
          %add3A_159 = arith.addi %mul3A_83, %add3A_158 : i32
          %get3A_160 = arith.index_cast %add3A_159 : i32 to index
          %get3A_161 = tpu.vector_load %arg8[%get3A_160] {strides = array<i32>} : memref<2000xi32, #tpu.memory_space<vmem>>, vector<16xi32>,
          %add3A_162 = arith.constant 0 : i32
          %add3A_163 = vector.broadcast %add3A_162 : i32 to vector<16xi32>
          %add3A_164 = arith.addi %get3A_161, %add3A_163 : vector<16xi32>
          %swap3A_165 = arith.constant 64 : index
          %swap3A_166 = tpu.vector_load %arg10[%swap3A_165] {strides = array<i32>} : memref<80xi32, #tpu.memory_space<vmem>>, vector<16xi32>,
          %swap3A_167 = vector.shape_cast %swap3A_166 : vector<16xi32> to vector<16xi32>
          %swap3A_168 = vector.shape_cast %add3A_164 : vector<16xi32> to vector<16xi32>
          tpu.vector_store %arg10[%swap3A_165], %swap3A_168 {strides = array<i32>} : memref<80xi32, #tpu.memory_space<vmem>>, vector<16xi32>,
          %add3A_169 = arith.constant 64 : i32
          %add3A_170 = arith.addi %mul3A_83, %add3A_169 : i32
          %get3A_171 = arith.index_cast %add3A_170 : i32 to index
          %get3A_172 = tpu.vector_load %arg9[%get3A_171] {strides = array<i32>} : memref<2000xi32, #tpu.memory_space<vmem>>, vector<16xi32>,
          %swap3A_173 = arith.constant 64 : index
          %swap3A_174 = tpu.vector_load %arg11[%swap3A_173] {strides = array<i32>} : memref<80xi32, #tpu.memory_space<vmem>>, vector<16xi32>,
          %swap3A_175 = vector.shape_cast %swap3A_174 : vector<16xi32> to vector<16xi32>
          %swap3A_176 = vector.shape_cast %get3A_172 : vector<16xi32> to vector<16xi32>
          tpu.vector_store %arg11[%swap3A_173], %swap3A_176 {strides = array<i32>} : memref<80xi32, #tpu.memory_space<vmem>>, vector<16xi32>,
          %dma_start3A = arith.constant 0 : i32
          %dma_start3A_177 = arith.constant 0 : i32
          %dma_start3A_178 = tpu.memref_slice %arg2[%dma_start3A, %dma_start3A_177] : memref<20480x128xf32, #tpu.memory_space<hbm>> -> memref<20480x128xf32, #tpu.memory_space<hbm>>
          tpu.enqueue_indirect_dma source(%dma_start3A_178 : memref<20480x128xf32, #tpu.memory_space<hbm>>) target(%arg12 : memref<80x128xf32, #tpu.memory_space<vmem>>) offsets(%arg10 : memref<80xi32, #tpu.memory_space<vmem>>) semaphore(%arg14 : memref<!tpu.dma_semaphore, #tpu.memory_space<semaphore_mem>>)
          %dma_wait3A = arith.constant 0 : i32
          %dma_wait3A_179 = arith.constant 0 : i32
          %dma_wait3A_180 = tpu.memref_slice %arg2[%dma_wait3A, %dma_wait3A_179] : memref<20480x128xf32, #tpu.memory_space<hbm>> -> memref<20480x128xf32, #tpu.memory_space<hbm>>
          tpu.wait_indirect_dma semaphore(%arg14 : memref<!tpu.dma_semaphore, #tpu.memory_space<semaphore_mem>>) src(%dma_wait3A_180 : memref<20480x128xf32, #tpu.memory_space<hbm>>) dst(%arg12 : memref<80x128xf32, #tpu.memory_space<vmem>>)
          "tpu.region"() ({
            %run_scoped3A = tpu.sem_alloc : memref<!tpu.dma_semaphore, #tpu.memory_space<semaphore_mem>>
            %dma_start3A_182 = arith.constant 0 : i32
            %dma_start3A_183 = arith.constant 0 : i32
            %dma_start3A_184 = tpu.memref_slice %arg13[%dma_start3A_182, %dma_start3A_183] : memref<10240x128xf32, #tpu.memory_space<vmem_shared>> -> memref<10240x128xf32, #tpu.memory_space<vmem_shared>>
            tpu.enqueue_indirect_dma source(%arg12 : memref<80x128xf32, #tpu.memory_space<vmem>>) target(%dma_start3A_184 : memref<10240x128xf32, #tpu.memory_space<vmem_shared>>) offsets(%arg11 : memref<80xi32, #tpu.memory_space<vmem>>) semaphore(%run_scoped3A : memref<!tpu.dma_semaphore, #tpu.memory_space<semaphore_mem>>) {add = true}
            %dma_wait3A_185 = arith.constant 0 : i32
            %dma_wait3A_186 = arith.constant 0 : i32
            %dma_wait3A_187 = tpu.memref_slice %arg13[%dma_wait3A_185, %dma_wait3A_186] : memref<10240x128xf32, #tpu.memory_space<vmem_shared>> -> memref<10240x128xf32, #tpu.memory_space<vmem_shared>>
            tpu.wait_indirect_dma semaphore(%run_scoped3A : memref<!tpu.dma_semaphore, #tpu.memory_space<semaphore_mem>>) src(%arg12 : memref<80x128xf32, #tpu.memory_space<vmem>>) dst(%dma_wait3A_187 : memref<10240x128xf32, #tpu.memory_space<vmem_shared>>)
            tpu.yield
          }) : () -> ()
          %scan3A_181 = arith.constant 0 : i32
          scf.yield %scan3A_181 : i32
        }
        %scan3A_78 = arith.constant 25 : i32
        %scan3A_79 = arith.constant 0 : i32
        scf.yield %scan3A_79 : i32
      }
      %scan3A_63 = arith.constant 10 : i32
    } else {
    }
    %eq3A_39 = arith.constant 1 : i32
    %eq3A_40 = arith.cmpi eq, %arg0, %eq3A_39 : i32
    %convert_element_type3A_41 = arith.extui %eq3A_40 : i1 to i32
    %cond3A_42 = arith.constant 0 : i32
    %cond3A_43 = arith.cmpi ne, %convert_element_type3A_41, %cond3A_42 : i32
    scf.if %cond3A_43 {
      %mul3A_55 = arith.constant 20000 : i32
      %mul3A_56 = arith.muli %arg1, %mul3A_55 : i32
      %scan3A_57 = arith.constant 0 : i32
      %scan3A_58 = arith.constant 0 : i32
      %scan3A_59 = arith.constant 10 : i32
      %scan3A_60 = arith.addi %scan3A_58, %scan3A_59 : i32
      %scan3A_61 = arith.constant 1 : i32
      %scan3A_62 = scf.for %scan3A_64 = %scan3A_58 to %scan3A_60 step %scan3A_61 iter_args(%scan3A_65 = %scan3A_57) -> (i32)  : i32 {
        %mul3A_66 = arith.constant 2000 : i32
        %mul3A_67 = arith.muli %scan3A_64, %mul3A_66 : i32
        %add3A_68 = arith.addi %mul3A_56, %mul3A_67 : i32
        "tpu.region"() ({
          %run_scoped3A = tpu.sem_alloc : memref<!tpu.dma_semaphore, #tpu.memory_space<semaphore_mem>>
          %dma_start3A = tpu.memref_slice %arg5[%add3A_68] : memref<320000xi32, #tpu.memory_space<hbm>> -> memref<2000xi32, #tpu.memory_space<hbm>>
          %dma_start3A_80 = tpu.memref_slice %arg5[%add3A_68] : memref<320000xi32, #tpu.memory_space<hbm>> -> memref<2000xi32, #tpu.memory_space<hbm>>
          tpu.enqueue_dma source(%dma_start3A_80 : memref<2000xi32, #tpu.memory_space<hbm>>) target(%arg8 : memref<2000xi32, #tpu.memory_space<vmem>>) target_semaphore(%run_scoped3A : memref<!tpu.dma_semaphore, #tpu.memory_space<semaphore_mem>>)
          %dma_wait3A = tpu.memref_slice %arg5[%add3A_68] : memref<320000xi32, #tpu.memory_space<hbm>> -> memref<2000xi32, #tpu.memory_space<hbm>>
          %dma_wait3A_81 = tpu.memref_slice %arg5[%add3A_68] : memref<320000xi32, #tpu.memory_space<hbm>> -> memref<2000xi32, #tpu.memory_space<hbm>>
          tpu.wait_dma2 semaphore(%run_scoped3A : memref<!tpu.dma_semaphore, #tpu.memory_space<semaphore_mem>>) src(%dma_wait3A_81 : memref<2000xi32, #tpu.memory_space<hbm>>) dst(%arg8 : memref<2000xi32, #tpu.memory_space<vmem>>)
          tpu.yield
        }) : () -> ()
        %mul3A_69 = arith.constant 2000 : i32
        %mul3A_70 = arith.muli %scan3A_64, %mul3A_69 : i32
        %add3A_71 = arith.addi %mul3A_56, %mul3A_70 : i32
        "tpu.region"() ({
          %run_scoped3A = tpu.sem_alloc : memref<!tpu.dma_semaphore, #tpu.memory_space<semaphore_mem>>
          %dma_start3A = tpu.memref_slice %arg6[%add3A_71] : memref<320000xi32, #tpu.memory_space<hbm>> -> memref<2000xi32, #tpu.memory_space<hbm>>
          %dma_start3A_80 = tpu.memref_slice %arg6[%add3A_71] : memref<320000xi32, #tpu.memory_space<hbm>> -> memref<2000xi32, #tpu.memory_space<hbm>>
          tpu.enqueue_dma source(%dma_start3A_80 : memref<2000xi32, #tpu.memory_space<hbm>>) target(%arg9 : memref<2000xi32, #tpu.memory_space<vmem>>) target_semaphore(%run_scoped3A : memref<!tpu.dma_semaphore, #tpu.memory_space<semaphore_mem>>)
          %dma_wait3A = tpu.memref_slice %arg6[%add3A_71] : memref<320000xi32, #tpu.memory_space<hbm>> -> memref<2000xi32, #tpu.memory_space<hbm>>
          %dma_wait3A_81 = tpu.memref_slice %arg6[%add3A_71] : memref<320000xi32, #tpu.memory_space<hbm>> -> memref<2000xi32, #tpu.memory_space<hbm>>
          tpu.wait_dma2 semaphore(%run_scoped3A : memref<!tpu.dma_semaphore, #tpu.memory_space<semaphore_mem>>) src(%dma_wait3A_81 : memref<2000xi32, #tpu.memory_space<hbm>>) dst(%arg9 : memref<2000xi32, #tpu.memory_space<vmem>>)
          tpu.yield
        }) : () -> ()
        %scan3A_72 = arith.constant 0 : i32
        %scan3A_73 = arith.constant 0 : i32
        %scan3A_74 = arith.constant 25 : i32
        %scan3A_75 = arith.addi %scan3A_73, %scan3A_74 : i32
        %scan3A_76 = arith.constant 1 : i32
        %scan3A_77 = scf.for %scan3A_80 = %scan3A_73 to %scan3A_75 step %scan3A_76 iter_args(%scan3A_81 = %scan3A_72) -> (i32)  : i32 {
          %mul3A_82 = arith.constant 80 : i32
          %mul3A_83 = arith.muli %scan3A_80, %mul3A_82 : i32
          %add3A_84 = arith.constant 0 : i32
          %add3A_85 = arith.addi %mul3A_83, %add3A_84 : i32
          %get3A = arith.index_cast %add3A_85 : i32 to index
          %get3A_86 = tpu.vector_load %arg8[%get3A] {strides = array<i32>} : memref<2000xi32, #tpu.memory_space<vmem>>, vector<16xi32>,
          %add3A_87 = arith.constant 10240 : i32
          %add3A_88 = vector.broadcast %add3A_87 : i32 to vector<16xi32>
          %add3A_89 = arith.addi %get3A_86, %add3A_88 : vector<16xi32>
          %swap3A = arith.constant 0 : index
          %swap3A_90 = tpu.vector_load %arg10[%swap3A] {strides = array<i32>} : memref<80xi32, #tpu.memory_space<vmem>>, vector<16xi32>,
          %swap3A_91 = vector.shape_cast %swap3A_90 : vector<16xi32> to vector<16xi32>
          %swap3A_92 = vector.shape_cast %add3A_89 : vector<16xi32> to vector<16xi32>
          tpu.vector_store %arg10[%swap3A], %swap3A_92 {strides = array<i32>} : memref<80xi32, #tpu.memory_space<vmem>>, vector<16xi32>,
          %add3A_93 = arith.constant 0 : i32
          %add3A_94 = arith.addi %mul3A_83, %add3A_93 : i32
          %get3A_95 = arith.index_cast %add3A_94 : i32 to index
          %get3A_96 = tpu.vector_load %arg9[%get3A_95] {strides = array<i32>} : memref<2000xi32, #tpu.memory_space<vmem>>, vector<16xi32>,
          %swap3A_97 = arith.constant 0 : index
          %swap3A_98 = tpu.vector_load %arg11[%swap3A_97] {strides = array<i32>} : memref<80xi32, #tpu.memory_space<vmem>>, vector<16xi32>,
          %swap3A_99 = vector.shape_cast %swap3A_98 : vector<16xi32> to vector<16xi32>
          %swap3A_100 = vector.shape_cast %get3A_96 : vector<16xi32> to vector<16xi32>
          tpu.vector_store %arg11[%swap3A_97], %swap3A_100 {strides = array<i32>} : memref<80xi32, #tpu.memory_space<vmem>>, vector<16xi32>,
          %add3A_101 = arith.constant 16 : i32
          %add3A_102 = arith.addi %mul3A_83, %add3A_101 : i32
          %get3A_103 = arith.index_cast %add3A_102 : i32 to index
          %get3A_104 = tpu.vector_load %arg8[%get3A_103] {strides = array<i32>} : memref<2000xi32, #tpu.memory_space<vmem>>, vector<16xi32>,
          %add3A_105 = arith.constant 10240 : i32
          %add3A_106 = vector.broadcast %add3A_105 : i32 to vector<16xi32>
          %add3A_107 = arith.addi %get3A_104, %add3A_106 : vector<16xi32>
          %swap3A_108 = arith.constant 16 : index
          %swap3A_109 = tpu.vector_load %arg10[%swap3A_108] {strides = array<i32>} : memref<80xi32, #tpu.memory_space<vmem>>, vector<16xi32>,
          %swap3A_110 = vector.shape_cast %swap3A_109 : vector<16xi32> to vector<16xi32>
          %swap3A_111 = vector.shape_cast %add3A_107 : vector<16xi32> to vector<16xi32>
          tpu.vector_store %arg10[%swap3A_108], %swap3A_111 {strides = array<i32>} : memref<80xi32, #tpu.memory_space<vmem>>, vector<16xi32>,
          %add3A_112 = arith.constant 16 : i32
          %add3A_113 = arith.addi %mul3A_83, %add3A_112 : i32
          %get3A_114 = arith.index_cast %add3A_113 : i32 to index
          %get3A_115 = tpu.vector_load %arg9[%get3A_114] {strides = array<i32>} : memref<2000xi32, #tpu.memory_space<vmem>>, vector<16xi32>,
          %swap3A_116 = arith.constant 16 : index
          %swap3A_117 = tpu.vector_load %arg11[%swap3A_116] {strides = array<i32>} : memref<80xi32, #tpu.memory_space<vmem>>, vector<16xi32>,
          %swap3A_118 = vector.shape_cast %swap3A_117 : vector<16xi32> to vector<16xi32>
          %swap3A_119 = vector.shape_cast %get3A_115 : vector<16xi32> to vector<16xi32>
          tpu.vector_store %arg11[%swap3A_116], %swap3A_119 {strides = array<i32>} : memref<80xi32, #tpu.memory_space<vmem>>, vector<16xi32>,
          %add3A_120 = arith.constant 32 : i32
          %add3A_121 = arith.addi %mul3A_83, %add3A_120 : i32
          %get3A_122 = arith.index_cast %add3A_121 : i32 to index
          %get3A_123 = tpu.vector_load %arg8[%get3A_122] {strides = array<i32>} : memref<2000xi32, #tpu.memory_space<vmem>>, vector<16xi32>,
          %add3A_124 = arith.constant 10240 : i32
          %add3A_125 = vector.broadcast %add3A_124 : i32 to vector<16xi32>
          %add3A_126 = arith.addi %get3A_123, %add3A_125 : vector<16xi32>
          %swap3A_127 = arith.constant 32 : index
          %swap3A_128 = tpu.vector_load %arg10[%swap3A_127] {strides = array<i32>} : memref<80xi32, #tpu.memory_space<vmem>>, vector<16xi32>,
          %swap3A_129 = vector.shape_cast %swap3A_128 : vector<16xi32> to vector<16xi32>
          %swap3A_130 = vector.shape_cast %add3A_126 : vector<16xi32> to vector<16xi32>
          tpu.vector_store %arg10[%swap3A_127], %swap3A_130 {strides = array<i32>} : memref<80xi32, #tpu.memory_space<vmem>>, vector<16xi32>,
          %add3A_131 = arith.constant 32 : i32
          %add3A_132 = arith.addi %mul3A_83, %add3A_131 : i32
          %get3A_133 = arith.index_cast %add3A_132 : i32 to index
          %get3A_134 = tpu.vector_load %arg9[%get3A_133] {strides = array<i32>} : memref<2000xi32, #tpu.memory_space<vmem>>, vector<16xi32>,
          %swap3A_135 = arith.constant 32 : index
          %swap3A_136 = tpu.vector_load %arg11[%swap3A_135] {strides = array<i32>} : memref<80xi32, #tpu.memory_space<vmem>>, vector<16xi32>,
          %swap3A_137 = vector.shape_cast %swap3A_136 : vector<16xi32> to vector<16xi32>
          %swap3A_138 = vector.shape_cast %get3A_134 : vector<16xi32> to vector<16xi32>
          tpu.vector_store %arg11[%swap3A_135], %swap3A_138 {strides = array<i32>} : memref<80xi32, #tpu.memory_space<vmem>>, vector<16xi32>,
          %add3A_139 = arith.constant 48 : i32
          %add3A_140 = arith.addi %mul3A_83, %add3A_139 : i32
          %get3A_141 = arith.index_cast %add3A_140 : i32 to index
          %get3A_142 = tpu.vector_load %arg8[%get3A_141] {strides = array<i32>} : memref<2000xi32, #tpu.memory_space<vmem>>, vector<16xi32>,
          %add3A_143 = arith.constant 10240 : i32
          %add3A_144 = vector.broadcast %add3A_143 : i32 to vector<16xi32>
          %add3A_145 = arith.addi %get3A_142, %add3A_144 : vector<16xi32>
          %swap3A_146 = arith.constant 48 : index
          %swap3A_147 = tpu.vector_load %arg10[%swap3A_146] {strides = array<i32>} : memref<80xi32, #tpu.memory_space<vmem>>, vector<16xi32>,
          %swap3A_148 = vector.shape_cast %swap3A_147 : vector<16xi32> to vector<16xi32>
          %swap3A_149 = vector.shape_cast %add3A_145 : vector<16xi32> to vector<16xi32>
          tpu.vector_store %arg10[%swap3A_146], %swap3A_149 {strides = array<i32>} : memref<80xi32, #tpu.memory_space<vmem>>, vector<16xi32>,
          %add3A_150 = arith.constant 48 : i32
          %add3A_151 = arith.addi %mul3A_83, %add3A_150 : i32
          %get3A_152 = arith.index_cast %add3A_151 : i32 to index
          %get3A_153 = tpu.vector_load %arg9[%get3A_152] {strides = array<i32>} : memref<2000xi32, #tpu.memory_space<vmem>>, vector<16xi32>,
          %swap3A_154 = arith.constant 48 : index
          %swap3A_155 = tpu.vector_load %arg11[%swap3A_154] {strides = array<i32>} : memref<80xi32, #tpu.memory_space<vmem>>, vector<16xi32>,
          %swap3A_156 = vector.shape_cast %swap3A_155 : vector<16xi32> to vector<16xi32>
          %swap3A_157 = vector.shape_cast %get3A_153 : vector<16xi32> to vector<16xi32>
          tpu.vector_store %arg11[%swap3A_154], %swap3A_157 {strides = array<i32>} : memref<80xi32, #tpu.memory_space<vmem>>, vector<16xi32>,
          %add3A_158 = arith.constant 64 : i32
          %add3A_159 = arith.addi %mul3A_83, %add3A_158 : i32
          %get3A_160 = arith.index_cast %add3A_159 : i32 to index
          %get3A_161 = tpu.vector_load %arg8[%get3A_160] {strides = array<i32>} : memref<2000xi32, #tpu.memory_space<vmem>>, vector<16xi32>,
          %add3A_162 = arith.constant 10240 : i32
          %add3A_163 = vector.broadcast %add3A_162 : i32 to vector<16xi32>
          %add3A_164 = arith.addi %get3A_161, %add3A_163 : vector<16xi32>
          %swap3A_165 = arith.constant 64 : index
          %swap3A_166 = tpu.vector_load %arg10[%swap3A_165] {strides = array<i32>} : memref<80xi32, #tpu.memory_space<vmem>>, vector<16xi32>,
          %swap3A_167 = vector.shape_cast %swap3A_166 : vector<16xi32> to vector<16xi32>
          %swap3A_168 = vector.shape_cast %add3A_164 : vector<16xi32> to vector<16xi32>
          tpu.vector_store %arg10[%swap3A_165], %swap3A_168 {strides = array<i32>} : memref<80xi32, #tpu.memory_space<vmem>>, vector<16xi32>,
          %add3A_169 = arith.constant 64 : i32
          %add3A_170 = arith.addi %mul3A_83, %add3A_169 : i32
          %get3A_171 = arith.index_cast %add3A_170 : i32 to index
          %get3A_172 = tpu.vector_load %arg9[%get3A_171] {strides = array<i32>} : memref<2000xi32, #tpu.memory_space<vmem>>, vector<16xi32>,
          %swap3A_173 = arith.constant 64 : index
          %swap3A_174 = tpu.vector_load %arg11[%swap3A_173] {strides = array<i32>} : memref<80xi32, #tpu.memory_space<vmem>>, vector<16xi32>,
          %swap3A_175 = vector.shape_cast %swap3A_174 : vector<16xi32> to vector<16xi32>
          %swap3A_176 = vector.shape_cast %get3A_172 : vector<16xi32> to vector<16xi32>
          tpu.vector_store %arg11[%swap3A_173], %swap3A_176 {strides = array<i32>} : memref<80xi32, #tpu.memory_space<vmem>>, vector<16xi32>,
          %dma_start3A = arith.constant 0 : i32
          %dma_start3A_177 = arith.constant 0 : i32
          %dma_start3A_178 = tpu.memref_slice %arg2[%dma_start3A, %dma_start3A_177] : memref<20480x128xf32, #tpu.memory_space<hbm>> -> memref<20480x128xf32, #tpu.memory_space<hbm>>
          tpu.enqueue_indirect_dma source(%dma_start3A_178 : memref<20480x128xf32, #tpu.memory_space<hbm>>) target(%arg12 : memref<80x128xf32, #tpu.memory_space<vmem>>) offsets(%arg10 : memref<80xi32, #tpu.memory_space<vmem>>) semaphore(%arg14 : memref<!tpu.dma_semaphore, #tpu.memory_space<semaphore_mem>>)
          %dma_wait3A = arith.constant 0 : i32
          %dma_wait3A_179 = arith.constant 0 : i32
          %dma_wait3A_180 = tpu.memref_slice %arg2[%dma_wait3A, %dma_wait3A_179] : memref<20480x128xf32, #tpu.memory_space<hbm>> -> memref<20480x128xf32, #tpu.memory_space<hbm>>
          tpu.wait_indirect_dma semaphore(%arg14 : memref<!tpu.dma_semaphore, #tpu.memory_space<semaphore_mem>>) src(%dma_wait3A_180 : memref<20480x128xf32, #tpu.memory_space<hbm>>) dst(%arg12 : memref<80x128xf32, #tpu.memory_space<vmem>>)
          "tpu.region"() ({
            %run_scoped3A = tpu.sem_alloc : memref<!tpu.dma_semaphore, #tpu.memory_space<semaphore_mem>>
            %dma_start3A_182 = arith.constant 0 : i32
            %dma_start3A_183 = arith.constant 0 : i32
            %dma_start3A_184 = tpu.memref_slice %arg13[%dma_start3A_182, %dma_start3A_183] : memref<10240x128xf32, #tpu.memory_space<vmem_shared>> -> memref<10240x128xf32, #tpu.memory_space<vmem_shared>>
            tpu.enqueue_indirect_dma source(%arg12 : memref<80x128xf32, #tpu.memory_space<vmem>>) target(%dma_start3A_184 : memref<10240x128xf32, #tpu.memory_space<vmem_shared>>) offsets(%arg11 : memref<80xi32, #tpu.memory_space<vmem>>) semaphore(%run_scoped3A : memref<!tpu.dma_semaphore, #tpu.memory_space<semaphore_mem>>) {add = true}
            %dma_wait3A_185 = arith.constant 0 : i32
            %dma_wait3A_186 = arith.constant 0 : i32
            %dma_wait3A_187 = tpu.memref_slice %arg13[%dma_wait3A_185, %dma_wait3A_186] : memref<10240x128xf32, #tpu.memory_space<vmem_shared>> -> memref<10240x128xf32, #tpu.memory_space<vmem_shared>>
            tpu.wait_indirect_dma semaphore(%run_scoped3A : memref<!tpu.dma_semaphore, #tpu.memory_space<semaphore_mem>>) src(%arg12 : memref<80x128xf32, #tpu.memory_space<vmem>>) dst(%dma_wait3A_187 : memref<10240x128xf32, #tpu.memory_space<vmem_shared>>)
            tpu.yield
          }) : () -> ()
          %scan3A_181 = arith.constant 0 : i32
          scf.yield %scan3A_181 : i32
        }
        %scan3A_78 = arith.constant 25 : i32
        %scan3A_79 = arith.constant 0 : i32
        scf.yield %scan3A_79 : i32
      }
      %scan3A_63 = arith.constant 10 : i32
    } else {
    }
    %barrier3A_44 = arith.constant 0 : index
    tpu.barrier barrier_id(%barrier3A_44)
    %eq3A_45 = arith.constant 0 : i32
    %eq3A_46 = arith.cmpi eq, %arg0, %eq3A_45 : i32
    %convert_element_type3A_47 = arith.extui %eq3A_46 : i1 to i32
    %cond3A_48 = arith.constant 0 : i32
    %cond3A_49 = arith.cmpi ne, %convert_element_type3A_47, %cond3A_48 : i32
    scf.if %cond3A_49 {
      %mul3A_55 = arith.constant 640 : i32
      %mul3A_56 = arith.muli %arg1, %mul3A_55 : i32
      %mul3A_57 = arith.constant 640 : i32
      %mul3A_58 = arith.muli %arg1, %mul3A_57 : i32
      %run_scoped3A = arith.constant 0 : i32
      "tpu.region"() ({
        %run_scoped3A_59 = tpu.sem_alloc : memref<!tpu.dma_semaphore, #tpu.memory_space<semaphore_mem>>
        %dma_start3A = arith.constant 0 : i32
        %dma_start3A_60 = tpu.memref_slice %arg7[%run_scoped3A, %mul3A_58, %dma_start3A] : memref<2x10240x128xf32, #tpu.memory_space<hbm>> -> memref<1x640x128xf32, #tpu.memory_space<hbm>>
        %dma_start3A_61 = tpu.memref_squeeze %dma_start3A_60 : memref<1x640x128xf32, #tpu.memory_space<hbm>> -> memref<640x128xf32, #tpu.memory_space<hbm>>
        %dma_start3A_62 = arith.constant 0 : i32
        %dma_start3A_63 = tpu.memref_slice %arg13[%mul3A_56, %dma_start3A_62] : memref<10240x128xf32, #tpu.memory_space<vmem_shared>> -> memref<640x128xf32, #tpu.memory_space<vmem_shared>>
        tpu.enqueue_dma source(%dma_start3A_63 : memref<640x128xf32, #tpu.memory_space<vmem_shared>>) target(%dma_start3A_61 : memref<640x128xf32, #tpu.memory_space<hbm>>) target_semaphore(%run_scoped3A_59 : memref<!tpu.dma_semaphore, #tpu.memory_space<semaphore_mem>>)
        %dma_wait3A = arith.constant 0 : i32
        %dma_wait3A_64 = tpu.memref_slice %arg7[%run_scoped3A, %mul3A_58, %dma_wait3A] : memref<2x10240x128xf32, #tpu.memory_space<hbm>> -> memref<1x640x128xf32, #tpu.memory_space<hbm>>
        %dma_wait3A_65 = tpu.memref_squeeze %dma_wait3A_64 : memref<1x640x128xf32, #tpu.memory_space<hbm>> -> memref<640x128xf32, #tpu.memory_space<hbm>>
        %dma_wait3A_66 = arith.constant 0 : i32
        %dma_wait3A_67 = tpu.memref_slice %arg13[%mul3A_56, %dma_wait3A_66] : memref<10240x128xf32, #tpu.memory_space<vmem_shared>> -> memref<640x128xf32, #tpu.memory_space<vmem_shared>>
        tpu.wait_dma2 semaphore(%run_scoped3A_59 : memref<!tpu.dma_semaphore, #tpu.memory_space<semaphore_mem>>) src(%dma_wait3A_67 : memref<640x128xf32, #tpu.memory_space<vmem_shared>>) dst(%dma_wait3A_65 : memref<640x128xf32, #tpu.memory_space<hbm>>)
        tpu.yield
      }) : () -> ()
    } else {
    }
    %eq3A_50 = arith.constant 1 : i32
    %eq3A_51 = arith.cmpi eq, %arg0, %eq3A_50 : i32
    %convert_element_type3A_52 = arith.extui %eq3A_51 : i1 to i32
    %cond3A_53 = arith.constant 0 : i32
    %cond3A_54 = arith.cmpi ne, %convert_element_type3A_52, %cond3A_53 : i32
    scf.if %cond3A_54 {
      %mul3A_55 = arith.constant 640 : i32
      %mul3A_56 = arith.muli %arg1, %mul3A_55 : i32
      %mul3A_57 = arith.constant 640 : i32
      %mul3A_58 = arith.muli %arg1, %mul3A_57 : i32
      %run_scoped3A = arith.constant 1 : i32
      "tpu.region"() ({
        %run_scoped3A_59 = tpu.sem_alloc : memref<!tpu.dma_semaphore, #tpu.memory_space<semaphore_mem>>
        %dma_start3A = arith.constant 0 : i32
        %dma_start3A_60 = tpu.memref_slice %arg7[%run_scoped3A, %mul3A_58, %dma_start3A] : memref<2x10240x128xf32, #tpu.memory_space<hbm>> -> memref<1x640x128xf32, #tpu.memory_space<hbm>>
        %dma_start3A_61 = tpu.memref_squeeze %dma_start3A_60 : memref<1x640x128xf32, #tpu.memory_space<hbm>> -> memref<640x128xf32, #tpu.memory_space<hbm>>
        %dma_start3A_62 = arith.constant 0 : i32
        %dma_start3A_63 = tpu.memref_slice %arg13[%mul3A_56, %dma_start3A_62] : memref<10240x128xf32, #tpu.memory_space<vmem_shared>> -> memref<640x128xf32, #tpu.memory_space<vmem_shared>>
        tpu.enqueue_dma source(%dma_start3A_63 : memref<640x128xf32, #tpu.memory_space<vmem_shared>>) target(%dma_start3A_61 : memref<640x128xf32, #tpu.memory_space<hbm>>) target_semaphore(%run_scoped3A_59 : memref<!tpu.dma_semaphore, #tpu.memory_space<semaphore_mem>>)
        %dma_wait3A = arith.constant 0 : i32
        %dma_wait3A_64 = tpu.memref_slice %arg7[%run_scoped3A, %mul3A_58, %dma_wait3A] : memref<2x10240x128xf32, #tpu.memory_space<hbm>> -> memref<1x640x128xf32, #tpu.memory_space<hbm>>
        %dma_wait3A_65 = tpu.memref_squeeze %dma_wait3A_64 : memref<1x640x128xf32, #tpu.memory_space<hbm>> -> memref<640x128xf32, #tpu.memory_space<hbm>>
        %dma_wait3A_66 = arith.constant 0 : i32
        %dma_wait3A_67 = tpu.memref_slice %arg13[%mul3A_56, %dma_wait3A_66] : memref<10240x128xf32, #tpu.memory_space<vmem_shared>> -> memref<640x128xf32, #tpu.memory_space<vmem_shared>>
        tpu.wait_dma2 semaphore(%run_scoped3A_59 : memref<!tpu.dma_semaphore, #tpu.memory_space<semaphore_mem>>) src(%dma_wait3A_67 : memref<640x128xf32, #tpu.memory_space<vmem_shared>>) dst(%dma_wait3A_65 : memref<640x128xf32, #tpu.memory_space<hbm>>)
        tpu.yield
      }) : () -> ()
    } else {
    }
    return
  }
}

#map = affine_map<(d0, d1) -> (0)>
#map1 = affine_map<(d0, d1) -> (0, 0)>
module attributes {stable_mosaic.version = 14 : i64} {
  func.func @_deg_body(%arg0: i32, %arg1: i32, %arg2: memref<320000xi32, #tpu.memory_space<hbm>>, %arg3: memref<320000xi32, #tpu.memory_space<hbm>>, %arg4: memref<2x10240xf32, #tpu.memory_space<hbm>>, %arg5: memref<10240xf32, #tpu.memory_space<vmem>>, %arg6: memref<2000xi32, #tpu.memory_space<vmem>>, %arg7: memref<16x640xf32, #tpu.memory_space<vmem>>, %arg8: memref<640xf32, #tpu.memory_space<vmem>>, %arg9: memref<16x10240xf32, #tpu.memory_space<vmem_shared>>) attributes {dimension_semantics = [#tpu.dimension_semantics<core_parallel>, #tpu.dimension_semantics<subcore_parallel>], iteration_bounds = array<i64: 2, 16>, scalar_prefetch = 0 : i64, scratch_operands = 5 : i64, tpu.core_type = #tpu.core_type<sc_vector_subcore>, window_params = [{transform_indices = #map}, {transform_indices = #map}, {transform_indices = #map1}]} {
    %broadcast_in_dim3A = arith.constant 0.000000e+00 : f32
    %broadcast_in_dim3A_0 = vector.broadcast %broadcast_in_dim3A : f32 to vector<16xf32>
    %broadcast_in_dim3A_1 = arith.constant 1.000000e+00 : f32
    %broadcast_in_dim3A_2 = vector.broadcast %broadcast_in_dim3A_1 : f32 to vector<16xf32>
    %scan3A = arith.constant 0 : i32
    %scan3A_3 = arith.constant 0 : i32
    %scan3A_4 = arith.constant 640 : i32
    %scan3A_5 = arith.addi %scan3A_3, %scan3A_4 : i32
    %scan3A_6 = arith.constant 1 : i32
    %scan3A_7 = scf.for %scan3A_34 = %scan3A_3 to %scan3A_5 step %scan3A_6 iter_args(%scan3A_35 = %scan3A) -> (i32)  : i32 {
      %mul3A_36 = arith.constant 16 : i32
      %mul3A_37 = arith.muli %scan3A_34, %mul3A_36 : i32
      %swap3A = arith.index_cast %mul3A_37 : i32 to index
      %swap3A_38 = tpu.vector_load %arg5[%swap3A] {strides = array<i32>} : memref<10240xf32, #tpu.memory_space<vmem>>, vector<16xf32>,
      tpu.vector_store %arg5[%swap3A], %broadcast_in_dim3A_0 {strides = array<i32>} : memref<10240xf32, #tpu.memory_space<vmem>>, vector<16xf32>,
      %scan3A_39 = arith.constant 0 : i32
      scf.yield %scan3A_39 : i32
    }
    %scan3A_8 = arith.constant 640 : i32
    %eq3A = arith.constant 0 : i32
    %eq3A_9 = arith.cmpi eq, %arg0, %eq3A : i32
    %convert_element_type3A = arith.extui %eq3A_9 : i1 to i32
    %cond3A = arith.constant 0 : i32
    %cond3A_10 = arith.cmpi ne, %convert_element_type3A, %cond3A : i32
    scf.if %cond3A_10 {
      %mul3A_34 = arith.constant 20000 : i32
      %mul3A_35 = arith.muli %arg1, %mul3A_34 : i32
      %scan3A_36 = arith.constant 0 : i32
      %scan3A_37 = arith.constant 0 : i32
      %scan3A_38 = arith.constant 10 : i32
      %scan3A_39 = arith.addi %scan3A_37, %scan3A_38 : i32
      %scan3A_40 = arith.constant 1 : i32
      %scan3A_41 = scf.for %scan3A_43 = %scan3A_37 to %scan3A_39 step %scan3A_40 iter_args(%scan3A_44 = %scan3A_36) -> (i32)  : i32 {
        %mul3A_45 = arith.constant 2000 : i32
        %mul3A_46 = arith.muli %scan3A_43, %mul3A_45 : i32
        %add3A = arith.addi %mul3A_35, %mul3A_46 : i32
        "tpu.region"() ({
          %run_scoped3A = tpu.sem_alloc : memref<!tpu.dma_semaphore, #tpu.memory_space<semaphore_mem>>
          %dma_start3A = tpu.memref_slice %arg2[%add3A] : memref<320000xi32, #tpu.memory_space<hbm>> -> memref<2000xi32, #tpu.memory_space<hbm>>
          %dma_start3A_55 = tpu.memref_slice %arg2[%add3A] : memref<320000xi32, #tpu.memory_space<hbm>> -> memref<2000xi32, #tpu.memory_space<hbm>>
          tpu.enqueue_dma source(%dma_start3A_55 : memref<2000xi32, #tpu.memory_space<hbm>>) target(%arg6 : memref<2000xi32, #tpu.memory_space<vmem>>) target_semaphore(%run_scoped3A : memref<!tpu.dma_semaphore, #tpu.memory_space<semaphore_mem>>)
          %dma_wait3A = tpu.memref_slice %arg2[%add3A] : memref<320000xi32, #tpu.memory_space<hbm>> -> memref<2000xi32, #tpu.memory_space<hbm>>
          %dma_wait3A_56 = tpu.memref_slice %arg2[%add3A] : memref<320000xi32, #tpu.memory_space<hbm>> -> memref<2000xi32, #tpu.memory_space<hbm>>
          tpu.wait_dma2 semaphore(%run_scoped3A : memref<!tpu.dma_semaphore, #tpu.memory_space<semaphore_mem>>) src(%dma_wait3A_56 : memref<2000xi32, #tpu.memory_space<hbm>>) dst(%arg6 : memref<2000xi32, #tpu.memory_space<vmem>>)
          tpu.yield
        }) : () -> ()
        %scan3A_47 = arith.constant 0 : i32
        %scan3A_48 = arith.constant 0 : i32
        %scan3A_49 = arith.constant 125 : i32
        %scan3A_50 = arith.addi %scan3A_48, %scan3A_49 : i32
        %scan3A_51 = arith.constant 1 : i32
        %scan3A_52 = scf.for %scan3A_55 = %scan3A_48 to %scan3A_50 step %scan3A_51 iter_args(%scan3A_56 = %scan3A_47) -> (i32)  : i32 {
          %mul3A_57 = arith.constant 16 : i32
          %mul3A_58 = arith.muli %scan3A_55, %mul3A_57 : i32
          %get3A = arith.index_cast %mul3A_58 : i32 to index
          %get3A_59 = tpu.vector_load %arg6[%get3A] {strides = array<i32>} : memref<2000xi32, #tpu.memory_space<vmem>>, vector<16xi32>,
          tpu.vector_store_idx %arg5[%get3A_59], %broadcast_in_dim3A_2 {add = true} : memref<10240xf32, #tpu.memory_space<vmem>>[vector<16xi32>], vector<16xf32>,
          %scan3A_60 = arith.constant 0 : i32
          scf.yield %scan3A_60 : i32
        }
        %scan3A_53 = arith.constant 125 : i32
        %scan3A_54 = arith.constant 0 : i32
        scf.yield %scan3A_54 : i32
      }
      %scan3A_42 = arith.constant 10 : i32
    } else {
    }
    %eq3A_11 = arith.constant 1 : i32
    %eq3A_12 = arith.cmpi eq, %arg0, %eq3A_11 : i32
    %convert_element_type3A_13 = arith.extui %eq3A_12 : i1 to i32
    %cond3A_14 = arith.constant 0 : i32
    %cond3A_15 = arith.cmpi ne, %convert_element_type3A_13, %cond3A_14 : i32
    scf.if %cond3A_15 {
      %mul3A_34 = arith.constant 20000 : i32
      %mul3A_35 = arith.muli %arg1, %mul3A_34 : i32
      %scan3A_36 = arith.constant 0 : i32
      %scan3A_37 = arith.constant 0 : i32
      %scan3A_38 = arith.constant 10 : i32
      %scan3A_39 = arith.addi %scan3A_37, %scan3A_38 : i32
      %scan3A_40 = arith.constant 1 : i32
      %scan3A_41 = scf.for %scan3A_43 = %scan3A_37 to %scan3A_39 step %scan3A_40 iter_args(%scan3A_44 = %scan3A_36) -> (i32)  : i32 {
        %mul3A_45 = arith.constant 2000 : i32
        %mul3A_46 = arith.muli %scan3A_43, %mul3A_45 : i32
        %add3A = arith.addi %mul3A_35, %mul3A_46 : i32
        "tpu.region"() ({
          %run_scoped3A = tpu.sem_alloc : memref<!tpu.dma_semaphore, #tpu.memory_space<semaphore_mem>>
          %dma_start3A = tpu.memref_slice %arg3[%add3A] : memref<320000xi32, #tpu.memory_space<hbm>> -> memref<2000xi32, #tpu.memory_space<hbm>>
          %dma_start3A_55 = tpu.memref_slice %arg3[%add3A] : memref<320000xi32, #tpu.memory_space<hbm>> -> memref<2000xi32, #tpu.memory_space<hbm>>
          tpu.enqueue_dma source(%dma_start3A_55 : memref<2000xi32, #tpu.memory_space<hbm>>) target(%arg6 : memref<2000xi32, #tpu.memory_space<vmem>>) target_semaphore(%run_scoped3A : memref<!tpu.dma_semaphore, #tpu.memory_space<semaphore_mem>>)
          %dma_wait3A = tpu.memref_slice %arg3[%add3A] : memref<320000xi32, #tpu.memory_space<hbm>> -> memref<2000xi32, #tpu.memory_space<hbm>>
          %dma_wait3A_56 = tpu.memref_slice %arg3[%add3A] : memref<320000xi32, #tpu.memory_space<hbm>> -> memref<2000xi32, #tpu.memory_space<hbm>>
          tpu.wait_dma2 semaphore(%run_scoped3A : memref<!tpu.dma_semaphore, #tpu.memory_space<semaphore_mem>>) src(%dma_wait3A_56 : memref<2000xi32, #tpu.memory_space<hbm>>) dst(%arg6 : memref<2000xi32, #tpu.memory_space<vmem>>)
          tpu.yield
        }) : () -> ()
        %scan3A_47 = arith.constant 0 : i32
        %scan3A_48 = arith.constant 0 : i32
        %scan3A_49 = arith.constant 125 : i32
        %scan3A_50 = arith.addi %scan3A_48, %scan3A_49 : i32
        %scan3A_51 = arith.constant 1 : i32
        %scan3A_52 = scf.for %scan3A_55 = %scan3A_48 to %scan3A_50 step %scan3A_51 iter_args(%scan3A_56 = %scan3A_47) -> (i32)  : i32 {
          %mul3A_57 = arith.constant 16 : i32
          %mul3A_58 = arith.muli %scan3A_55, %mul3A_57 : i32
          %get3A = arith.index_cast %mul3A_58 : i32 to index
          %get3A_59 = tpu.vector_load %arg6[%get3A] {strides = array<i32>} : memref<2000xi32, #tpu.memory_space<vmem>>, vector<16xi32>,
          tpu.vector_store_idx %arg5[%get3A_59], %broadcast_in_dim3A_2 {add = true} : memref<10240xf32, #tpu.memory_space<vmem>>[vector<16xi32>], vector<16xf32>,
          %scan3A_60 = arith.constant 0 : i32
          scf.yield %scan3A_60 : i32
        }
        %scan3A_53 = arith.constant 125 : i32
        %scan3A_54 = arith.constant 0 : i32
        scf.yield %scan3A_54 : i32
      }
      %scan3A_42 = arith.constant 10 : i32
    } else {
    }
    "tpu.region"() ({
      %run_scoped3A = tpu.sem_alloc : memref<!tpu.dma_semaphore, #tpu.memory_space<semaphore_mem>>
      %dma_start3A = arith.constant 0 : i32
      %dma_start3A_34 = tpu.memref_slice %arg9[%arg1, %dma_start3A] : memref<16x10240xf32, #tpu.memory_space<vmem_shared>> -> memref<1x10240xf32, #tpu.memory_space<vmem_shared>>
      %dma_start3A_35 = tpu.memref_squeeze %dma_start3A_34 : memref<1x10240xf32, #tpu.memory_space<vmem_shared>> -> memref<10240xf32, #tpu.memory_space<vmem_shared>>
      %dma_start3A_36 = arith.constant 0 : i32
      %dma_start3A_37 = tpu.memref_slice %arg9[%arg1, %dma_start3A_36] : memref<16x10240xf32, #tpu.memory_space<vmem_shared>> -> memref<1x10240xf32, #tpu.memory_space<vmem_shared>>
      %dma_start3A_38 = tpu.memref_squeeze %dma_start3A_37 : memref<1x10240xf32, #tpu.memory_space<vmem_shared>> -> memref<10240xf32, #tpu.memory_space<vmem_shared>>
      tpu.enqueue_dma source(%arg5 : memref<10240xf32, #tpu.memory_space<vmem>>) target(%dma_start3A_38 : memref<10240xf32, #tpu.memory_space<vmem_shared>>) target_semaphore(%run_scoped3A : memref<!tpu.dma_semaphore, #tpu.memory_space<semaphore_mem>>)
      %dma_wait3A = arith.constant 0 : i32
      %dma_wait3A_39 = tpu.memref_slice %arg9[%arg1, %dma_wait3A] : memref<16x10240xf32, #tpu.memory_space<vmem_shared>> -> memref<1x10240xf32, #tpu.memory_space<vmem_shared>>
      %dma_wait3A_40 = tpu.memref_squeeze %dma_wait3A_39 : memref<1x10240xf32, #tpu.memory_space<vmem_shared>> -> memref<10240xf32, #tpu.memory_space<vmem_shared>>
      %dma_wait3A_41 = arith.constant 0 : i32
      %dma_wait3A_42 = tpu.memref_slice %arg9[%arg1, %dma_wait3A_41] : memref<16x10240xf32, #tpu.memory_space<vmem_shared>> -> memref<1x10240xf32, #tpu.memory_space<vmem_shared>>
      %dma_wait3A_43 = tpu.memref_squeeze %dma_wait3A_42 : memref<1x10240xf32, #tpu.memory_space<vmem_shared>> -> memref<10240xf32, #tpu.memory_space<vmem_shared>>
      tpu.wait_dma2 semaphore(%run_scoped3A : memref<!tpu.dma_semaphore, #tpu.memory_space<semaphore_mem>>) src(%arg5 : memref<10240xf32, #tpu.memory_space<vmem>>) dst(%dma_wait3A_43 : memref<10240xf32, #tpu.memory_space<vmem_shared>>)
      tpu.yield
    }) : () -> ()
    %barrier3A = arith.constant 0 : index
    tpu.barrier barrier_id(%barrier3A)
    %mul3A = arith.constant 640 : i32
    %mul3A_16 = arith.muli %arg1, %mul3A : i32
    "tpu.region"() ({
      %run_scoped3A = tpu.sem_alloc : memref<!tpu.dma_semaphore, #tpu.memory_space<semaphore_mem>>
      %dma_start3A = arith.constant 0 : i32
      %dma_start3A_34 = tpu.memref_slice %arg9[%dma_start3A, %mul3A_16] : memref<16x10240xf32, #tpu.memory_space<vmem_shared>> -> memref<16x640xf32, #tpu.memory_space<vmem_shared>>
      %dma_start3A_35 = arith.constant 0 : i32
      %dma_start3A_36 = tpu.memref_slice %arg9[%dma_start3A_35, %mul3A_16] : memref<16x10240xf32, #tpu.memory_space<vmem_shared>> -> memref<16x640xf32, #tpu.memory_space<vmem_shared>>
      tpu.enqueue_dma source(%dma_start3A_36 : memref<16x640xf32, #tpu.memory_space<vmem_shared>>) target(%arg7 : memref<16x640xf32, #tpu.memory_space<vmem>>) target_semaphore(%run_scoped3A : memref<!tpu.dma_semaphore, #tpu.memory_space<semaphore_mem>>)
      %dma_wait3A = arith.constant 0 : i32
      %dma_wait3A_37 = tpu.memref_slice %arg9[%dma_wait3A, %mul3A_16] : memref<16x10240xf32, #tpu.memory_space<vmem_shared>> -> memref<16x640xf32, #tpu.memory_space<vmem_shared>>
      %dma_wait3A_38 = arith.constant 0 : i32
      %dma_wait3A_39 = tpu.memref_slice %arg9[%dma_wait3A_38, %mul3A_16] : memref<16x10240xf32, #tpu.memory_space<vmem_shared>> -> memref<16x640xf32, #tpu.memory_space<vmem_shared>>
      tpu.wait_dma2 semaphore(%run_scoped3A : memref<!tpu.dma_semaphore, #tpu.memory_space<semaphore_mem>>) src(%dma_wait3A_39 : memref<16x640xf32, #tpu.memory_space<vmem_shared>>) dst(%arg7 : memref<16x640xf32, #tpu.memory_space<vmem>>)
      tpu.yield
    }) : () -> ()
    %scan3A_17 = arith.constant 0 : i32
    %scan3A_18 = arith.constant 0 : i32
    %scan3A_19 = arith.constant 40 : i32
    %scan3A_20 = arith.addi %scan3A_18, %scan3A_19 : i32
    %scan3A_21 = arith.constant 1 : i32
    %scan3A_22 = scf.for %scan3A_34 = %scan3A_18 to %scan3A_20 step %scan3A_21 iter_args(%scan3A_35 = %scan3A_17) -> (i32)  : i32 {
      %mul3A_36 = arith.constant 16 : i32
      %mul3A_37 = arith.muli %scan3A_34, %mul3A_36 : i32
      %get3A = arith.constant 0 : i32
      %get3A_38 = arith.index_cast %get3A : i32 to index
      %get3A_39 = arith.index_cast %mul3A_37 : i32 to index
      %get3A_40 = tpu.vector_load %arg7[%get3A_38, %get3A_39] {strides = array<i32>} : memref<16x640xf32, #tpu.memory_space<vmem>>, vector<16xf32>,
      %mul3A_41 = arith.constant 16 : i32
      %mul3A_42 = arith.muli %scan3A_34, %mul3A_41 : i32
      %get3A_43 = arith.constant 1 : i32
      %get3A_44 = arith.index_cast %get3A_43 : i32 to index
      %get3A_45 = arith.index_cast %mul3A_42 : i32 to index
      %get3A_46 = tpu.vector_load %arg7[%get3A_44, %get3A_45] {strides = array<i32>} : memref<16x640xf32, #tpu.memory_space<vmem>>, vector<16xf32>,
      %add3A = arith.addf %get3A_40, %get3A_46 : vector<16xf32>
      %mul3A_47 = arith.constant 16 : i32
      %mul3A_48 = arith.muli %scan3A_34, %mul3A_47 : i32
      %get3A_49 = arith.constant 2 : i32
      %get3A_50 = arith.index_cast %get3A_49 : i32 to index
      %get3A_51 = arith.index_cast %mul3A_48 : i32 to index
      %get3A_52 = tpu.vector_load %arg7[%get3A_50, %get3A_51] {strides = array<i32>} : memref<16x640xf32, #tpu.memory_space<vmem>>, vector<16xf32>,
      %add3A_53 = arith.addf %add3A, %get3A_52 : vector<16xf32>
      %mul3A_54 = arith.constant 16 : i32
      %mul3A_55 = arith.muli %scan3A_34, %mul3A_54 : i32
      %get3A_56 = arith.constant 3 : i32
      %get3A_57 = arith.index_cast %get3A_56 : i32 to index
      %get3A_58 = arith.index_cast %mul3A_55 : i32 to index
      %get3A_59 = tpu.vector_load %arg7[%get3A_57, %get3A_58] {strides = array<i32>} : memref<16x640xf32, #tpu.memory_space<vmem>>, vector<16xf32>,
      %add3A_60 = arith.addf %add3A_53, %get3A_59 : vector<16xf32>
      %mul3A_61 = arith.constant 16 : i32
      %mul3A_62 = arith.muli %scan3A_34, %mul3A_61 : i32
      %get3A_63 = arith.constant 4 : i32
      %get3A_64 = arith.index_cast %get3A_63 : i32 to index
      %get3A_65 = arith.index_cast %mul3A_62 : i32 to index
      %get3A_66 = tpu.vector_load %arg7[%get3A_64, %get3A_65] {strides = array<i32>} : memref<16x640xf32, #tpu.memory_space<vmem>>, vector<16xf32>,
      %add3A_67 = arith.addf %add3A_60, %get3A_66 : vector<16xf32>
      %mul3A_68 = arith.constant 16 : i32
      %mul3A_69 = arith.muli %scan3A_34, %mul3A_68 : i32
      %get3A_70 = arith.constant 5 : i32
      %get3A_71 = arith.index_cast %get3A_70 : i32 to index
      %get3A_72 = arith.index_cast %mul3A_69 : i32 to index
      %get3A_73 = tpu.vector_load %arg7[%get3A_71, %get3A_72] {strides = array<i32>} : memref<16x640xf32, #tpu.memory_space<vmem>>, vector<16xf32>,
      %add3A_74 = arith.addf %add3A_67, %get3A_73 : vector<16xf32>
      %mul3A_75 = arith.constant 16 : i32
      %mul3A_76 = arith.muli %scan3A_34, %mul3A_75 : i32
      %get3A_77 = arith.constant 6 : i32
      %get3A_78 = arith.index_cast %get3A_77 : i32 to index
      %get3A_79 = arith.index_cast %mul3A_76 : i32 to index
      %get3A_80 = tpu.vector_load %arg7[%get3A_78, %get3A_79] {strides = array<i32>} : memref<16x640xf32, #tpu.memory_space<vmem>>, vector<16xf32>,
      %add3A_81 = arith.addf %add3A_74, %get3A_80 : vector<16xf32>
      %mul3A_82 = arith.constant 16 : i32
      %mul3A_83 = arith.muli %scan3A_34, %mul3A_82 : i32
      %get3A_84 = arith.constant 7 : i32
      %get3A_85 = arith.index_cast %get3A_84 : i32 to index
      %get3A_86 = arith.index_cast %mul3A_83 : i32 to index
      %get3A_87 = tpu.vector_load %arg7[%get3A_85, %get3A_86] {strides = array<i32>} : memref<16x640xf32, #tpu.memory_space<vmem>>, vector<16xf32>,
      %add3A_88 = arith.addf %add3A_81, %get3A_87 : vector<16xf32>
      %mul3A_89 = arith.constant 16 : i32
      %mul3A_90 = arith.muli %scan3A_34, %mul3A_89 : i32
      %get3A_91 = arith.constant 8 : i32
      %get3A_92 = arith.index_cast %get3A_91 : i32 to index
      %get3A_93 = arith.index_cast %mul3A_90 : i32 to index
      %get3A_94 = tpu.vector_load %arg7[%get3A_92, %get3A_93] {strides = array<i32>} : memref<16x640xf32, #tpu.memory_space<vmem>>, vector<16xf32>,
      %add3A_95 = arith.addf %add3A_88, %get3A_94 : vector<16xf32>
      %mul3A_96 = arith.constant 16 : i32
      %mul3A_97 = arith.muli %scan3A_34, %mul3A_96 : i32
      %get3A_98 = arith.constant 9 : i32
      %get3A_99 = arith.index_cast %get3A_98 : i32 to index
      %get3A_100 = arith.index_cast %mul3A_97 : i32 to index
      %get3A_101 = tpu.vector_load %arg7[%get3A_99, %get3A_100] {strides = array<i32>} : memref<16x640xf32, #tpu.memory_space<vmem>>, vector<16xf32>,
      %add3A_102 = arith.addf %add3A_95, %get3A_101 : vector<16xf32>
      %mul3A_103 = arith.constant 16 : i32
      %mul3A_104 = arith.muli %scan3A_34, %mul3A_103 : i32
      %get3A_105 = arith.constant 10 : i32
      %get3A_106 = arith.index_cast %get3A_105 : i32 to index
      %get3A_107 = arith.index_cast %mul3A_104 : i32 to index
      %get3A_108 = tpu.vector_load %arg7[%get3A_106, %get3A_107] {strides = array<i32>} : memref<16x640xf32, #tpu.memory_space<vmem>>, vector<16xf32>,
      %add3A_109 = arith.addf %add3A_102, %get3A_108 : vector<16xf32>
      %mul3A_110 = arith.constant 16 : i32
      %mul3A_111 = arith.muli %scan3A_34, %mul3A_110 : i32
      %get3A_112 = arith.constant 11 : i32
      %get3A_113 = arith.index_cast %get3A_112 : i32 to index
      %get3A_114 = arith.index_cast %mul3A_111 : i32 to index
      %get3A_115 = tpu.vector_load %arg7[%get3A_113, %get3A_114] {strides = array<i32>} : memref<16x640xf32, #tpu.memory_space<vmem>>, vector<16xf32>,
      %add3A_116 = arith.addf %add3A_109, %get3A_115 : vector<16xf32>
      %mul3A_117 = arith.constant 16 : i32
      %mul3A_118 = arith.muli %scan3A_34, %mul3A_117 : i32
      %get3A_119 = arith.constant 12 : i32
      %get3A_120 = arith.index_cast %get3A_119 : i32 to index
      %get3A_121 = arith.index_cast %mul3A_118 : i32 to index
      %get3A_122 = tpu.vector_load %arg7[%get3A_120, %get3A_121] {strides = array<i32>} : memref<16x640xf32, #tpu.memory_space<vmem>>, vector<16xf32>,
      %add3A_123 = arith.addf %add3A_116, %get3A_122 : vector<16xf32>
      %mul3A_124 = arith.constant 16 : i32
      %mul3A_125 = arith.muli %scan3A_34, %mul3A_124 : i32
      %get3A_126 = arith.constant 13 : i32
      %get3A_127 = arith.index_cast %get3A_126 : i32 to index
      %get3A_128 = arith.index_cast %mul3A_125 : i32 to index
      %get3A_129 = tpu.vector_load %arg7[%get3A_127, %get3A_128] {strides = array<i32>} : memref<16x640xf32, #tpu.memory_space<vmem>>, vector<16xf32>,
      %add3A_130 = arith.addf %add3A_123, %get3A_129 : vector<16xf32>
      %mul3A_131 = arith.constant 16 : i32
      %mul3A_132 = arith.muli %scan3A_34, %mul3A_131 : i32
      %get3A_133 = arith.constant 14 : i32
      %get3A_134 = arith.index_cast %get3A_133 : i32 to index
      %get3A_135 = arith.index_cast %mul3A_132 : i32 to index
      %get3A_136 = tpu.vector_load %arg7[%get3A_134, %get3A_135] {strides = array<i32>} : memref<16x640xf32, #tpu.memory_space<vmem>>, vector<16xf32>,
      %add3A_137 = arith.addf %add3A_130, %get3A_136 : vector<16xf32>
      %mul3A_138 = arith.constant 16 : i32
      %mul3A_139 = arith.muli %scan3A_34, %mul3A_138 : i32
      %get3A_140 = arith.constant 15 : i32
      %get3A_141 = arith.index_cast %get3A_140 : i32 to index
      %get3A_142 = arith.index_cast %mul3A_139 : i32 to index
      %get3A_143 = tpu.vector_load %arg7[%get3A_141, %get3A_142] {strides = array<i32>} : memref<16x640xf32, #tpu.memory_space<vmem>>, vector<16xf32>,
      %add3A_144 = arith.addf %add3A_137, %get3A_143 : vector<16xf32>
      %mul3A_145 = arith.constant 16 : i32
      %mul3A_146 = arith.muli %scan3A_34, %mul3A_145 : i32
      %swap3A = arith.index_cast %mul3A_146 : i32 to index
      %swap3A_147 = tpu.vector_load %arg8[%swap3A] {strides = array<i32>} : memref<640xf32, #tpu.memory_space<vmem>>, vector<16xf32>,
      tpu.vector_store %arg8[%swap3A], %add3A_144 {strides = array<i32>} : memref<640xf32, #tpu.memory_space<vmem>>, vector<16xf32>,
      %scan3A_148 = arith.constant 0 : i32
      scf.yield %scan3A_148 : i32
    }
    %scan3A_23 = arith.constant 40 : i32
    %eq3A_24 = arith.constant 0 : i32
    %eq3A_25 = arith.cmpi eq, %arg0, %eq3A_24 : i32
    %convert_element_type3A_26 = arith.extui %eq3A_25 : i1 to i32
    %cond3A_27 = arith.constant 0 : i32
    %cond3A_28 = arith.cmpi ne, %convert_element_type3A_26, %cond3A_27 : i32
    scf.if %cond3A_28 {
      %mul3A_34 = arith.constant 640 : i32
      %mul3A_35 = arith.muli %arg1, %mul3A_34 : i32
      %run_scoped3A = arith.constant 0 : i32
      "tpu.region"() ({
        %run_scoped3A_36 = tpu.sem_alloc : memref<!tpu.dma_semaphore, #tpu.memory_space<semaphore_mem>>
        %dma_start3A = tpu.memref_slice %arg4[%run_scoped3A, %mul3A_35] : memref<2x10240xf32, #tpu.memory_space<hbm>> -> memref<1x640xf32, #tpu.memory_space<hbm>>
        %dma_start3A_37 = tpu.memref_squeeze %dma_start3A : memref<1x640xf32, #tpu.memory_space<hbm>> -> memref<640xf32, #tpu.memory_space<hbm>>
        %dma_start3A_38 = tpu.memref_slice %arg4[%run_scoped3A, %mul3A_35] : memref<2x10240xf32, #tpu.memory_space<hbm>> -> memref<1x640xf32, #tpu.memory_space<hbm>>
        %dma_start3A_39 = tpu.memref_squeeze %dma_start3A_38 : memref<1x640xf32, #tpu.memory_space<hbm>> -> memref<640xf32, #tpu.memory_space<hbm>>
        tpu.enqueue_dma source(%arg8 : memref<640xf32, #tpu.memory_space<vmem>>) target(%dma_start3A_39 : memref<640xf32, #tpu.memory_space<hbm>>) target_semaphore(%run_scoped3A_36 : memref<!tpu.dma_semaphore, #tpu.memory_space<semaphore_mem>>)
        %dma_wait3A = tpu.memref_slice %arg4[%run_scoped3A, %mul3A_35] : memref<2x10240xf32, #tpu.memory_space<hbm>> -> memref<1x640xf32, #tpu.memory_space<hbm>>
        %dma_wait3A_40 = tpu.memref_squeeze %dma_wait3A : memref<1x640xf32, #tpu.memory_space<hbm>> -> memref<640xf32, #tpu.memory_space<hbm>>
        %dma_wait3A_41 = tpu.memref_slice %arg4[%run_scoped3A, %mul3A_35] : memref<2x10240xf32, #tpu.memory_space<hbm>> -> memref<1x640xf32, #tpu.memory_space<hbm>>
        %dma_wait3A_42 = tpu.memref_squeeze %dma_wait3A_41 : memref<1x640xf32, #tpu.memory_space<hbm>> -> memref<640xf32, #tpu.memory_space<hbm>>
        tpu.wait_dma2 semaphore(%run_scoped3A_36 : memref<!tpu.dma_semaphore, #tpu.memory_space<semaphore_mem>>) src(%arg8 : memref<640xf32, #tpu.memory_space<vmem>>) dst(%dma_wait3A_42 : memref<640xf32, #tpu.memory_space<hbm>>)
        tpu.yield
      }) : () -> ()
    } else {
    }
    %eq3A_29 = arith.constant 1 : i32
    %eq3A_30 = arith.cmpi eq, %arg0, %eq3A_29 : i32
    %convert_element_type3A_31 = arith.extui %eq3A_30 : i1 to i32
    %cond3A_32 = arith.constant 0 : i32
    %cond3A_33 = arith.cmpi ne, %convert_element_type3A_31, %cond3A_32 : i32
    scf.if %cond3A_33 {
      %mul3A_34 = arith.constant 640 : i32
      %mul3A_35 = arith.muli %arg1, %mul3A_34 : i32
      %run_scoped3A = arith.constant 1 : i32
      "tpu.region"() ({
        %run_scoped3A_36 = tpu.sem_alloc : memref<!tpu.dma_semaphore, #tpu.memory_space<semaphore_mem>>
        %dma_start3A = tpu.memref_slice %arg4[%run_scoped3A, %mul3A_35] : memref<2x10240xf32, #tpu.memory_space<hbm>> -> memref<1x640xf32, #tpu.memory_space<hbm>>
        %dma_start3A_37 = tpu.memref_squeeze %dma_start3A : memref<1x640xf32, #tpu.memory_space<hbm>> -> memref<640xf32, #tpu.memory_space<hbm>>
        %dma_start3A_38 = tpu.memref_slice %arg4[%run_scoped3A, %mul3A_35] : memref<2x10240xf32, #tpu.memory_space<hbm>> -> memref<1x640xf32, #tpu.memory_space<hbm>>
        %dma_start3A_39 = tpu.memref_squeeze %dma_start3A_38 : memref<1x640xf32, #tpu.memory_space<hbm>> -> memref<640xf32, #tpu.memory_space<hbm>>
        tpu.enqueue_dma source(%arg8 : memref<640xf32, #tpu.memory_space<vmem>>) target(%dma_start3A_39 : memref<640xf32, #tpu.memory_space<hbm>>) target_semaphore(%run_scoped3A_36 : memref<!tpu.dma_semaphore, #tpu.memory_space<semaphore_mem>>)
        %dma_wait3A = tpu.memref_slice %arg4[%run_scoped3A, %mul3A_35] : memref<2x10240xf32, #tpu.memory_space<hbm>> -> memref<1x640xf32, #tpu.memory_space<hbm>>
        %dma_wait3A_40 = tpu.memref_squeeze %dma_wait3A : memref<1x640xf32, #tpu.memory_space<hbm>> -> memref<640xf32, #tpu.memory_space<hbm>>
        %dma_wait3A_41 = tpu.memref_slice %arg4[%run_scoped3A, %mul3A_35] : memref<2x10240xf32, #tpu.memory_space<hbm>> -> memref<1x640xf32, #tpu.memory_space<hbm>>
        %dma_wait3A_42 = tpu.memref_squeeze %dma_wait3A_41 : memref<1x640xf32, #tpu.memory_space<hbm>> -> memref<640xf32, #tpu.memory_space<hbm>>
        tpu.wait_dma2 semaphore(%run_scoped3A_36 : memref<!tpu.dma_semaphore, #tpu.memory_space<semaphore_mem>>) src(%arg8 : memref<640xf32, #tpu.memory_space<vmem>>) dst(%dma_wait3A_42 : memref<640xf32, #tpu.memory_space<hbm>>)
        tpu.yield
      }) : () -> ()
    } else {
    }
    return
  }
}

module attributes {stable_mosaic.version = 14 : i64} {
  func.func @_tc1_body(%arg0: i32, %arg1: memref<2048x128xf32, #tpu.memory_space<vmem>>, %arg2: memref<128x128xf32, #tpu.memory_space<vmem>>, %arg3: memref<2048x1xf32, #tpu.memory_space<vmem>>, %arg4: memref<2048x128xf32, #tpu.memory_space<vmem>>) attributes {dimension_semantics = [#tpu.dimension_semantics<arbitrary>], iteration_bounds = array<i64: 10>, scalar_prefetch = 0 : i64, scratch_operands = 0 : i64, tpu.core_type = #tpu.core_type<tc>, window_params = [{transform_indices = @transform_0, window_bounds = array<i64: 2048, 128>}, {pipeline_mode = #tpu.pipeline_mode<synchronous>, transform_indices = @transform_1, window_bounds = array<i64: 128, 128>}, {transform_indices = @transform_2, window_bounds = array<i64: 2048, 1>}, {transform_indices = @transform_3, window_bounds = array<i64: 2048, 128>}]} {
    %get3A = arith.constant 0 : index
    %get3A_0 = arith.constant 0 : index
    %get3A_1 = vector.load %arg3[%get3A, %get3A_0] : memref<2048x1xf32, #tpu.memory_space<vmem>>, vector<2048x1xf32>
    %max3A = arith.constant 1.000000e+00 : f32
    %max3A_2 = vector.broadcast %max3A : f32 to vector<2048x1xf32>
    %max3A_3 = arith.maximumf %get3A_1, %max3A_2 : vector<2048x1xf32>
    %rsqrt3A = math.rsqrt %max3A_3 : vector<2048x1xf32>
    %get3A_4 = arith.constant 0 : index
    %get3A_5 = arith.constant 0 : index
    %get3A_6 = vector.load %arg1[%get3A_4, %get3A_5] : memref<2048x128xf32, #tpu.memory_space<vmem>>, vector<2048x128xf32>
    %get3A_7 = arith.constant 0 : index
    %get3A_8 = arith.constant 0 : index
    %get3A_9 = vector.load %arg2[%get3A_7, %get3A_8] : memref<128x128xf32, #tpu.memory_space<vmem>>, vector<128x128xf32>
    %dot_general3A = arith.constant dense<0.000000e+00> : vector<2048x128xf32>
    %dot_general3A_10 = tpu.matmul %get3A_6, %get3A_9, %dot_general3A {dimension_numbers = #tpu.dot_dimension_numbers<[1], [0], [0], [1], [0, 0, 1, 1], [], []>, transpose_lhs_hint = false} : vector<2048x128xf32>, vector<128x128xf32>, vector<2048x128xf32> -> vector<2048x128xf32>
    %mul3A = vector.broadcast %rsqrt3A : vector<2048x1xf32> to vector<2048x128xf32>
    %mul3A_11 = arith.mulf %dot_general3A_10, %mul3A : vector<2048x128xf32>
    %swap3A = arith.constant 0 : index
    %swap3A_12 = arith.constant 0 : index
    %swap3A_13 = vector.load %arg4[%swap3A, %swap3A_12] : memref<2048x128xf32, #tpu.memory_space<vmem>>, vector<2048x128xf32>
    tpu.vector_store %arg4[%swap3A, %swap3A_12], %mul3A_11 {strides = array<i32>} : memref<2048x128xf32, #tpu.memory_space<vmem>>, vector<2048x128xf32>,
    return
  }
  func.func @transform_0(%arg0: i32) -> (i32, i32) {
    %c0_i32 = arith.constant 0 : i32
    %c0_i32_0 = arith.constant 0 : i32
    return %arg0, %c0_i32 : i32, i32
  }
  func.func @transform_1(%arg0: i32) -> (i32, i32) {
    %c0_i32 = arith.constant 0 : i32
    %c0_i32_0 = arith.constant 0 : i32
    %c0_i32_1 = arith.constant 0 : i32
    return %c0_i32, %c0_i32_0 : i32, i32
  }
  func.func @transform_2(%arg0: i32) -> (i32, i32) {
    %c0_i32 = arith.constant 0 : i32
    %c0_i32_0 = arith.constant 0 : i32
    return %arg0, %c0_i32 : i32, i32
  }
  func.func @transform_3(%arg0: i32) -> (i32, i32) {
    %c0_i32 = arith.constant 0 : i32
    %c0_i32_0 = arith.constant 0 : i32
    return %arg0, %c0_i32 : i32, i32
  }
}

module attributes {stable_mosaic.version = 14 : i64} {
  func.func @_tc2_body(%arg0: i32, %arg1: memref<2048x128xf32, #tpu.memory_space<vmem>>, %arg2: memref<2048x1xf32, #tpu.memory_space<vmem>>, %arg3: memref<1x128xf32, #tpu.memory_space<vmem>>, %arg4: memref<128x128xf32, #tpu.memory_space<vmem>>, %arg5: memref<2048x128xf32, #tpu.memory_space<vmem>>, %arg6: memref<2048x128xf32, #tpu.memory_space<vmem>>) attributes {dimension_semantics = [#tpu.dimension_semantics<arbitrary>], iteration_bounds = array<i64: 10>, scalar_prefetch = 0 : i64, scratch_operands = 0 : i64, tpu.core_type = #tpu.core_type<tc>, window_params = [{transform_indices = @transform_0, window_bounds = array<i64: 2048, 128>}, {transform_indices = @transform_1, window_bounds = array<i64: 2048, 1>}, {pipeline_mode = #tpu.pipeline_mode<synchronous>, transform_indices = @transform_2, window_bounds = array<i64: 1, 128>}, {pipeline_mode = #tpu.pipeline_mode<synchronous>, transform_indices = @transform_3, window_bounds = array<i64: 128, 128>}, {transform_indices = @transform_4, window_bounds = array<i64: 2048, 128>}, {transform_indices = @transform_5, window_bounds = array<i64: 2048, 128>}]} {
    %get3A = arith.constant 0 : index
    %get3A_0 = arith.constant 0 : index
    %get3A_1 = vector.load %arg2[%get3A, %get3A_0] : memref<2048x1xf32, #tpu.memory_space<vmem>>, vector<2048x1xf32>
    %max3A = arith.constant 1.000000e+00 : f32
    %max3A_2 = vector.broadcast %max3A : f32 to vector<2048x1xf32>
    %max3A_3 = arith.maximumf %get3A_1, %max3A_2 : vector<2048x1xf32>
    %rsqrt3A = math.rsqrt %max3A_3 : vector<2048x1xf32>
    %get3A_4 = arith.constant 0 : index
    %get3A_5 = arith.constant 0 : index
    %get3A_6 = vector.load %arg1[%get3A_4, %get3A_5] : memref<2048x128xf32, #tpu.memory_space<vmem>>, vector<2048x128xf32>
    %mul3A = vector.broadcast %rsqrt3A : vector<2048x1xf32> to vector<2048x128xf32>
    %mul3A_7 = arith.mulf %get3A_6, %mul3A : vector<2048x128xf32>
    %get3A_8 = arith.constant 0 : index
    %get3A_9 = arith.constant 0 : index
    %get3A_10 = vector.load %arg3[%get3A_8, %get3A_9] : memref<1x128xf32, #tpu.memory_space<vmem>>, vector<1x128xf32>
    %add3A = vector.broadcast %get3A_10 : vector<1x128xf32> to vector<2048x128xf32>
    %add3A_11 = arith.addf %mul3A_7, %add3A : vector<2048x128xf32>
    %ge3A = arith.constant 0.000000e+00 : f32
    %ge3A_12 = vector.broadcast %ge3A : f32 to vector<2048x128xf32>
    %ge3A_13 = arith.cmpf oge, %add3A_11, %ge3A_12 : vector<2048x128xf32>
    %mul3A_14 = arith.constant 0.00999999977 : f32
    %mul3A_15 = vector.broadcast %mul3A_14 : f32 to vector<2048x128xf32>
    %mul3A_16 = arith.mulf %mul3A_15, %add3A_11 : vector<2048x128xf32>
    %select_n3A = arith.select %ge3A_13, %add3A_11, %mul3A_16 : vector<2048x128xi1>, vector<2048x128xf32>
    %swap3A = arith.constant 0 : index
    %swap3A_17 = arith.constant 0 : index
    %swap3A_18 = vector.load %arg5[%swap3A, %swap3A_17] : memref<2048x128xf32, #tpu.memory_space<vmem>>, vector<2048x128xf32>
    tpu.vector_store %arg5[%swap3A, %swap3A_17], %select_n3A {strides = array<i32>} : memref<2048x128xf32, #tpu.memory_space<vmem>>, vector<2048x128xf32>,
    %get3A_19 = arith.constant 0 : index
    %get3A_20 = arith.constant 0 : index
    %get3A_21 = vector.load %arg4[%get3A_19, %get3A_20] : memref<128x128xf32, #tpu.memory_space<vmem>>, vector<128x128xf32>
    %dot_general3A = arith.constant dense<0.000000e+00> : vector<2048x128xf32>
    %dot_general3A_22 = tpu.matmul %select_n3A, %get3A_21, %dot_general3A {dimension_numbers = #tpu.dot_dimension_numbers<[1], [0], [0], [1], [0, 0, 1, 1], [], []>, transpose_lhs_hint = false} : vector<2048x128xf32>, vector<128x128xf32>, vector<2048x128xf32> -> vector<2048x128xf32>
    %mul3A_23 = vector.broadcast %rsqrt3A : vector<2048x1xf32> to vector<2048x128xf32>
    %mul3A_24 = arith.mulf %dot_general3A_22, %mul3A_23 : vector<2048x128xf32>
    %swap3A_25 = arith.constant 0 : index
    %swap3A_26 = arith.constant 0 : index
    %swap3A_27 = vector.load %arg6[%swap3A_25, %swap3A_26] : memref<2048x128xf32, #tpu.memory_space<vmem>>, vector<2048x128xf32>
    tpu.vector_store %arg6[%swap3A_25, %swap3A_26], %mul3A_24 {strides = array<i32>} : memref<2048x128xf32, #tpu.memory_space<vmem>>, vector<2048x128xf32>,
    return
  }
  func.func @transform_0(%arg0: i32) -> (i32, i32) {
    %c0_i32 = arith.constant 0 : i32
    %c0_i32_0 = arith.constant 0 : i32
    return %arg0, %c0_i32 : i32, i32
  }
  func.func @transform_1(%arg0: i32) -> (i32, i32) {
    %c0_i32 = arith.constant 0 : i32
    %c0_i32_0 = arith.constant 0 : i32
    return %arg0, %c0_i32 : i32, i32
  }
  func.func @transform_2(%arg0: i32) -> (i32, i32) {
    %c0_i32 = arith.constant 0 : i32
    %c0_i32_0 = arith.constant 0 : i32
    %c0_i32_1 = arith.constant 0 : i32
    return %c0_i32, %c0_i32_0 : i32, i32
  }
  func.func @transform_3(%arg0: i32) -> (i32, i32) {
    %c0_i32 = arith.constant 0 : i32
    %c0_i32_0 = arith.constant 0 : i32
    %c0_i32_1 = arith.constant 0 : i32
    return %c0_i32, %c0_i32_0 : i32, i32
  }
  func.func @transform_4(%arg0: i32) -> (i32, i32) {
    %c0_i32 = arith.constant 0 : i32
    %c0_i32_0 = arith.constant 0 : i32
    return %arg0, %c0_i32 : i32, i32
  }
  func.func @transform_5(%arg0: i32) -> (i32, i32) {
    %c0_i32 = arith.constant 0 : i32
    %c0_i32_0 = arith.constant 0 : i32
    return %arg0, %c0_i32 : i32, i32
  }
}

module attributes {stable_mosaic.version = 14 : i64} {
  func.func @_tc3_body(%arg0: i32, %arg1: memref<2048x128xf32, #tpu.memory_space<vmem>>, %arg2: memref<2048x1xf32, #tpu.memory_space<vmem>>, %arg3: memref<1x128xf32, #tpu.memory_space<vmem>>, %arg4: memref<2048x128xf32, #tpu.memory_space<vmem>>, %arg5: memref<128x128xf32, #tpu.memory_space<vmem>>, %arg6: memref<1x128xf32, #tpu.memory_space<vmem>>, %arg7: memref<8x128xf32, #tpu.memory_space<vmem>>, %arg8: memref<2048x1xi32, #tpu.memory_space<vmem>>, %arg9: memref<1x1xf32, #tpu.memory_space<vmem>>, %arg10: memref<2xf32, #tpu.memory_space<smem>>) attributes {dimension_semantics = [#tpu.dimension_semantics<arbitrary>], iteration_bounds = array<i64: 10>, scalar_prefetch = 0 : i64, scratch_operands = 1 : i64, tpu.core_type = #tpu.core_type<tc>, window_params = [{transform_indices = @transform_0, window_bounds = array<i64: 2048, 128>}, {transform_indices = @transform_1, window_bounds = array<i64: 2048, 1>}, {pipeline_mode = #tpu.pipeline_mode<synchronous>, transform_indices = @transform_2, window_bounds = array<i64: 1, 128>}, {transform_indices = @transform_3, window_bounds = array<i64: 2048, 128>}, {pipeline_mode = #tpu.pipeline_mode<synchronous>, transform_indices = @transform_4, window_bounds = array<i64: 128, 128>}, {pipeline_mode = #tpu.pipeline_mode<synchronous>, transform_indices = @transform_5, window_bounds = array<i64: 1, 128>}, {pipeline_mode = #tpu.pipeline_mode<synchronous>, transform_indices = @transform_6, window_bounds = array<i64: 8, 128>}, {transform_indices = @transform_7, window_bounds = array<i64: 2048, 1>}, {pipeline_mode = #tpu.pipeline_mode<synchronous>, transform_indices = @transform_8, window_bounds = array<i64: 1, 1>}]} {
    %eq3A = arith.constant 0 : i32
    %eq3A_0 = arith.cmpi eq, %arg0, %eq3A : i32
    %convert_element_type3A = arith.extui %eq3A_0 : i1 to i32
    %cond3A = arith.constant 0 : i32
    %cond3A_1 = arith.cmpi ne, %convert_element_type3A, %cond3A : i32
    scf.if %cond3A_1 {
      %swap3A_167 = arith.constant 0.000000e+00 : f32
      %swap3A_168 = arith.constant 0 : index
      %swap3A_169 = memref.load %arg10[%swap3A_168] : memref<2xf32, #tpu.memory_space<smem>>
      memref.store %swap3A_167, %arg10[%swap3A_168] : memref<2xf32, #tpu.memory_space<smem>>
      %swap3A_170 = arith.constant 0.000000e+00 : f32
      %swap3A_171 = arith.constant 1 : index
      %swap3A_172 = memref.load %arg10[%swap3A_171] : memref<2xf32, #tpu.memory_space<smem>>
      memref.store %swap3A_170, %arg10[%swap3A_171] : memref<2xf32, #tpu.memory_space<smem>>
    } else {
    }
    %get3A = arith.constant 0 : index
    %get3A_2 = arith.constant 0 : index
    %get3A_3 = vector.load %arg2[%get3A, %get3A_2] : memref<2048x1xf32, #tpu.memory_space<vmem>>, vector<2048x1xf32>
    %max3A = arith.constant 1.000000e+00 : f32
    %max3A_4 = vector.broadcast %max3A : f32 to vector<2048x1xf32>
    %max3A_5 = arith.maximumf %get3A_3, %max3A_4 : vector<2048x1xf32>
    %rsqrt3A = math.rsqrt %max3A_5 : vector<2048x1xf32>
    %get3A_6 = arith.constant 0 : index
    %get3A_7 = arith.constant 0 : index
    %get3A_8 = vector.load %arg1[%get3A_6, %get3A_7] : memref<2048x128xf32, #tpu.memory_space<vmem>>, vector<2048x128xf32>
    %mul3A = vector.broadcast %rsqrt3A : vector<2048x1xf32> to vector<2048x128xf32>
    %mul3A_9 = arith.mulf %get3A_8, %mul3A : vector<2048x128xf32>
    %get3A_10 = arith.constant 0 : index
    %get3A_11 = arith.constant 0 : index
    %get3A_12 = vector.load %arg3[%get3A_10, %get3A_11] : memref<1x128xf32, #tpu.memory_space<vmem>>, vector<1x128xf32>
    %add3A = vector.broadcast %get3A_12 : vector<1x128xf32> to vector<2048x128xf32>
    %add3A_13 = arith.addf %mul3A_9, %add3A : vector<2048x128xf32>
    %ge3A = arith.constant 0.000000e+00 : f32
    %ge3A_14 = vector.broadcast %ge3A : f32 to vector<2048x128xf32>
    %ge3A_15 = arith.cmpf oge, %add3A_13, %ge3A_14 : vector<2048x128xf32>
    %mul3A_16 = arith.constant 0.00999999977 : f32
    %mul3A_17 = vector.broadcast %mul3A_16 : f32 to vector<2048x128xf32>
    %mul3A_18 = arith.mulf %mul3A_17, %add3A_13 : vector<2048x128xf32>
    %select_n3A = arith.select %ge3A_15, %add3A_13, %mul3A_18 : vector<2048x128xi1>, vector<2048x128xf32>
    %get3A_19 = arith.constant 0 : index
    %get3A_20 = arith.constant 0 : index
    %get3A_21 = vector.load %arg5[%get3A_19, %get3A_20] : memref<128x128xf32, #tpu.memory_space<vmem>>, vector<128x128xf32>
    %dot_general3A = arith.constant dense<0.000000e+00> : vector<2048x128xf32>
    %dot_general3A_22 = tpu.matmul %select_n3A, %get3A_21, %dot_general3A {dimension_numbers = #tpu.dot_dimension_numbers<[1], [0], [0], [1], [0, 0, 1, 1], [], []>, transpose_lhs_hint = false} : vector<2048x128xf32>, vector<128x128xf32>, vector<2048x128xf32> -> vector<2048x128xf32>
    %get3A_23 = arith.constant 0 : index
    %get3A_24 = arith.constant 0 : index
    %get3A_25 = vector.load %arg6[%get3A_23, %get3A_24] : memref<1x128xf32, #tpu.memory_space<vmem>>, vector<1x128xf32>
    %add3A_26 = vector.broadcast %get3A_25 : vector<1x128xf32> to vector<2048x128xf32>
    %add3A_27 = arith.addf %dot_general3A_22, %add3A_26 : vector<2048x128xf32>
    %iota3A = tpu.iota {dimensions = array<i32: 1>} : vector<2048x128xi32>
    %lt3A = arith.constant 10 : i32
    %lt3A_28 = vector.broadcast %lt3A : i32 to vector<2048x128xi32>
    %lt3A_29 = arith.cmpi slt, %iota3A, %lt3A_28 : vector<2048x128xi32>
    %jit3A = arith.constant -1.000000e+30 : f32
    %broadcast_in_dim3A = vector.broadcast %jit3A : f32 to vector<2048x128xf32>
    %select_n3A_30 = arith.select %lt3A_29, %add3A_27, %broadcast_in_dim3A : vector<2048x128xi1>, vector<2048x128xf32>
    %reduce_max3A = arith.constant dense<0xFF800000> : vector<2048xf32>
    %reduce_max3A_31 = vector.multi_reduction <maximumf>, %select_n3A_30, %reduce_max3A [1] : vector<2048x128xf32> to vector<2048xf32>
    %broadcast_in_dim3A_32 = vector.shape_cast %reduce_max3A_31 : vector<2048xf32> to vector<2048x1xf32>
    %sub3A = vector.broadcast %broadcast_in_dim3A_32 : vector<2048x1xf32> to vector<2048x128xf32>
    %sub3A_33 = arith.subf %add3A_27, %sub3A : vector<2048x128xf32>
    %exp3A = math.exp %sub3A_33 : vector<2048x128xf32>
    %jit3A_34 = arith.constant 0.000000e+00 : f32
    %broadcast_in_dim3A_35 = vector.broadcast %jit3A_34 : f32 to vector<2048x128xf32>
    %select_n3A_36 = arith.select %lt3A_29, %exp3A, %broadcast_in_dim3A_35 : vector<2048x128xi1>, vector<2048x128xf32>
    %reduce_sum3A = arith.constant dense<0.000000e+00> : vector<2048xf32>
    %reduce_sum3A_37 = vector.multi_reduction <add>, %select_n3A_36, %reduce_sum3A [1] : vector<2048x128xf32> to vector<2048xf32>
    %broadcast_in_dim3A_38 = vector.shape_cast %reduce_sum3A_37 : vector<2048xf32> to vector<2048x1xf32>
    %log3A = math.log %broadcast_in_dim3A_38 : vector<2048x1xf32>
    %add3A_39 = arith.addf %broadcast_in_dim3A_32, %log3A : vector<2048x1xf32>
    %iota3A_40 = tpu.iota {dimensions = array<i32: 0>} : vector<2048x1xi32>
    %mul3A_41 = arith.constant 2048 : i32
    %mul3A_42 = arith.muli %arg0, %mul3A_41 : i32
    %add3A_43 = vector.broadcast %mul3A_42 : i32 to vector<2048x1xi32>
    %add3A_44 = arith.addi %iota3A_40, %add3A_43 : vector<2048x1xi32>
    %lt3A_45 = arith.constant 10000 : i32
    %lt3A_46 = vector.broadcast %lt3A_45 : i32 to vector<2048x1xi32>
    %lt3A_47 = arith.cmpi slt, %add3A_44, %lt3A_46 : vector<2048x1xi32>
    %get3A_48 = arith.constant 0 : index
    %get3A_49 = arith.constant 0 : index
    %get3A_50 = vector.load %arg8[%get3A_48, %get3A_49] : memref<2048x1xi32, #tpu.memory_space<vmem>>, vector<2048x1xi32>
    %eq3A_51 = vector.broadcast %get3A_50 : vector<2048x1xi32> to vector<2048x128xi32>
    %eq3A_52 = arith.cmpi eq, %iota3A, %eq3A_51 : vector<2048x128xi32>
    %jit3A_53 = arith.constant 0.000000e+00 : f32
    %broadcast_in_dim3A_54 = vector.broadcast %jit3A_53 : f32 to vector<2048x128xf32>
    %select_n3A_55 = arith.select %eq3A_52, %add3A_27, %broadcast_in_dim3A_54 : vector<2048x128xi1>, vector<2048x128xf32>
    %reduce_sum3A_56 = arith.constant dense<0.000000e+00> : vector<2048xf32>
    %reduce_sum3A_57 = vector.multi_reduction <add>, %select_n3A_55, %reduce_sum3A_56 [1] : vector<2048x128xf32> to vector<2048xf32>
    %broadcast_in_dim3A_58 = vector.shape_cast %reduce_sum3A_57 : vector<2048xf32> to vector<2048x1xf32>
    %sub3A_59 = arith.subf %broadcast_in_dim3A_58, %add3A_39 : vector<2048x1xf32>
    %jit3A_60 = arith.constant 0.000000e+00 : f32
    %broadcast_in_dim3A_61 = vector.broadcast %jit3A_60 : f32 to vector<2048x1xf32>
    %select_n3A_62 = arith.select %lt3A_47, %sub3A_59, %broadcast_in_dim3A_61 : vector<2048x1xi1>, vector<2048x1xf32>
    %reduce_sum3A_63 = vector.shape_cast %select_n3A_62 : vector<2048x1xf32> to vector<1x2048x1xf32>
    %reduce_sum3A_64 = arith.constant dense<0.000000e+00> : vector<1xf32>
    %reduce_sum3A_65 = vector.multi_reduction <add>, %reduce_sum3A_63, %reduce_sum3A_64 [1, 2] : vector<1x2048x1xf32> to vector<1xf32>
    %reduce_sum3A_66 = vector.shape_cast %reduce_sum3A_65 : vector<1xf32> to vector<1x1x1xf32>
    %reduce_sum3A_67 = vector.extract %reduce_sum3A_66[0, 0, 0] : f32 from vector<1x1x1xf32>
    %get3A_68 = arith.constant 0 : index
    %get3A_69 = arith.constant 0 : index
    %get3A_70 = vector.load %arg4[%get3A_68, %get3A_69] : memref<2048x128xf32, #tpu.memory_space<vmem>>, vector<2048x128xf32>
    %get3A_71 = arith.constant 0 : index
    %get3A_72 = arith.constant 0 : index
    %get3A_73 = vector.load %arg7[%get3A_71, %get3A_72] : memref<8x128xf32, #tpu.memory_space<vmem>>, vector<8x128xf32>
    %slice3A = vector.extract_strided_slice %get3A_73 {offsets = [0, 0], sizes = [1, 128], strides = [1, 1]} : vector<8x128xf32> to vector<1x128xf32>
    %mul3A_74 = vector.broadcast %slice3A : vector<1x128xf32> to vector<2048x128xf32>
    %mul3A_75 = arith.mulf %get3A_70, %mul3A_74 : vector<2048x128xf32>
    %reduce_sum3A_76 = arith.constant dense<0.000000e+00> : vector<2048xf32>
    %reduce_sum3A_77 = vector.multi_reduction <add>, %mul3A_75, %reduce_sum3A_76 [1] : vector<2048x128xf32> to vector<2048xf32>
    %broadcast_in_dim3A_78 = vector.shape_cast %reduce_sum3A_77 : vector<2048xf32> to vector<2048x1xf32>
    %slice3A_79 = vector.extract_strided_slice %get3A_73 {offsets = [2, 0], sizes = [1, 128], strides = [1, 1]} : vector<8x128xf32> to vector<1x128xf32>
    %mul3A_80 = vector.broadcast %slice3A_79 : vector<1x128xf32> to vector<2048x128xf32>
    %mul3A_81 = arith.mulf %select_n3A, %mul3A_80 : vector<2048x128xf32>
    %reduce_sum3A_82 = arith.constant dense<0.000000e+00> : vector<2048xf32>
    %reduce_sum3A_83 = vector.multi_reduction <add>, %mul3A_81, %reduce_sum3A_82 [1] : vector<2048x128xf32> to vector<2048xf32>
    %broadcast_in_dim3A_84 = vector.shape_cast %reduce_sum3A_83 : vector<2048xf32> to vector<2048x1xf32>
    %add3A_85 = arith.addf %broadcast_in_dim3A_78, %broadcast_in_dim3A_84 : vector<2048x1xf32>
    %slice3A_86 = vector.extract_strided_slice %get3A_73 {offsets = [4, 0], sizes = [1, 128], strides = [1, 1]} : vector<8x128xf32> to vector<1x128xf32>
    %mul3A_87 = vector.broadcast %slice3A_86 : vector<1x128xf32> to vector<2048x128xf32>
    %mul3A_88 = arith.mulf %add3A_27, %mul3A_87 : vector<2048x128xf32>
    %reduce_sum3A_89 = arith.constant dense<0.000000e+00> : vector<2048xf32>
    %reduce_sum3A_90 = vector.multi_reduction <add>, %mul3A_88, %reduce_sum3A_89 [1] : vector<2048x128xf32> to vector<2048xf32>
    %broadcast_in_dim3A_91 = vector.shape_cast %reduce_sum3A_90 : vector<2048xf32> to vector<2048x1xf32>
    %add3A_92 = arith.addf %add3A_85, %broadcast_in_dim3A_91 : vector<2048x1xf32>
    %slice3A_93 = vector.extract_strided_slice %get3A_73 {offsets = [6, 0], sizes = [1, 128], strides = [1, 1]} : vector<8x128xf32> to vector<1x128xf32>
    %reduce_sum3A_94 = vector.shape_cast %slice3A_93 : vector<1x128xf32> to vector<1x1x128xf32>
    %reduce_sum3A_95 = arith.constant dense<0.000000e+00> : vector<1xf32>
    %reduce_sum3A_96 = vector.multi_reduction <add>, %reduce_sum3A_94, %reduce_sum3A_95 [1, 2] : vector<1x1x128xf32> to vector<1xf32>
    %reduce_sum3A_97 = vector.shape_cast %reduce_sum3A_96 : vector<1xf32> to vector<1x1x1xf32>
    %reduce_sum3A_98 = vector.extract %reduce_sum3A_97[0, 0, 0] : f32 from vector<1x1x1xf32>
    %add3A_99 = vector.broadcast %reduce_sum3A_98 : f32 to vector<2048x1xf32>
    %add3A_100 = arith.addf %add3A_92, %add3A_99 : vector<2048x1xf32>
    %slice3A_101 = vector.extract_strided_slice %get3A_73 {offsets = [1, 0], sizes = [1, 128], strides = [1, 1]} : vector<8x128xf32> to vector<1x128xf32>
    %mul3A_102 = vector.broadcast %slice3A_101 : vector<1x128xf32> to vector<2048x128xf32>
    %mul3A_103 = arith.mulf %get3A_70, %mul3A_102 : vector<2048x128xf32>
    %reduce_sum3A_104 = arith.constant dense<0.000000e+00> : vector<2048xf32>
    %reduce_sum3A_105 = vector.multi_reduction <add>, %mul3A_103, %reduce_sum3A_104 [1] : vector<2048x128xf32> to vector<2048xf32>
    %broadcast_in_dim3A_106 = vector.shape_cast %reduce_sum3A_105 : vector<2048xf32> to vector<2048x1xf32>
    %slice3A_107 = vector.extract_strided_slice %get3A_73 {offsets = [3, 0], sizes = [1, 128], strides = [1, 1]} : vector<8x128xf32> to vector<1x128xf32>
    %mul3A_108 = vector.broadcast %slice3A_107 : vector<1x128xf32> to vector<2048x128xf32>
    %mul3A_109 = arith.mulf %select_n3A, %mul3A_108 : vector<2048x128xf32>
    %reduce_sum3A_110 = arith.constant dense<0.000000e+00> : vector<2048xf32>
    %reduce_sum3A_111 = vector.multi_reduction <add>, %mul3A_109, %reduce_sum3A_110 [1] : vector<2048x128xf32> to vector<2048xf32>
    %broadcast_in_dim3A_112 = vector.shape_cast %reduce_sum3A_111 : vector<2048xf32> to vector<2048x1xf32>
    %add3A_113 = arith.addf %broadcast_in_dim3A_106, %broadcast_in_dim3A_112 : vector<2048x1xf32>
    %slice3A_114 = vector.extract_strided_slice %get3A_73 {offsets = [5, 0], sizes = [1, 128], strides = [1, 1]} : vector<8x128xf32> to vector<1x128xf32>
    %mul3A_115 = vector.broadcast %slice3A_114 : vector<1x128xf32> to vector<2048x128xf32>
    %mul3A_116 = arith.mulf %add3A_27, %mul3A_115 : vector<2048x128xf32>
    %reduce_sum3A_117 = arith.constant dense<0.000000e+00> : vector<2048xf32>
    %reduce_sum3A_118 = vector.multi_reduction <add>, %mul3A_116, %reduce_sum3A_117 [1] : vector<2048x128xf32> to vector<2048xf32>
    %broadcast_in_dim3A_119 = vector.shape_cast %reduce_sum3A_118 : vector<2048xf32> to vector<2048x1xf32>
    %add3A_120 = arith.addf %add3A_113, %broadcast_in_dim3A_119 : vector<2048x1xf32>
    %slice3A_121 = vector.extract_strided_slice %get3A_73 {offsets = [7, 0], sizes = [1, 128], strides = [1, 1]} : vector<8x128xf32> to vector<1x128xf32>
    %reduce_sum3A_122 = vector.shape_cast %slice3A_121 : vector<1x128xf32> to vector<1x1x128xf32>
    %reduce_sum3A_123 = arith.constant dense<0.000000e+00> : vector<1xf32>
    %reduce_sum3A_124 = vector.multi_reduction <add>, %reduce_sum3A_122, %reduce_sum3A_123 [1, 2] : vector<1x1x128xf32> to vector<1xf32>
    %reduce_sum3A_125 = vector.shape_cast %reduce_sum3A_124 : vector<1xf32> to vector<1x1x1xf32>
    %reduce_sum3A_126 = vector.extract %reduce_sum3A_125[0, 0, 0] : f32 from vector<1x1x1xf32>
    %add3A_127 = vector.broadcast %reduce_sum3A_126 : f32 to vector<2048x1xf32>
    %add3A_128 = arith.addf %add3A_120, %add3A_127 : vector<2048x1xf32>
    %max3A_129 = arith.maximumf %add3A_100, %add3A_128 : vector<2048x1xf32>
    %sub3A_130 = arith.subf %add3A_100, %max3A_129 : vector<2048x1xf32>
    %exp3A_131 = math.exp %sub3A_130 : vector<2048x1xf32>
    %sub3A_132 = arith.subf %add3A_128, %max3A_129 : vector<2048x1xf32>
    %exp3A_133 = math.exp %sub3A_132 : vector<2048x1xf32>
    %add3A_134 = arith.addf %exp3A_131, %exp3A_133 : vector<2048x1xf32>
    %log3A_135 = math.log %add3A_134 : vector<2048x1xf32>
    %add3A_136 = arith.addf %max3A_129, %log3A_135 : vector<2048x1xf32>
    %select_n3A_137 = arith.select %lt3A_47, %add3A_100, %add3A_128 : vector<2048x1xi1>, vector<2048x1xf32>
    %ge3A_138 = arith.constant 10240 : i32
    %ge3A_139 = vector.broadcast %ge3A_138 : i32 to vector<2048x1xi32>
    %ge3A_140 = arith.cmpi sge, %add3A_44, %ge3A_139 : vector<2048x1xi32>
    %lt3A_141 = arith.constant 20240 : i32
    %lt3A_142 = vector.broadcast %lt3A_141 : i32 to vector<2048x1xi32>
    %lt3A_143 = arith.cmpi slt, %add3A_44, %lt3A_142 : vector<2048x1xi32>
    %and3A = arith.andi %ge3A_140, %lt3A_143 : vector<2048x1xi1>
    %or3A = arith.ori %lt3A_47, %and3A : vector<2048x1xi1>
    %sub3A_144 = arith.subf %select_n3A_137, %add3A_136 : vector<2048x1xf32>
    %jit3A_145 = arith.constant 0.000000e+00 : f32
    %broadcast_in_dim3A_146 = vector.broadcast %jit3A_145 : f32 to vector<2048x1xf32>
    %select_n3A_147 = arith.select %or3A, %sub3A_144, %broadcast_in_dim3A_146 : vector<2048x1xi1>, vector<2048x1xf32>
    %reduce_sum3A_148 = vector.shape_cast %select_n3A_147 : vector<2048x1xf32> to vector<1x2048x1xf32>
    %reduce_sum3A_149 = arith.constant dense<0.000000e+00> : vector<1xf32>
    %reduce_sum3A_150 = vector.multi_reduction <add>, %reduce_sum3A_148, %reduce_sum3A_149 [1, 2] : vector<1x2048x1xf32> to vector<1xf32>
    %reduce_sum3A_151 = vector.shape_cast %reduce_sum3A_150 : vector<1xf32> to vector<1x1x1xf32>
    %reduce_sum3A_152 = vector.extract %reduce_sum3A_151[0, 0, 0] : f32 from vector<1x1x1xf32>
    %get3A_153 = arith.constant 0 : index
    %get3A_154 = memref.load %arg10[%get3A_153] : memref<2xf32, #tpu.memory_space<smem>>
    %add3A_155 = arith.addf %get3A_154, %reduce_sum3A_67 : f32
    %swap3A = arith.constant 0 : index
    %swap3A_156 = memref.load %arg10[%swap3A] : memref<2xf32, #tpu.memory_space<smem>>
    memref.store %add3A_155, %arg10[%swap3A] : memref<2xf32, #tpu.memory_space<smem>>
    %get3A_157 = arith.constant 1 : index
    %get3A_158 = memref.load %arg10[%get3A_157] : memref<2xf32, #tpu.memory_space<smem>>
    %add3A_159 = arith.addf %get3A_158, %reduce_sum3A_152 : f32
    %swap3A_160 = arith.constant 1 : index
    %swap3A_161 = memref.load %arg10[%swap3A_160] : memref<2xf32, #tpu.memory_space<smem>>
    memref.store %add3A_159, %arg10[%swap3A_160] : memref<2xf32, #tpu.memory_space<smem>>
    %eq3A_162 = arith.constant 9 : i32
    %eq3A_163 = arith.cmpi eq, %arg0, %eq3A_162 : i32
    %convert_element_type3A_164 = arith.extui %eq3A_163 : i1 to i32
    %cond3A_165 = arith.constant 0 : i32
    %cond3A_166 = arith.cmpi ne, %convert_element_type3A_164, %cond3A_165 : i32
    scf.if %cond3A_166 {
      %get3A_167 = arith.constant 0 : index
      %get3A_168 = memref.load %arg10[%get3A_167] : memref<2xf32, #tpu.memory_space<smem>>
      %div3A = arith.constant 1.000000e+04 : f32
      %div3A_169 = arith.divf %get3A_168, %div3A : f32
      %neg3A = arith.constant 0.000000e+00 : f32
      %neg3A_170 = arith.subf %neg3A, %div3A_169 : f32
      %get3A_171 = arith.constant 1 : index
      %get3A_172 = memref.load %arg10[%get3A_171] : memref<2xf32, #tpu.memory_space<smem>>
      %div3A_173 = arith.constant 2.000000e+04 : f32
      %div3A_174 = arith.divf %get3A_172, %div3A_173 : f32
      %mul3A_175 = arith.constant 2.000000e-02 : f32
      %mul3A_176 = arith.mulf %mul3A_175, %div3A_174 : f32
      %sub3A_177 = arith.subf %neg3A_170, %mul3A_176 : f32
      %broadcast_in_dim3A_178 = vector.broadcast %sub3A_177 : f32 to vector<1x1xf32>
      %swap3A_179 = arith.constant 0 : index
      %swap3A_180 = arith.constant 0 : index
      %swap3A_181 = vector.load %arg9[%swap3A_179, %swap3A_180] : memref<1x1xf32, #tpu.memory_space<vmem>>, vector<1x1xf32>
      tpu.vector_store %arg9[%swap3A_179, %swap3A_180], %broadcast_in_dim3A_178 {strides = array<i32>} : memref<1x1xf32, #tpu.memory_space<vmem>>, vector<1x1xf32>,
    } else {
    }
    return
  }
  func.func @transform_0(%arg0: i32) -> (i32, i32) {
    %c0_i32 = arith.constant 0 : i32
    %c0_i32_0 = arith.constant 0 : i32
    return %arg0, %c0_i32 : i32, i32
  }
  func.func @transform_1(%arg0: i32) -> (i32, i32) {
    %c0_i32 = arith.constant 0 : i32
    %c0_i32_0 = arith.constant 0 : i32
    return %arg0, %c0_i32 : i32, i32
  }
  func.func @transform_2(%arg0: i32) -> (i32, i32) {
    %c0_i32 = arith.constant 0 : i32
    %c0_i32_0 = arith.constant 0 : i32
    %c0_i32_1 = arith.constant 0 : i32
    return %c0_i32, %c0_i32_0 : i32, i32
  }
  func.func @transform_3(%arg0: i32) -> (i32, i32) {
    %c0_i32 = arith.constant 0 : i32
    %c0_i32_0 = arith.constant 0 : i32
    return %arg0, %c0_i32 : i32, i32
  }
  func.func @transform_4(%arg0: i32) -> (i32, i32) {
    %c0_i32 = arith.constant 0 : i32
    %c0_i32_0 = arith.constant 0 : i32
    %c0_i32_1 = arith.constant 0 : i32
    return %c0_i32, %c0_i32_0 : i32, i32
  }
  func.func @transform_5(%arg0: i32) -> (i32, i32) {
    %c0_i32 = arith.constant 0 : i32
    %c0_i32_0 = arith.constant 0 : i32
    %c0_i32_1 = arith.constant 0 : i32
    return %c0_i32, %c0_i32_0 : i32, i32
  }
  func.func @transform_6(%arg0: i32) -> (i32, i32) {
    %c0_i32 = arith.constant 0 : i32
    %c0_i32_0 = arith.constant 0 : i32
    %c0_i32_1 = arith.constant 0 : i32
    return %c0_i32, %c0_i32_0 : i32, i32
  }
  func.func @transform_7(%arg0: i32) -> (i32, i32) {
    %c0_i32 = arith.constant 0 : i32
    %c0_i32_0 = arith.constant 0 : i32
    return %arg0, %c0_i32 : i32, i32
  }
  func.func @transform_8(%arg0: i32) -> (i32, i32) {
    %c0_i32 = arith.constant 0 : i32
    %c0_i32_0 = arith.constant 0 : i32
    %c0_i32_1 = arith.constant 0 : i32
    return %c0_i32, %c0_i32_0 : i32, i32
  }
}

</mosaic_0001>

<sc_bundles>
// kernel: kernel.11.cloned.1.call-start
scs
__scs_entry_jumppad:
0x0: {  	(pc) =	sbr.rel $0x88, $3  }
0x1: {  	(tag) =	ssettag $0x0;
	lr =	simm.s32 $0x1  }
0x2: {  	[smem:$0x3F94] =	sst lr;
	_ =	strace $0xD0000000  }
0x3: {  	_ = 	snop  }
0x4: {  	_ = 	snop  }
0x5: {  	_ = 	snop  }
0x6: {  	_ = 	snop  }
0x7: {  	_ = 	snop  }
__scs_overlays_trampoline_lowered:
0x8: {  	[smem:$0x3FA3] =	sst s0  }
0x9: {  	[smem:$0x3FA4] =	sst s1  }
0xa: {  	[smem:$0x3FA5] =	sst s2  }
0xb: {  	[smem:$0x3FA6] =	sst s3  }
0xc: {  	[smem:$0x3FA7] =	sst s4  }
0xd: {  	[smem:$0x3FA8] =	sst s5  }
0xe: {  	[smem:$0x3FA9] =	sst s6  }
0xf: {  	[smem:$0x3FAA] =	sst s7  }
0x10: {  	[smem:$0x3FAB] =	sst s8  }
0x11: {  	[smem:$0x3FAC] =	sst s9;
	s0 =	simm.s32 @!p0 $0x0  }
0x12: {  	s1 =	sld [smem:$0x3F92];
	s0 =	simm.s32 @p0 $0x1  }
0x13: {  	[smem:$0x3FAD] =	sst s0;
	s0 =	simm.s32 @!p1 $0x0  }
0x14: {  	s2 =	sld [smem:$0x3F91];
	s0 =	simm.s32 @p1 $0x1  }
0x15: {  	[smem:$0x3FAE] =	sst s0;
	s0 =	simm.s32 @!p2 $0x0  }
0x16: {  	s3 =	sld [smem:$0x3FDB];
	s0 =	simm.s32 @p2 $0x1  }
0x17: {  	s4 =	simm.s32 $0x1BF5;
	[smem:$0x3FB0] =	sst s0  }
0x18: {  	s0 =	sld [smem:$0x3F93];
	_ =	swait.ge [sflag:s4], $0x0  }
0x19: {  	s7 =	sld [smem:$0x3F94]  }
0x1a: {  	s8 =	sadd.s32 $0xFFFFE003, lr  }
0x1b: {  	s9 =	sadd.s32 $0xFFFFFEF7, lr;
	s5 =	simm.s32 $0xFFFFFFFF;
	p2 =	slt.u32 s8, $0xFFFFF086  }
0x1c: {  	p1 =	slt.u32 s9, $0xF7A;
	s5 =	simm.s32 @!p2 $0x0  }
0x1d: {  	s5 =	simm.s32 @p1 $0x1;
	p0 =	seq.s32 s7, s2  }
0x1e: {  	s7 =	smul.u32 @!p0 $0xF7A, s2;
	p2 =	seq.s32 @!p0 s5, $0x0  }
0x1f: {  	s9 =	smul.u32 $0xF7A, s1;
	s8 =	simm.s32 @!p0 $0x1BF5;
	p2 =	por !p2, p0  }
0x20: {  	[sflag:s8] =	ssyncset.s32 @!p0 $0xFFFFF086;
	s6 =	sadd.s32 @!p0 s3, s7;
	s7 =	simm.s32 @!p0 $0x108  }
0x21: {  	s3 =	sadd.s32 s3, s9;
	s6 =	sadd.s32 @!p0 $0x88, s6;
	s7 =	simm.s32 @p2 $0x1082  }
0x22: {  	[simem:s7], [sflag:s8] =	dma.local @!p0 [hbm:s6], $0xF7A  }
0x23: {  	s9 =	sor.u32 $0xD0000000, s2;
	s6 =	simm.s32 $0x108;
	_ =	swait.ge @!p0 [sflag:s8], $0x0  }
0x24: {  	s3 =	sadd.s32 $0x88, s3;
	s6 =	simm.s32 @!p1 $0x1082;
	[sflag:s4] =	ssyncset.s32 $0xFFFFF086  }
0x25: {  	[simem:s6], [sflag:s4] =	dma.local [hbm:s3], $0xF7A  }
0x26: {  	[smem:$0x3F94] =	sst s1;
	(tag) =	ssettag s2;
	_ =	strace s9  }
0x27: {  	s1 =	sld [smem:$0x3FA4]  }
0x28: {  	s2 =	sld [smem:$0x3FA5]  }
0x29: {  	s4 =	sld [smem:$0x3FA7]  }
0x2a: {  	p0 =	seq.s32 s5, $0x0;
	s5 =	sld [smem:$0x3FA8]  }
0x2b: {  	s6 =	sld [smem:$0x3FA9]  }
0x2c: {  	s7 =	sld [smem:$0x3FAA]  }
0x2d: {  	s3 =	simm.s32 $0x108;
	s8 =	sld [smem:$0x3FAB]  }
0x2e: {  	s3 =	simm.s32 @!p0 $0x1082;
	s9 =	sld [smem:$0x3FAC]  }
0x2f: {  	lr =	sadd.s32 s0, s3;
	s0 =	sld [smem:$0x3FA3]  }
0x30: {  	s3 =	sld [smem:$0x3FA6]  }
0x31: {  	[smem:$0x3FAF] =	sst s10  }
0x32: {  	s10 =	sld [smem:$0x3FAD];
	_ =	sdelay $0x3  }
0x33: {  	p0 =	seq.s32 s10, $0x1;
	s10 =	sld [smem:$0x3FAF];
	_ =	sdelay $0x3  }
0x34: {  	[smem:$0x3FAF] =	sst s10  }
0x35: {  	s10 =	sld [smem:$0x3FAE];
	_ =	sdelay $0x3  }
0x36: {  	p1 =	seq.s32 s10, $0x1;
	s10 =	sld [smem:$0x3FAF];
	_ =	sdelay $0x3  }
0x37: {  	[smem:$0x3FAF] =	sst s10  }
0x38: {  	s10 =	sld [smem:$0x3FB0]  }
0x39: {  	_ = 	snop;
	(pc) =	sbr.ind lr, $3  }
0x3a: {  	_ = 	snop  }
0x3b: {  	_ = 	snop  }
0x3c: {  	p2 =	seq.s32 s10, $0x1;
	s10 =	sld [smem:$0x3FAF]  }
0x3d: {  	_ =	shalt  }
0x3e: {  	_ =	shalt  }
0x3f: {  	_ =	shalt  }
0x40: {  	_ =	shalt  }
0x41: {  	_ =	shalt  }
0x42: {  	_ =	shalt  }
0x43: {  	_ =	shalt  }
0x44: {  	_ =	shalt  }
0x45: {  	_ =	shalt  }
0x46: {  	_ =	shalt  }
0x47: {  	_ =	shalt  }
0x48: {  	_ =	shalt  }
0x49: {  	_ =	shalt  }
0x4a: {  	_ =	shalt  }
0x4b: {  	_ =	shalt  }
0x4c: {  	_ =	shalt  }
0x4d: {  	_ =	shalt  }
0x4e: {  	_ =	shalt  }
0x4f: {  	_ =	shalt  }
0x50: {  	_ =	shalt  }
0x51: {  	_ =	shalt  }
0x52: {  	_ =	shalt  }
0x53: {  	_ =	shalt  }
0x54: {  	_ =	shalt  }
0x55: {  	_ =	shalt  }
0x56: {  	_ =	shalt  }
0x57: {  	_ =	shalt  }
0x58: {  	_ =	shalt  }
0x59: {  	_ =	shalt  }
0x5a: {  	_ =	shalt  }
0x5b: {  	_ =	shalt  }
0x5c: {  	_ =	shalt  }
0x5d: {  	_ =	shalt  }
0x5e: {  	_ =	shalt  }
0x5f: {  	_ =	shalt  }
0x60: {  	_ =	shalt  }
0x61: {  	_ =	shalt  }
0x62: {  	_ =	shalt  }
0x63: {  	_ =	shalt  }
0x64: {  	_ =	shalt  }
0x65: {  	_ =	shalt  }
0x66: {  	_ =	shalt  }
0x67: {  	_ =	shalt  }
0x68: {  	_ =	shalt  }
0x69: {  	_ =	shalt  }
0x6a: {  	_ =	shalt  }
0x6b: {  	_ =	shalt  }
0x6c: {  	_ =	shalt  }
0x6d: {  	_ =	shalt  }
0x6e: {  	_ =	shalt  }
0x6f: {  	_ =	shalt  }
0x70: {  	_ =	shalt  }
0x71: {  	_ =	shalt  }
0x72: {  	_ =	shalt  }
0x73: {  	_ =	shalt  }
0x74: {  	_ =	shalt  }
0x75: {  	_ =	shalt  }
0x76: {  	_ =	shalt  }
0x77: {  	_ =	shalt  }
0x78: {  	_ =	shalt  }
0x79: {  	_ =	shalt  }
0x7a: {  	_ =	shalt  }
0x7b: {  	_ =	shalt  }
0x7c: {  	_ =	shalt  }
0x7d: {  	_ =	shalt  }
0x7e: {  	_ =	shalt  }
0x7f: {  	_ =	shalt  }
0x80: {  	_ =	shalt  }
0x81: {  	_ =	shalt  }
0x82: {  	_ =	shalt  }
0x83: {  	_ =	shalt  }
0x84: {  	_ =	shalt  }
0x85: {  	_ =	shalt  }
0x86: {  	_ =	shalt  }
0x87: {  	_ =	shalt  }
.Lfunc_end0:
.L_simem_size_0:
called_computation.1_lowered:
.L_overlay_start_0:
0x88: {  	s2 =	sld [smem:$0x3FD9]  }
0x89: {  	s3 =	sld [smem:$0x3FFE];
	_ =	sdelay $0x1  }
0x8a: {  	s1 =	srdreg.scid  }
0x8b: {  	s0 =	sand.u32 $0x1, s1  }
0x8c: {  	s16 =	sshll.u32 s0, $0xA;
	s2 =	sadd.s32 s3, s2  }
0x8d: {  	s2 =	sadd.s32 s2, s16  }
0x8e: {  	[smem:$0x3FBB] =	sst s2  }
0x8f: {  	_ = 	snop  }
0x90: {  	(tm) =	ssettm $0x1  }
0x91: {  	s17 =	sld [smem:$0x3FFB];
	_ =	sdelay $0x3  }
0x92: {  	_ =	strace s17  }
0x93: {  	s2 =	sld [smem:$0x3FFC];
	_ =	sdelay $0x3  }
0x94: {  	_ =	strace s2  }
0x95: {  	s2 =	sld [smem:$0x3FFD];
	_ =	sdelay $0x3  }
0x96: {  	_ =	strace s2  }
0x97: {  	_ =	strace $0x8FFFFFFF  }
0x98: {  	s18 =	sld [smem:$0x3FDB];
	_ =	sdelay $0x1  }
0x99: {  	s19 =	simm.s32 $_scs_section_size  }
0x9a: {  	s4 =	simm.s32 $_size__tile_overlayer_lowered;
	s5 =	simm.s32 $_tile_overlayer_lowered  }
0x9b: {  	s22 =	simm.s32 $0x1BFF;
	s21 =	sshll.u32 s5, $0x1;
	s2 =	sadd.s32 s19, s18  }
0x9c: {  	s6 =	simm.s32 $0x0;
	s20 =	sshll.u32 s4, $0x1;
	s4 =	sadd.s32 s21, s2  }
0x9d: {  	[timem:s6], [sflag:s22] =	dma.local [hbm:s4], s20  }
0x9e: {  	_ =	swait.ge [sflag:s22], s20  }
0x9f: {  	s3 =	ssub.s32 $0x0, s20;
	[sflag:s22] =	ssyncset.done $0x0  }
0xa0: {  	[sflag:s22] =	ssyncadd.s32 s3;
	_ =	sdelay $0x1  }
0xa1: {  	s23 =	simm.s32 $0x1B8B  }
0xa2: {  	_ =	swait.ge [sflag:s23], $0x1  }
0xa3: {  	[sflag:s23] =	ssyncset.done $0x0  }
0xa4: {  	s25 =	simm.s32 $0x1B8E;
	s24 =	sld [smem:$0x3FFE];
	[sflag:s23] =	ssyncadd.s32 $0xFFFFFFFF  }
0xa5: {  	s26 =	simm.s32 $execute0_lowered;
	[smem:$0x3FD2] =	sst s25  }
0xa6: {  	s4 =	sshll.u32 s26, $0x1;
	_ =	strace $0x80000049;
	[dreg:$0x1] =	wrdreg $0xFFFFFFFF  }
0xa7: {  	s28 =	simm.s32 $_size_execute0_lowered;
	s2 =	sadd.s32 s2, s4;
	[dreg:$0x0] =	wrdreg $0x0  }
0xa8: {  	s4 =	sshll.u32 s28, $0x1;
	[dreg:$0x2] =	wrdreg s2  }
0xa9: {  	[dreg:$0x3] =	wrdreg s4  }
0xaa: {  	[dreg:$0x4] =	wrdreg $0xC0  }
0xab: {  	_ =	task [dreg:s6], $0x5FFFF  }
0xac: {  	[dreg:$0x1] =	wrdreg $0xFFFFFFFF  }
0xad: {  	[dreg:$0x0] =	wrdreg $0x60  }
0xae: {  	[dreg:$0x2] =	wrdreg s24  }
0xaf: {  	[dreg:$0x3] =	wrdreg $0x39000  }
0xb0: {  	[dreg:$0x4] =	wrdreg $0x9  }
0xb1: {  	_ =	task.clear_ibuf [dreg:s6], $0x5FFFF;
	_ =	strace $0x90000049  }
0xb2: {  	s29 =	simm.s32 $0x9;
	_ =	strace $0x8000004B  }
0xb3: {  	_ =	swait.ge [sflag:s29], $0x1  }
0xb4: {  	[sflag:s29] =	ssyncadd.s32 $0xFFFFFFFF  }
0xb5: {  	_ =	strace $0x9000004B  }
0xb6: {  	_ =	sfence  }
0xb7: {  	s30 =	sld [smem:$0x0];
	_ =	sdelay $0x2  }
0xb8: {  	s31 =	sshll.u32 s1, $0xD;
	s1 =	sshrl.u32 s1, $0x2  }
0xb9: {  	s3 =	sand.u32 $0x4000, s31;
	s1 =	sadd.s32 s1, s30  }
0xba: {  	s0 =	sor.u32 s3, s0;
	s1 =	sshll.u32 s1, $0x11  }
0xbb: {  	s0 =	sor.u32 s1, s0  }
0xbc: {  	s0 =	sadd.s32 $0x8F2B, s0  }
0xbd: {  	[sflag:s0] =	ssyncadd.remote.s32 $0x1  }
0xbe: {  	_ =	sfence.sel $0xFFFF  }
0xbf: {  	[dreg:$0x0] =	wrdreg $0xFFFFFFFF;
	(pc) =	sbr.abs _section_cstart, $3  }
0xc0: {  	[dreg:$0x1] =	wrdreg $0xFFFFFFFF  }
0xc1: {  	_ =	task.clear_ibuf [dreg:s6], $0x2FFFF;
	_ =	strace $0x9FFFFFFF  }
0xc2: {  	(tm) =	ssettm $0x7FFFFFFF  }
0xc3: {  	_ =	shalt  }
tec
execute0_lowered:
.L_overlay_start_1:
0x0: {  	(tag) =	ssettag $0x1  }
0x1: {  	s0 =	rddreg [dreg:$0x0]  }
0x2: {  	s1 =	rddreg [dreg:$0x1];
	s2 =	simm.s32 $0x0  }
0x3: {  	s3 =	srdreg.scid;
	s20 =	stileid.u32;
	s22 =	simm.s32 $0x1100  }
0x4: {  	s23 =	simm.s32 $0x2;
	s24 =	simm.s32 $0x800;
	s25 =	simm.s32 $0x50  }
0x5: {  	s28 =	simm.s32 $0x1;
	s29 =	simm.s32 $0x1080;
	s30 =	simm.s32 $0x0  }
0x6: {  	[smem:$0x7FF] =	sst s2;
	s4 =	sadd.s32 $0x7A200, s0;
	s9 =	smul.u32 $0x50000, s20  }
0x7: {  	s5 =	sadd.s32 $0x20400, s0;
	s3 =	sand.u32 $0x1, s3;
	s18 =	smul.u32 $0x14000, s20  }
0x8: {  	s6 =	sadd.s32 $0x16600, s0;
	s7 =	sadd.s32 $0x2A00, s0;
	s17 =	smul.u32 $0x4E20, s20  }
0x9: {  	s8 =	sadd.s32 $0xC800, s0;
	s31 =	smul.u32 $0x2800, s20;
	s10 =	ssub.s32 $0x2, s3  }
0xa: {  	_ =	strace $0x8000004A;
	p0 =	sne.s32 s3, $0x0;
	s11 =	sshrl.u32 s10, $0x1  }
0xb: {  	s12 =	sshrl.u32 s9, $0x2;
	s9 =	sadd.s32 $0xCA200, s0;
	s19 =	sshrl.u32 s18, $0x3  }
.Ltmp0:
0xc: {  	s26 =	ssub.s32 s10, s11;
	s10 =	sadd.s32 s12, s1;
	(pc) =	sbr.rel .LBB2_1-.Ltmp0, $4  }
0xd: {  	[dreg:$0x4] =	wrdreg s31;
	s19 =	sadd.s32 $0x28000, s19;
	s11 =	sadd.s32 $0x2800, s10  }
0xe: {  	s12 =	sadd.s32 $0x5000, s10;
	s13 =	sadd.s32 $0x7800, s10;
	s14 =	sadd.s32 $0xA000, s10  }
0xf: {  	s15 =	sadd.s32 $0xC800, s10;
	s16 =	sadd.s32 $0xF000, s10;
	s18 =	sadd.s32 $0x11800, s10  }
0x10: {  	v0 =	vimm.f32 $0.0e+00;
	[dreg:$0x3] =	wrdreg s19;
	s21 =	smax.u32 s26, $0x1;
	s26 =	simm.s32 $0x1000  }
.LBB2_12:
0x11: {  	s0 =	sadd.s32 s9, s0;
	s3 =	stileid.u32;
	s2 =	sadd.s32 $0x1, s2  }
0x12: {  	[bflag:$0x0] =	sbarrier.arrive $0xFFFF;
	s3 =	sshll.u32 s3, $0x6;
	p1 =	sne.s32 s2, s21  }
.Ltmp1:
0x13: {  	s19 =	sshrl.u32 s10, $0x3;
	s3 =	sor.u32 $0x1C02, s3;
	(pc) =	sbr.rel @!p1 .LBB2_13-.Ltmp1, $4  }
0x14: {  	[hbm:s0], [sflag:s3] =	dma.local [spmem:s19], $0x2800  }
0x15: {  	_ =	swait.ge [sflag:s23], $0x2800  }
0x16: {  	[sflag:s23] =	ssyncset.done $0x0  }
0x17: {  	[sflag:s23] =	ssyncadd.s32 $0xFFFFD800  }
.LBB2_1:
0x18: {  	s0 =	simm.s32 $0x0;
	s19 =	simm.s32 $0x200  }
.LBB2_2:
0x19: {  	p1 =	sne.s32 s19, $0x9E00;
	[tilespmem:s0+$0x1170] =	vst v0  }
0x1a: {  	[tilespmem:s0+$0x1100] =	vst v0  }
0x1b: {  	[tilespmem:s0+$0x1110] =	vst v0  }
.Ltmp2:
0x1c: {  	[tilespmem:s0+$0x1120] =	vst v0;
	(pc) =	sbr.rel @p1 .LBB2_2-.Ltmp2, $4  }
0x1d: {  	[tilespmem:s0+$0x1130] =	vst v0  }
0x1e: {  	[tilespmem:s0+$0x1140] =	vst v0  }
0x1f: {  	[tilespmem:s0+$0x1150] =	vst v0  }
0x20: {  	[tilespmem:s0+$0x1160] =	vst v0;
	s0 =	sshra.s32 s19, $0x2;
	s19 =	sadd.s32 $0x200, s19  }
0x21: {  	[tilespmem:s0+$0x1170] =	vst v0  }
0x22: {  	[tilespmem:s0+$0x1100] =	vst v0  }
0x23: {  	[tilespmem:s0+$0x1110] =	vst v0  }
0x24: {  	[tilespmem:s0+$0x1120] =	vst v0  }
0x25: {  	[tilespmem:s0+$0x1130] =	vst v0  }
0x26: {  	[tilespmem:s0+$0x1140] =	vst v0  }
0x27: {  	[tilespmem:s0+$0x1150] =	vst v0  }
0x28: {  	[tilespmem:s0+$0x1160] =	vst v0  }
0x29: {  	[spmem:s10] =	stream.linear.scatter [tilespmem:s22], [sflag:$0x2], $0x2800, $0x38;
	[tilespmem:$0x17900] =	vst v63  }
0x2a: {  	_ =	swait.ge [sflag:s23], $0x2800  }
0x2b: {  	[sflag:s23] =	ssyncset.done $0x0  }
0x2c: {  	[sflag:s23] =	ssyncadd.s32 $0xFFFFD800  }
0x2d: {  	[spmem:s11] =	stream.linear.scatter [tilespmem:s22], [sflag:$0x2], $0x2800, $0x38;
	[tilespmem:$0x17900] =	vst v63  }
0x2e: {  	_ =	swait.ge [sflag:s23], $0x2800  }
0x2f: {  	[sflag:s23] =	ssyncset.done $0x0  }
0x30: {  	[sflag:s23] =	ssyncadd.s32 $0xFFFFD800  }
0x31: {  	[spmem:s12] =	stream.linear.scatter [tilespmem:s22], [sflag:$0x2], $0x2800, $0x38;
	[tilespmem:$0x17900] =	vst v63  }
0x32: {  	_ =	swait.ge [sflag:s23], $0x2800  }
0x33: {  	[sflag:s23] =	ssyncset.done $0x0  }
0x34: {  	[sflag:s23] =	ssyncadd.s32 $0xFFFFD800  }
0x35: {  	[spmem:s13] =	stream.linear.scatter [tilespmem:s22], [sflag:$0x2], $0x2800, $0x38;
	[tilespmem:$0x17900] =	vst v63  }
0x36: {  	_ =	swait.ge [sflag:s23], $0x2800  }
0x37: {  	[sflag:s23] =	ssyncset.done $0x0  }
0x38: {  	[sflag:s23] =	ssyncadd.s32 $0xFFFFD800  }
0x39: {  	[spmem:s14] =	stream.linear.scatter [tilespmem:s22], [sflag:$0x2], $0x2800, $0x38;
	[tilespmem:$0x17900] =	vst v63  }
0x3a: {  	_ =	swait.ge [sflag:s23], $0x2800  }
0x3b: {  	[sflag:s23] =	ssyncset.done $0x0  }
0x3c: {  	[sflag:s23] =	ssyncadd.s32 $0xFFFFD800  }
0x3d: {  	[spmem:s15] =	stream.linear.scatter [tilespmem:s22], [sflag:$0x2], $0x2800, $0x38;
	[tilespmem:$0x17900] =	vst v63  }
0x3e: {  	_ =	swait.ge [sflag:s23], $0x2800  }
0x3f: {  	[sflag:s23] =	ssyncset.done $0x0  }
0x40: {  	[sflag:s23] =	ssyncadd.s32 $0xFFFFD800  }
0x41: {  	[spmem:s16] =	stream.linear.scatter [tilespmem:s22], [sflag:$0x2], $0x2800, $0x38;
	[tilespmem:$0x17900] =	vst v63  }
0x42: {  	_ =	swait.ge [sflag:s23], $0x2800  }
0x43: {  	[sflag:s23] =	ssyncset.done $0x0  }
0x44: {  	[sflag:s23] =	ssyncadd.s32 $0xFFFFD800  }
0x45: {  	[spmem:s18] =	stream.linear.scatter [tilespmem:s22], [sflag:$0x2], $0x2800, $0x38;
	[tilespmem:$0x17900] =	vst v63  }
.Ltmp3:
0x46: {  	_ =	swait.ge [sflag:s23], $0x2800;
	(pc) =	sbr.rel @p0 .LBB2_8-.Ltmp3, $4  }
0x47: {  	[sflag:s23] =	ssyncset.done $0x0  }
0x48: {  	[sflag:s23] =	ssyncadd.s32 $0xFFFFD800  }
0x49: {  	[bflag:$0x0] =	sbarrier.arrive $0xFFFF  }
0x4a: {  	s0 =	simm.s32 $0x0;
	s31 =	simm.s32 $0x0  }
.LBB2_4:
0x4b: {  	s3 =	smul.u32 $0x7D0, s0;
	_ =	sdelay $0x1  }
0x4c: {  	s3 =	sadd.s32 s17, s3  }
0x4d: {  	s3 =	sshrl.u32 s3, $0x3  }
0x4e: {  	s19 =	sadd.s32 s5, s3  }
0x4f: {  	[tilespmem:s30], [sflag:$0x2] =	stream.linear.gather [hbm4b:s19+s30], $0x7D0, $0x38;
	[tilespmem:$0x17900] =	vst v63  }
0x50: {  	_ =	swait.ge [sflag:s23], $0x7D0  }
0x51: {  	[sflag:s23] =	ssyncset.done $0x0  }
0x52: {  	s3 =	sadd.s32 s6, s3;
	[sflag:s23] =	ssyncadd.s32 $0xFFFFF830  }
0x53: {  	[tilespmem:s24], [sflag:$0x2] =	stream.linear.gather [hbm4b:s3+s30], $0x7D0, $0x38;
	[tilespmem:$0x17900] =	vst v63  }
0x54: {  	_ =	swait.ge [sflag:s23], $0x7D0  }
0x55: {  	[sflag:s23] =	ssyncset.done $0x0  }
0x56: {  	s20 =	simm.s32 $0x0;
	[sflag:s23] =	ssyncadd.s32 $0xFFFFF830  }
0x57: {  	v1 =	vld [tilespmem:s20+$0x0];
	_ =	sdelay $0x4  }
0x58: {  	[tilespmem:$0x1000] =	vst v1  }
0x59: {  	v1 =	vld [tilespmem:s20+$0x800];
	_ =	sdelay $0x4  }
0x5a: {  	[tilespmem:$0x1080] =	vst v1  }
0x5b: {  	v1 =	vld [tilespmem:s20+$0x10];
	_ =	sdelay $0x4  }
0x5c: {  	[tilespmem:$0x1010] =	vst v1  }
0x5d: {  	v1 =	vld [tilespmem:s20+$0x810];
	_ =	sdelay $0x4  }
0x5e: {  	[tilespmem:$0x1090] =	vst v1  }
0x5f: {  	v1 =	vld [tilespmem:s20+$0x20];
	_ =	sdelay $0x4  }
0x60: {  	[tilespmem:$0x1020] =	vst v1  }
0x61: {  	v1 =	vld [tilespmem:s20+$0x820];
	_ =	sdelay $0x4  }
0x62: {  	[tilespmem:$0x10A0] =	vst v1  }
0x63: {  	v1 =	vld [tilespmem:s20+$0x30];
	_ =	sdelay $0x4  }
0x64: {  	[tilespmem:$0x1030] =	vst v1  }
0x65: {  	v1 =	vld [tilespmem:s20+$0x830];
	_ =	sdelay $0x4  }
0x66: {  	[tilespmem:$0x10B0] =	vst v1  }
0x67: {  	v1 =	vld [tilespmem:s20+$0x40];
	_ =	sdelay $0x4  }
0x68: {  	[tilespmem:$0x1040] =	vst v1  }
0x69: {  	v1 =	vld [tilespmem:s20+$0x840];
	_ =	sdelay $0x4  }
0x6a: {  	[tilespmem:$0x10C0] =	vst v1  }
0x6b: {  	[tilespmem:s22], [sflag:$0x1] =	stream.indirect.gather [hbm4b:s4+s25], $0x80, s26, s25, $0xb8;
	[tilespmem:$0x17900] =	vst v63  }
0x6c: {  	_ =	swait.ge [sflag:s28], $0x2800  }
0x6d: {  	[sflag:s28] =	ssyncset.done $0x0  }
0x6e: {  	[sflag:s28] =	ssyncadd.s32 $0xFFFFD800  }
0x6f: {  	[spmem:s1] =	stream.indirect.scatter.add.f32 [tilespmem:s22], [sflag:$0x2], $0x80, s29, s25, $0xb8;
	[tilespmem:$0x17900] =	vst v63  }
0x70: {  	_ =	swait.ge [sflag:s23], $0x2800  }
0x71: {  	s31 =	simm.s32 $0x140;
	s19 =	simm.s32 $0x280;
	[sflag:s23] =	ssyncset.done $0x0  }
.LBB2_5:
0x72: {  	s20 =	sshra.s32 s31, $0x2  }
0x73: {  	[sflag:s23] =	ssyncadd.s32 $0xFFFFD800;
	s31 =	smov.u32 s19;
	s3 =	sadd.s32 $0x140, s19  }
0x74: {  	p1 =	sne.s32 s19, $0x1E00;
	v1 =	vld [tilespmem:s20+$0x0];
	_ =	sdelay $0x4  }
0x75: {  	[tilespmem:$0x1000] =	vst v1  }
0x76: {  	v1 =	vld [tilespmem:s20+$0x800];
	_ =	sdelay $0x4  }
0x77: {  	[tilespmem:$0x1080] =	vst v1  }
0x78: {  	v1 =	vld [tilespmem:s20+$0x10];
	_ =	sdelay $0x4  }
0x79: {  	[tilespmem:$0x1010] =	vst v1  }
0x7a: {  	v1 =	vld [tilespmem:s20+$0x810];
	_ =	sdelay $0x4  }
0x7b: {  	[tilespmem:$0x1090] =	vst v1  }
0x7c: {  	v1 =	vld [tilespmem:s20+$0x20];
	_ =	sdelay $0x4  }
0x7d: {  	[tilespmem:$0x1020] =	vst v1  }
0x7e: {  	v1 =	vld [tilespmem:s20+$0x820];
	_ =	sdelay $0x4  }
0x7f: {  	[tilespmem:$0x10A0] =	vst v1  }
0x80: {  	v1 =	vld [tilespmem:s20+$0x30];
	_ =	sdelay $0x4  }
0x81: {  	[tilespmem:$0x1030] =	vst v1  }
0x82: {  	v1 =	vld [tilespmem:s20+$0x830];
	_ =	sdelay $0x4  }
0x83: {  	[tilespmem:$0x10B0] =	vst v1  }
0x84: {  	v1 =	vld [tilespmem:s20+$0x40];
	_ =	sdelay $0x4  }
0x85: {  	[tilespmem:$0x1040] =	vst v1  }
0x86: {  	v1 =	vld [tilespmem:s20+$0x840];
	_ =	sdelay $0x4  }
0x87: {  	[tilespmem:$0x10C0] =	vst v1  }
0x88: {  	[tilespmem:s22], [sflag:$0x1] =	stream.indirect.gather [hbm4b:s4+s25], $0x80, s26, s25, $0xb8;
	[tilespmem:$0x17900] =	vst v63  }
0x89: {  	_ =	swait.ge [sflag:s28], $0x2800  }
.Ltmp4:
0x8a: {  	[sflag:s28] =	ssyncset.done $0x0;
	(pc) =	sbr.rel @p1 .LBB2_5-.Ltmp4, $4  }
0x8b: {  	[sflag:s28] =	ssyncadd.s32 $0xFFFFD800  }
0x8c: {  	[spmem:s1] =	stream.indirect.scatter.add.f32 [tilespmem:s22], [sflag:$0x2], $0x80, s29, s25, $0xb8;
	[tilespmem:$0x17900] =	vst v63  }
0x8d: {  	_ =	swait.ge [sflag:s23], $0x2800  }
0x8e: {  	s19 =	smov.u32 s3;
	[sflag:s23] =	ssyncset.done $0x0  }
0x8f: {  	s3 =	sshra.s32 s31, $0x2;
	[sflag:s23] =	ssyncadd.s32 $0xFFFFD800  }
0x90: {  	v1 =	vld [tilespmem:s3+$0x0];
	_ =	sdelay $0x4  }
0x91: {  	[tilespmem:$0x1000] =	vst v1  }
0x92: {  	v1 =	vld [tilespmem:s3+$0x800];
	_ =	sdelay $0x4  }
0x93: {  	[tilespmem:$0x1080] =	vst v1  }
0x94: {  	v1 =	vld [tilespmem:s3+$0x10];
	_ =	sdelay $0x4  }
0x95: {  	[tilespmem:$0x1010] =	vst v1  }
0x96: {  	v1 =	vld [tilespmem:s3+$0x810];
	_ =	sdelay $0x4  }
0x97: {  	[tilespmem:$0x1090] =	vst v1  }
0x98: {  	v1 =	vld [tilespmem:s3+$0x20];
	_ =	sdelay $0x4  }
0x99: {  	[tilespmem:$0x1020] =	vst v1  }
0x9a: {  	v1 =	vld [tilespmem:s3+$0x820];
	_ =	sdelay $0x4  }
0x9b: {  	[tilespmem:$0x10A0] =	vst v1  }
0x9c: {  	v1 =	vld [tilespmem:s3+$0x30];
	_ =	sdelay $0x4  }
0x9d: {  	[tilespmem:$0x1030] =	vst v1  }
0x9e: {  	v1 =	vld [tilespmem:s3+$0x830];
	_ =	sdelay $0x4  }
0x9f: {  	[tilespmem:$0x10B0] =	vst v1  }
0xa0: {  	v1 =	vld [tilespmem:s3+$0x40];
	_ =	sdelay $0x4  }
0xa1: {  	[tilespmem:$0x1040] =	vst v1  }
0xa2: {  	v1 =	vld [tilespmem:s3+$0x840];
	_ =	sdelay $0x4  }
0xa3: {  	[tilespmem:$0x10C0] =	vst v1  }
0xa4: {  	[tilespmem:s22], [sflag:$0x1] =	stream.indirect.gather [hbm4b:s4+s25], $0x80, s26, s25, $0xb8;
	[tilespmem:$0x17900] =	vst v63  }
0xa5: {  	s0 =	sadd.s32 $0x1, s0;
	_ =	swait.ge [sflag:s28], $0x2800  }
0xa6: {  	p1 =	seq.s32 s0, $0xA;
	[sflag:s28] =	ssyncset.done $0x0  }
.Ltmp5:
0xa7: {  	[sflag:s28] =	ssyncadd.s32 $0xFFFFD800;
	(pc) =	sbr.rel @!p1 .LBB2_4-.Ltmp5, $4  }
0xa8: {  	[spmem:s1] =	stream.indirect.scatter.add.f32 [tilespmem:s22], [sflag:$0x2], $0x80, s29, s25, $0xb8;
	[tilespmem:$0x17900] =	vst v63  }
0xa9: {  	_ =	swait.ge [sflag:s23], $0x2800  }
0xaa: {  	[sflag:s23] =	ssyncset.done $0x0  }
0xab: {  	[sflag:s23] =	ssyncadd.s32 $0xFFFFD800  }
.Ltmp6:
0xac: {  	(pc) =	sbr.rel .LBB2_12-.Ltmp6, $2  }
0xad: {  	_ =	sdelay $0x2  }
0xae: {  	s0 =	rddreg [dreg:$0x4]  }
.LBB2_8:
0xaf: {  	s0 =	smul.u32 $0x7D0, s31;
	_ =	sdelay $0x1  }
0xb0: {  	s0 =	sadd.s32 s17, s0  }
0xb1: {  	s0 =	sshrl.u32 s0, $0x3  }
0xb2: {  	s3 =	sadd.s32 s7, s0  }
0xb3: {  	[tilespmem:s30], [sflag:$0x2] =	stream.linear.gather [hbm4b:s3+s30], $0x7D0, $0x38;
	[tilespmem:$0x17900] =	vst v63  }
0xb4: {  	_ =	swait.ge [sflag:s23], $0x7D0  }
0xb5: {  	[sflag:s23] =	ssyncset.done $0x0  }
0xb6: {  	s0 =	sadd.s32 s8, s0;
	[sflag:s23] =	ssyncadd.s32 $0xFFFFF830  }
0xb7: {  	[tilespmem:s24], [sflag:$0x2] =	stream.linear.gather [hbm4b:s0+s30], $0x7D0, $0x38;
	[tilespmem:$0x17900] =	vst v63  }
0xb8: {  	_ =	swait.ge [sflag:s23], $0x7D0  }
0xb9: {  	[sflag:s23] =	ssyncset.done $0x0  }
0xba: {  	s20 =	simm.s32 $0x0;
	[sflag:s23] =	ssyncadd.s32 $0xFFFFF830  }
0xbb: {  	v1 =	vld [tilespmem:s20+$0x0];
	_ =	sdelay $0x4  }
0xbc: {  	v1 =	vadd.s32 $0x2800, v1  }
0xbd: {  	[tilespmem:$0x1000] =	vst v1  }
0xbe: {  	v1 =	vld [tilespmem:s20+$0x800];
	_ =	sdelay $0x4  }
0xbf: {  	[tilespmem:$0x1080] =	vst v1  }
0xc0: {  	v1 =	vld [tilespmem:s20+$0x10];
	_ =	sdelay $0x4  }
0xc1: {  	v1 =	vadd.s32 $0x2800, v1  }
0xc2: {  	[tilespmem:$0x1010] =	vst v1  }
0xc3: {  	v1 =	vld [tilespmem:s20+$0x810];
	_ =	sdelay $0x4  }
0xc4: {  	[tilespmem:$0x1090] =	vst v1  }
0xc5: {  	v1 =	vld [tilespmem:s20+$0x20];
	_ =	sdelay $0x4  }
0xc6: {  	v1 =	vadd.s32 $0x2800, v1  }
0xc7: {  	[tilespmem:$0x1020] =	vst v1  }
0xc8: {  	v1 =	vld [tilespmem:s20+$0x820];
	_ =	sdelay $0x4  }
0xc9: {  	[tilespmem:$0x10A0] =	vst v1  }
0xca: {  	v1 =	vld [tilespmem:s20+$0x30];
	_ =	sdelay $0x4  }
0xcb: {  	v1 =	vadd.s32 $0x2800, v1  }
0xcc: {  	[tilespmem:$0x1030] =	vst v1  }
0xcd: {  	v1 =	vld [tilespmem:s20+$0x830];
	_ =	sdelay $0x4  }
0xce: {  	[tilespmem:$0x10B0] =	vst v1  }
0xcf: {  	v1 =	vld [tilespmem:s20+$0x40];
	_ =	sdelay $0x4  }
0xd0: {  	v1 =	vadd.s32 $0x2800, v1  }
0xd1: {  	[tilespmem:$0x1040] =	vst v1  }
0xd2: {  	v1 =	vld [tilespmem:s20+$0x840];
	_ =	sdelay $0x4  }
0xd3: {  	[tilespmem:$0x10C0] =	vst v1  }
0xd4: {  	[tilespmem:s22], [sflag:$0x1] =	stream.indirect.gather [hbm4b:s4+s25], $0x80, s26, s25, $0xb8;
	[tilespmem:$0x17900] =	vst v63  }
0xd5: {  	_ =	swait.ge [sflag:s28], $0x2800  }
0xd6: {  	[sflag:s28] =	ssyncset.done $0x0  }
0xd7: {  	[sflag:s28] =	ssyncadd.s32 $0xFFFFD800  }
0xd8: {  	[spmem:s1] =	stream.indirect.scatter.add.f32 [tilespmem:s22], [sflag:$0x2], $0x80, s29, s25, $0xb8;
	[tilespmem:$0x17900] =	vst v63  }
0xd9: {  	_ =	swait.ge [sflag:s23], $0x2800  }
0xda: {  	s3 =	simm.s32 $0x280;
	s0 =	simm.s32 $0x140;
	[sflag:s23] =	ssyncset.done $0x0  }
.LBB2_9:
0xdb: {  	s20 =	sshra.s32 s0, $0x2  }
0xdc: {  	[sflag:s23] =	ssyncadd.s32 $0xFFFFD800;
	s0 =	smov.u32 s3;
	s19 =	sadd.s32 $0x140, s3  }
0xdd: {  	p1 =	sne.s32 s3, $0x1E00;
	v1 =	vld [tilespmem:s20+$0x0];
	_ =	sdelay $0x4  }
0xde: {  	v1 =	vadd.s32 $0x2800, v1  }
0xdf: {  	[tilespmem:$0x1000] =	vst v1  }
0xe0: {  	v1 =	vld [tilespmem:s20+$0x800];
	_ =	sdelay $0x4  }
0xe1: {  	[tilespmem:$0x1080] =	vst v1  }
0xe2: {  	v1 =	vld [tilespmem:s20+$0x10];
	_ =	sdelay $0x4  }
0xe3: {  	v1 =	vadd.s32 $0x2800, v1  }
0xe4: {  	[tilespmem:$0x1010] =	vst v1  }
0xe5: {  	v1 =	vld [tilespmem:s20+$0x810];
	_ =	sdelay $0x4  }
0xe6: {  	[tilespmem:$0x1090] =	vst v1  }
0xe7: {  	v1 =	vld [tilespmem:s20+$0x20];
	_ =	sdelay $0x4  }
0xe8: {  	v1 =	vadd.s32 $0x2800, v1  }
0xe9: {  	[tilespmem:$0x1020] =	vst v1  }
0xea: {  	v1 =	vld [tilespmem:s20+$0x820];
	_ =	sdelay $0x4  }
0xeb: {  	[tilespmem:$0x10A0] =	vst v1  }
0xec: {  	v1 =	vld [tilespmem:s20+$0x30];
	_ =	sdelay $0x4  }
0xed: {  	v1 =	vadd.s32 $0x2800, v1  }
0xee: {  	[tilespmem:$0x1030] =	vst v1  }
0xef: {  	v1 =	vld [tilespmem:s20+$0x830];
	_ =	sdelay $0x4  }
0xf0: {  	[tilespmem:$0x10B0] =	vst v1  }
0xf1: {  	v1 =	vld [tilespmem:s20+$0x40];
	_ =	sdelay $0x4  }
0xf2: {  	v1 =	vadd.s32 $0x2800, v1  }
0xf3: {  	[tilespmem:$0x1040] =	vst v1  }
0xf4: {  	v1 =	vld [tilespmem:s20+$0x840];
	_ =	sdelay $0x4  }
0xf5: {  	[tilespmem:$0x10C0] =	vst v1  }
0xf6: {  	[tilespmem:s22], [sflag:$0x1] =	stream.indirect.gather [hbm4b:s4+s25], $0x80, s26, s25, $0xb8;
	[tilespmem:$0x17900] =	vst v63  }
0xf7: {  	_ =	swait.ge [sflag:s28], $0x2800  }
.Ltmp7:
0xf8: {  	[sflag:s28] =	ssyncset.done $0x0;
	(pc) =	sbr.rel @p1 .LBB2_9-.Ltmp7, $4  }
0xf9: {  	[sflag:s28] =	ssyncadd.s32 $0xFFFFD800  }
0xfa: {  	[spmem:s1] =	stream.indirect.scatter.add.f32 [tilespmem:s22], [sflag:$0x2], $0x80, s29, s25, $0xb8;
	[tilespmem:$0x17900] =	vst v63  }
0xfb: {  	_ =	swait.ge [sflag:s23], $0x2800  }
0xfc: {  	s3 =	smov.u32 s19;
	[sflag:s23] =	ssyncset.done $0x0  }
0xfd: {  	s0 =	sshra.s32 s0, $0x2;
	[sflag:s23] =	ssyncadd.s32 $0xFFFFD800  }
0xfe: {  	v1 =	vld [tilespmem:s0+$0x0];
	_ =	sdelay $0x4  }
0xff: {  	v1 =	vadd.s32 $0x2800, v1  }
0x100: {  	[tilespmem:$0x1000] =	vst v1  }
0x101: {  	v1 =	vld [tilespmem:s0+$0x800];
	_ =	sdelay $0x4  }
0x102: {  	[tilespmem:$0x1080] =	vst v1  }
0x103: {  	v1 =	vld [tilespmem:s0+$0x10];
	_ =	sdelay $0x4  }
0x104: {  	v1 =	vadd.s32 $0x2800, v1  }
0x105: {  	[tilespmem:$0x1010] =	vst v1  }
0x106: {  	v1 =	vld [tilespmem:s0+$0x810];
	_ =	sdelay $0x4  }
0x107: {  	[tilespmem:$0x1090] =	vst v1  }
0x108: {  	v1 =	vld [tilespmem:s0+$0x20];
	_ =	sdelay $0x4  }
0x109: {  	v1 =	vadd.s32 $0x2800, v1  }
0x10a: {  	[tilespmem:$0x1020] =	vst v1  }
0x10b: {  	v1 =	vld [tilespmem:s0+$0x820];
	_ =	sdelay $0x4  }
0x10c: {  	[tilespmem:$0x10A0] =	vst v1  }
0x10d: {  	v1 =	vld [tilespmem:s0+$0x30];
	_ =	sdelay $0x4  }
0x10e: {  	v1 =	vadd.s32 $0x2800, v1  }
0x10f: {  	[tilespmem:$0x1030] =	vst v1  }
0x110: {  	v1 =	vld [tilespmem:s0+$0x830];
	_ =	sdelay $0x4  }
0x111: {  	[tilespmem:$0x10B0] =	vst v1  }
0x112: {  	v1 =	vld [tilespmem:s0+$0x40];
	_ =	sdelay $0x4  }
0x113: {  	v1 =	vadd.s32 $0x2800, v1  }
0x114: {  	[tilespmem:$0x1040] =	vst v1  }
0x115: {  	v1 =	vld [tilespmem:s0+$0x840];
	_ =	sdelay $0x4  }
0x116: {  	[tilespmem:$0x10C0] =	vst v1  }
0x117: {  	[tilespmem:s22], [sflag:$0x1] =	stream.indirect.gather [hbm4b:s4+s25], $0x80, s26, s25, $0xb8;
	[tilespmem:$0x17900] =	vst v63  }
0x118: {  	s31 =	sadd.s32 $0x1, s31;
	_ =	swait.ge [sflag:s28], $0x2800  }
0x119: {  	p1 =	sne.s32 s31, $0xA;
	[sflag:s28] =	ssyncset.done $0x0  }
.Ltmp8:
0x11a: {  	[sflag:s28] =	ssyncadd.s32 $0xFFFFD800;
	(pc) =	sbr.rel @p1 .LBB2_8-.Ltmp8, $4  }
0x11b: {  	[spmem:s1] =	stream.indirect.scatter.add.f32 [tilespmem:s22], [sflag:$0x2], $0x80, s29, s25, $0xb8;
	[tilespmem:$0x17900] =	vst v63  }
0x11c: {  	_ =	swait.ge [sflag:s23], $0x2800  }
0x11d: {  	[sflag:s23] =	ssyncset.done $0x0  }
0x11e: {  	[sflag:s23] =	ssyncadd.s32 $0xFFFFD800  }
.Ltmp9:
0x11f: {  	(pc) =	sbr.rel .LBB2_12-.Ltmp9, $2  }
0x120: {  	_ =	sdelay $0x2  }
0x121: {  	s0 =	rddreg [dreg:$0x3]  }
.LBB2_13:
0x122: {  	_ =	sfence.sel $0x180000  }
0x123: {  	[bflag:$0x0] =	sbarrier.arrive $0xFFFF  }
0x124: {  	_ =	strace $0x9000004A  }
0x125: {  	s0 =	stileid.u32;
	[bflag:$0x2] =	sbarrier.arrive $0xFFFF  }
0x126: {  	p0 =	sne.s32 s0, $0x0;
	s0 =	rddreg [dreg:$0x2]  }
0x127: {  	s0 =	sadd.s32 @!p0 $0x100000, s0  }
0x128: {  	[sflag:s0] =	ssyncadd.tile.s32 @!p0 $0x1;
	_ =	shalt  }
.Lfunc_end2:
_tile_overlayer_lowered:
.L_overlay_start_2:
0x129: {  	(tag) =	ssettag $0x2  }
0x12a: {  	s0 =	rddreg [dreg:$0x0];
	s2 =	stileid.u32  }
0x12b: {  	s1 =	rddreg [dreg:$0x1];
	p0 =	sne.s32 s2, $0x0  }
0x12c: {  	s3 =	rddreg [dreg:$0x2];
	[bflag:$0x3] =	sbarrier.arrive $0xFFFF;
	s2 =	simm.s32 @!p0 $0x1C02  }
0x12d: {  	[timem:s3], [sflag:s2] =	dma.local @!p0 [hbm:s0], s1  }
0x12e: {  	s0 =	simm.s32 @!p0 $0x2  }
0x12f: {  	_ =	swait.ge @!p0 [sflag:s0], s1  }
0x130: {  	s1 =	ssub.s32 @!p0 $0x0, s1;
	[sflag:s0] =	ssyncset.done @!p0 $0x0  }
0x131: {  	[sflag:s0] =	ssyncadd.s32 @!p0 s1  }
0x132: {  	[bflag:$0x3] =	sbarrier.arrive $0xFFFF  }
0x133: {  	_ =	shalt  }

// kernel: kernel.14.cloned.1.call-start
scs
__scs_entry_jumppad:
0x0: {  	(pc) =	sbr.rel $0x88, $3  }
0x1: {  	(tag) =	ssettag $0x0;
	lr =	simm.s32 $0x1  }
0x2: {  	[smem:$0x3F94] =	sst lr;
	_ =	strace $0xD0000000  }
0x3: {  	_ = 	snop  }
0x4: {  	_ = 	snop  }
0x5: {  	_ = 	snop  }
0x6: {  	_ = 	snop  }
0x7: {  	_ = 	snop  }
__scs_overlays_trampoline_lowered:
0x8: {  	[smem:$0x3FA3] =	sst s0  }
0x9: {  	[smem:$0x3FA4] =	sst s1  }
0xa: {  	[smem:$0x3FA5] =	sst s2  }
0xb: {  	[smem:$0x3FA6] =	sst s3  }
0xc: {  	[smem:$0x3FA7] =	sst s4  }
0xd: {  	[smem:$0x3FA8] =	sst s5  }
0xe: {  	[smem:$0x3FA9] =	sst s6  }
0xf: {  	[smem:$0x3FAA] =	sst s7  }
0x10: {  	[smem:$0x3FAB] =	sst s8  }
0x11: {  	[smem:$0x3FAC] =	sst s9;
	s0 =	simm.s32 @!p0 $0x0  }
0x12: {  	s1 =	sld [smem:$0x3F92];
	s0 =	simm.s32 @p0 $0x1  }
0x13: {  	[smem:$0x3FAD] =	sst s0;
	s0 =	simm.s32 @!p1 $0x0  }
0x14: {  	s2 =	sld [smem:$0x3F91];
	s0 =	simm.s32 @p1 $0x1  }
0x15: {  	[smem:$0x3FAE] =	sst s0;
	s0 =	simm.s32 @!p2 $0x0  }
0x16: {  	s3 =	sld [smem:$0x3FDB];
	s0 =	simm.s32 @p2 $0x1  }
0x17: {  	s4 =	simm.s32 $0x1BF5;
	[smem:$0x3FB0] =	sst s0  }
0x18: {  	s0 =	sld [smem:$0x3F93];
	_ =	swait.ge [sflag:s4], $0x0  }
0x19: {  	s7 =	sld [smem:$0x3F94]  }
0x1a: {  	s8 =	sadd.s32 $0xFFFFE003, lr  }
0x1b: {  	s9 =	sadd.s32 $0xFFFFFEF7, lr;
	s5 =	simm.s32 $0xFFFFFFFF;
	p2 =	slt.u32 s8, $0xFFFFF086  }
0x1c: {  	p1 =	slt.u32 s9, $0xF7A;
	s5 =	simm.s32 @!p2 $0x0  }
0x1d: {  	s5 =	simm.s32 @p1 $0x1;
	p0 =	seq.s32 s7, s2  }
0x1e: {  	s7 =	smul.u32 @!p0 $0xF7A, s2;
	p2 =	seq.s32 @!p0 s5, $0x0  }
0x1f: {  	s9 =	smul.u32 $0xF7A, s1;
	s8 =	simm.s32 @!p0 $0x1BF5;
	p2 =	por !p2, p0  }
0x20: {  	[sflag:s8] =	ssyncset.s32 @!p0 $0xFFFFF086;
	s6 =	sadd.s32 @!p0 s3, s7;
	s7 =	simm.s32 @!p0 $0x108  }
0x21: {  	s3 =	sadd.s32 s3, s9;
	s6 =	sadd.s32 @!p0 $0x88, s6;
	s7 =	simm.s32 @p2 $0x1082  }
0x22: {  	[simem:s7], [sflag:s8] =	dma.local @!p0 [hbm:s6], $0xF7A  }
0x23: {  	s9 =	sor.u32 $0xD0000000, s2;
	s6 =	simm.s32 $0x108;
	_ =	swait.ge @!p0 [sflag:s8], $0x0  }
0x24: {  	s3 =	sadd.s32 $0x88, s3;
	s6 =	simm.s32 @!p1 $0x1082;
	[sflag:s4] =	ssyncset.s32 $0xFFFFF086  }
0x25: {  	[simem:s6], [sflag:s4] =	dma.local [hbm:s3], $0xF7A  }
0x26: {  	[smem:$0x3F94] =	sst s1;
	(tag) =	ssettag s2;
	_ =	strace s9  }
0x27: {  	s1 =	sld [smem:$0x3FA4]  }
0x28: {  	s2 =	sld [smem:$0x3FA5]  }
0x29: {  	s4 =	sld [smem:$0x3FA7]  }
0x2a: {  	p0 =	seq.s32 s5, $0x0;
	s5 =	sld [smem:$0x3FA8]  }
0x2b: {  	s6 =	sld [smem:$0x3FA9]  }
0x2c: {  	s7 =	sld [smem:$0x3FAA]  }
0x2d: {  	s3 =	simm.s32 $0x108;
	s8 =	sld [smem:$0x3FAB]  }
0x2e: {  	s3 =	simm.s32 @!p0 $0x1082;
	s9 =	sld [smem:$0x3FAC]  }
0x2f: {  	lr =	sadd.s32 s0, s3;
	s0 =	sld [smem:$0x3FA3]  }
0x30: {  	s3 =	sld [smem:$0x3FA6]  }
0x31: {  	[smem:$0x3FAF] =	sst s10  }
0x32: {  	s10 =	sld [smem:$0x3FAD];
	_ =	sdelay $0x3  }
0x33: {  	p0 =	seq.s32 s10, $0x1;
	s10 =	sld [smem:$0x3FAF];
	_ =	sdelay $0x3  }
0x34: {  	[smem:$0x3FAF] =	sst s10  }
0x35: {  	s10 =	sld [smem:$0x3FAE];
	_ =	sdelay $0x3  }
0x36: {  	p1 =	seq.s32 s10, $0x1;
	s10 =	sld [smem:$0x3FAF];
	_ =	sdelay $0x3  }
0x37: {  	[smem:$0x3FAF] =	sst s10  }
0x38: {  	s10 =	sld [smem:$0x3FB0]  }
0x39: {  	_ = 	snop;
	(pc) =	sbr.ind lr, $3  }
0x3a: {  	_ = 	snop  }
0x3b: {  	_ = 	snop  }
0x3c: {  	p2 =	seq.s32 s10, $0x1;
	s10 =	sld [smem:$0x3FAF]  }
0x3d: {  	_ =	shalt  }
0x3e: {  	_ =	shalt  }
0x3f: {  	_ =	shalt  }
0x40: {  	_ =	shalt  }
0x41: {  	_ =	shalt  }
0x42: {  	_ =	shalt  }
0x43: {  	_ =	shalt  }
0x44: {  	_ =	shalt  }
0x45: {  	_ =	shalt  }
0x46: {  	_ =	shalt  }
0x47: {  	_ =	shalt  }
0x48: {  	_ =	shalt  }
0x49: {  	_ =	shalt  }
0x4a: {  	_ =	shalt  }
0x4b: {  	_ =	shalt  }
0x4c: {  	_ =	shalt  }
0x4d: {  	_ =	shalt  }
0x4e: {  	_ =	shalt  }
0x4f: {  	_ =	shalt  }
0x50: {  	_ =	shalt  }
0x51: {  	_ =	shalt  }
0x52: {  	_ =	shalt  }
0x53: {  	_ =	shalt  }
0x54: {  	_ =	shalt  }
0x55: {  	_ =	shalt  }
0x56: {  	_ =	shalt  }
0x57: {  	_ =	shalt  }
0x58: {  	_ =	shalt  }
0x59: {  	_ =	shalt  }
0x5a: {  	_ =	shalt  }
0x5b: {  	_ =	shalt  }
0x5c: {  	_ =	shalt  }
0x5d: {  	_ =	shalt  }
0x5e: {  	_ =	shalt  }
0x5f: {  	_ =	shalt  }
0x60: {  	_ =	shalt  }
0x61: {  	_ =	shalt  }
0x62: {  	_ =	shalt  }
0x63: {  	_ =	shalt  }
0x64: {  	_ =	shalt  }
0x65: {  	_ =	shalt  }
0x66: {  	_ =	shalt  }
0x67: {  	_ =	shalt  }
0x68: {  	_ =	shalt  }
0x69: {  	_ =	shalt  }
0x6a: {  	_ =	shalt  }
0x6b: {  	_ =	shalt  }
0x6c: {  	_ =	shalt  }
0x6d: {  	_ =	shalt  }
0x6e: {  	_ =	shalt  }
0x6f: {  	_ =	shalt  }
0x70: {  	_ =	shalt  }
0x71: {  	_ =	shalt  }
0x72: {  	_ =	shalt  }
0x73: {  	_ =	shalt  }
0x74: {  	_ =	shalt  }
0x75: {  	_ =	shalt  }
0x76: {  	_ =	shalt  }
0x77: {  	_ =	shalt  }
0x78: {  	_ =	shalt  }
0x79: {  	_ =	shalt  }
0x7a: {  	_ =	shalt  }
0x7b: {  	_ =	shalt  }
0x7c: {  	_ =	shalt  }
0x7d: {  	_ =	shalt  }
0x7e: {  	_ =	shalt  }
0x7f: {  	_ =	shalt  }
0x80: {  	_ =	shalt  }
0x81: {  	_ =	shalt  }
0x82: {  	_ =	shalt  }
0x83: {  	_ =	shalt  }
0x84: {  	_ =	shalt  }
0x85: {  	_ =	shalt  }
0x86: {  	_ =	shalt  }
0x87: {  	_ =	shalt  }
.Lfunc_end0:
.L_simem_size_0:
called_computation.2_lowered:
.L_overlay_start_0:
0x88: {  	s2 =	sld [smem:$0x3FD9]  }
0x89: {  	s3 =	sld [smem:$0x3FFE];
	_ =	sdelay $0x1  }
0x8a: {  	s1 =	srdreg.scid  }
0x8b: {  	s0 =	sand.u32 $0x1, s1  }
0x8c: {  	s16 =	sshll.u32 s0, $0xA;
	s2 =	sadd.s32 s3, s2  }
0x8d: {  	s2 =	sadd.s32 s2, s16  }
0x8e: {  	[smem:$0x3FBB] =	sst s2  }
0x8f: {  	_ = 	snop  }
0x90: {  	(tm) =	ssettm $0x1  }
0x91: {  	s17 =	sld [smem:$0x3FFB];
	_ =	sdelay $0x3  }
0x92: {  	_ =	strace s17  }
0x93: {  	s2 =	sld [smem:$0x3FFC];
	_ =	sdelay $0x3  }
0x94: {  	_ =	strace s2  }
0x95: {  	s2 =	sld [smem:$0x3FFD];
	_ =	sdelay $0x3  }
0x96: {  	_ =	strace s2  }
0x97: {  	_ =	strace $0x8FFFFFFF  }
0x98: {  	s18 =	sld [smem:$0x3FDB];
	_ =	sdelay $0x1  }
0x99: {  	s19 =	simm.s32 $_scs_section_size  }
0x9a: {  	s4 =	simm.s32 $_size__tile_overlayer_lowered;
	s5 =	simm.s32 $_tile_overlayer_lowered  }
0x9b: {  	s22 =	simm.s32 $0x1BFF;
	s21 =	sshll.u32 s5, $0x1;
	s2 =	sadd.s32 s19, s18  }
0x9c: {  	s6 =	simm.s32 $0x0;
	s20 =	sshll.u32 s4, $0x1;
	s4 =	sadd.s32 s21, s2  }
0x9d: {  	[timem:s6], [sflag:s22] =	dma.local [hbm:s4], s20  }
0x9e: {  	_ =	swait.ge [sflag:s22], s20  }
0x9f: {  	s3 =	ssub.s32 $0x0, s20;
	[sflag:s22] =	ssyncset.done $0x0  }
0xa0: {  	[sflag:s22] =	ssyncadd.s32 s3;
	_ =	sdelay $0x1  }
0xa1: {  	s23 =	simm.s32 $0x1B8B  }
0xa2: {  	_ =	swait.ge [sflag:s23], $0x1  }
0xa3: {  	[sflag:s23] =	ssyncset.done $0x0  }
0xa4: {  	s25 =	simm.s32 $0x1B8E;
	s24 =	sld [smem:$0x3FFE];
	[sflag:s23] =	ssyncadd.s32 $0xFFFFFFFF  }
0xa5: {  	s26 =	simm.s32 $execute0_lowered;
	[smem:$0x3FD2] =	sst s25  }
0xa6: {  	s4 =	sshll.u32 s26, $0x1;
	_ =	strace $0x8000004C;
	[dreg:$0x1] =	wrdreg $0xFFFFFFFF  }
0xa7: {  	s28 =	simm.s32 $_size_execute0_lowered;
	s2 =	sadd.s32 s2, s4;
	[dreg:$0x0] =	wrdreg $0x0  }
0xa8: {  	s4 =	sshll.u32 s28, $0x1;
	[dreg:$0x2] =	wrdreg s2  }
0xa9: {  	[dreg:$0x3] =	wrdreg s4  }
0xaa: {  	[dreg:$0x4] =	wrdreg $0xC0  }
0xab: {  	_ =	task [dreg:s6], $0x5FFFF  }
0xac: {  	[dreg:$0x1] =	wrdreg $0xFFFFFFFF  }
0xad: {  	[dreg:$0x0] =	wrdreg $0x60  }
0xae: {  	[dreg:$0x2] =	wrdreg s24  }
0xaf: {  	[dreg:$0x3] =	wrdreg $0x39000  }
0xb0: {  	[dreg:$0x4] =	wrdreg $0x9  }
0xb1: {  	_ =	task.clear_ibuf [dreg:s6], $0x5FFFF;
	_ =	strace $0x9000004C  }
0xb2: {  	s29 =	simm.s32 $0x9;
	_ =	strace $0x8000004E  }
0xb3: {  	_ =	swait.ge [sflag:s29], $0x1  }
0xb4: {  	[sflag:s29] =	ssyncadd.s32 $0xFFFFFFFF  }
0xb5: {  	_ =	strace $0x9000004E  }
0xb6: {  	_ =	sfence  }
0xb7: {  	s30 =	sld [smem:$0x0];
	_ =	sdelay $0x2  }
0xb8: {  	s31 =	sshll.u32 s1, $0xD;
	s1 =	sshrl.u32 s1, $0x2  }
0xb9: {  	s3 =	sand.u32 $0x4000, s31;
	s1 =	sadd.s32 s1, s30  }
0xba: {  	s0 =	sor.u32 s3, s0;
	s1 =	sshll.u32 s1, $0x11  }
0xbb: {  	s0 =	sor.u32 s1, s0  }
0xbc: {  	s0 =	sadd.s32 $0x8F2B, s0  }
0xbd: {  	[sflag:s0] =	ssyncadd.remote.s32 $0x1  }
0xbe: {  	_ =	sfence.sel $0xFFFF  }
0xbf: {  	[dreg:$0x0] =	wrdreg $0xFFFFFFFF;
	(pc) =	sbr.abs _section_cstart, $3  }
0xc0: {  	[dreg:$0x1] =	wrdreg $0xFFFFFFFF  }
0xc1: {  	_ =	task.clear_ibuf [dreg:s6], $0x2FFFF;
	_ =	strace $0x9FFFFFFF  }
0xc2: {  	(tm) =	ssettm $0x7FFFFFFF  }
0xc3: {  	_ =	shalt  }
tec
execute0_lowered:
.L_overlay_start_1:
0x0: {  	(tag) =	ssettag $0x1  }
0x1: {  	s0 =	rddreg [dreg:$0x0]  }
0x2: {  	s1 =	rddreg [dreg:$0x1];
	s2 =	simm.s32 $0x0  }
0x3: {  	s3 =	srdreg.scid;
	s20 =	stileid.u32;
	s22 =	simm.s32 $0x1100  }
0x4: {  	s23 =	simm.s32 $0x2;
	s24 =	simm.s32 $0x800;
	s25 =	simm.s32 $0x50  }
0x5: {  	s28 =	simm.s32 $0x1;
	s29 =	simm.s32 $0x1080;
	s30 =	simm.s32 $0x0  }
0x6: {  	[smem:$0x7FF] =	sst s2;
	s4 =	sadd.s32 $0x7A200, s0;
	s9 =	smul.u32 $0x50000, s20  }
0x7: {  	s5 =	sadd.s32 $0x20400, s0;
	s3 =	sand.u32 $0x1, s3;
	s18 =	smul.u32 $0x14000, s20  }
0x8: {  	s6 =	sadd.s32 $0x16600, s0;
	s7 =	sadd.s32 $0x2A00, s0;
	s17 =	smul.u32 $0x4E20, s20  }
0x9: {  	s8 =	sadd.s32 $0xC800, s0;
	s31 =	smul.u32 $0x2800, s20;
	s10 =	ssub.s32 $0x2, s3  }
0xa: {  	_ =	strace $0x8000004D;
	p0 =	sne.s32 s3, $0x0;
	s11 =	sshrl.u32 s10, $0x1  }
0xb: {  	s12 =	sshrl.u32 s9, $0x2;
	s9 =	sadd.s32 $0x11A200, s0;
	s19 =	sshrl.u32 s18, $0x3  }
.Ltmp0:
0xc: {  	s26 =	ssub.s32 s10, s11;
	s10 =	sadd.s32 s12, s1;
	(pc) =	sbr.rel .LBB2_1-.Ltmp0, $4  }
0xd: {  	[dreg:$0x4] =	wrdreg s31;
	s19 =	sadd.s32 $0x28000, s19;
	s11 =	sadd.s32 $0x2800, s10  }
0xe: {  	s12 =	sadd.s32 $0x5000, s10;
	s13 =	sadd.s32 $0x7800, s10;
	s14 =	sadd.s32 $0xA000, s10  }
0xf: {  	s15 =	sadd.s32 $0xC800, s10;
	s16 =	sadd.s32 $0xF000, s10;
	s18 =	sadd.s32 $0x11800, s10  }
0x10: {  	v0 =	vimm.f32 $0.0e+00;
	[dreg:$0x3] =	wrdreg s19;
	s21 =	smax.u32 s26, $0x1;
	s26 =	simm.s32 $0x1000  }
.LBB2_12:
0x11: {  	s0 =	sadd.s32 s9, s0;
	s3 =	stileid.u32;
	s2 =	sadd.s32 $0x1, s2  }
0x12: {  	[bflag:$0x0] =	sbarrier.arrive $0xFFFF;
	s3 =	sshll.u32 s3, $0x6;
	p1 =	sne.s32 s2, s21  }
.Ltmp1:
0x13: {  	s19 =	sshrl.u32 s10, $0x3;
	s3 =	sor.u32 $0x1C02, s3;
	(pc) =	sbr.rel @!p1 .LBB2_13-.Ltmp1, $4  }
0x14: {  	[hbm:s0], [sflag:s3] =	dma.local [spmem:s19], $0x2800  }
0x15: {  	_ =	swait.ge [sflag:s23], $0x2800  }
0x16: {  	[sflag:s23] =	ssyncset.done $0x0  }
0x17: {  	[sflag:s23] =	ssyncadd.s32 $0xFFFFD800  }
.LBB2_1:
0x18: {  	s0 =	simm.s32 $0x0;
	s19 =	simm.s32 $0x200  }
.LBB2_2:
0x19: {  	p1 =	sne.s32 s19, $0x9E00;
	[tilespmem:s0+$0x1170] =	vst v0  }
0x1a: {  	[tilespmem:s0+$0x1100] =	vst v0  }
0x1b: {  	[tilespmem:s0+$0x1110] =	vst v0  }
.Ltmp2:
0x1c: {  	[tilespmem:s0+$0x1120] =	vst v0;
	(pc) =	sbr.rel @p1 .LBB2_2-.Ltmp2, $4  }
0x1d: {  	[tilespmem:s0+$0x1130] =	vst v0  }
0x1e: {  	[tilespmem:s0+$0x1140] =	vst v0  }
0x1f: {  	[tilespmem:s0+$0x1150] =	vst v0  }
0x20: {  	[tilespmem:s0+$0x1160] =	vst v0;
	s0 =	sshra.s32 s19, $0x2;
	s19 =	sadd.s32 $0x200, s19  }
0x21: {  	[tilespmem:s0+$0x1170] =	vst v0  }
0x22: {  	[tilespmem:s0+$0x1100] =	vst v0  }
0x23: {  	[tilespmem:s0+$0x1110] =	vst v0  }
0x24: {  	[tilespmem:s0+$0x1120] =	vst v0  }
0x25: {  	[tilespmem:s0+$0x1130] =	vst v0  }
0x26: {  	[tilespmem:s0+$0x1140] =	vst v0  }
0x27: {  	[tilespmem:s0+$0x1150] =	vst v0  }
0x28: {  	[tilespmem:s0+$0x1160] =	vst v0  }
0x29: {  	[spmem:s10] =	stream.linear.scatter [tilespmem:s22], [sflag:$0x2], $0x2800, $0x38;
	[tilespmem:$0x17900] =	vst v63  }
0x2a: {  	_ =	swait.ge [sflag:s23], $0x2800  }
0x2b: {  	[sflag:s23] =	ssyncset.done $0x0  }
0x2c: {  	[sflag:s23] =	ssyncadd.s32 $0xFFFFD800  }
0x2d: {  	[spmem:s11] =	stream.linear.scatter [tilespmem:s22], [sflag:$0x2], $0x2800, $0x38;
	[tilespmem:$0x17900] =	vst v63  }
0x2e: {  	_ =	swait.ge [sflag:s23], $0x2800  }
0x2f: {  	[sflag:s23] =	ssyncset.done $0x0  }
0x30: {  	[sflag:s23] =	ssyncadd.s32 $0xFFFFD800  }
0x31: {  	[spmem:s12] =	stream.linear.scatter [tilespmem:s22], [sflag:$0x2], $0x2800, $0x38;
	[tilespmem:$0x17900] =	vst v63  }
0x32: {  	_ =	swait.ge [sflag:s23], $0x2800  }
0x33: {  	[sflag:s23] =	ssyncset.done $0x0  }
0x34: {  	[sflag:s23] =	ssyncadd.s32 $0xFFFFD800  }
0x35: {  	[spmem:s13] =	stream.linear.scatter [tilespmem:s22], [sflag:$0x2], $0x2800, $0x38;
	[tilespmem:$0x17900] =	vst v63  }
0x36: {  	_ =	swait.ge [sflag:s23], $0x2800  }
0x37: {  	[sflag:s23] =	ssyncset.done $0x0  }
0x38: {  	[sflag:s23] =	ssyncadd.s32 $0xFFFFD800  }
0x39: {  	[spmem:s14] =	stream.linear.scatter [tilespmem:s22], [sflag:$0x2], $0x2800, $0x38;
	[tilespmem:$0x17900] =	vst v63  }
0x3a: {  	_ =	swait.ge [sflag:s23], $0x2800  }
0x3b: {  	[sflag:s23] =	ssyncset.done $0x0  }
0x3c: {  	[sflag:s23] =	ssyncadd.s32 $0xFFFFD800  }
0x3d: {  	[spmem:s15] =	stream.linear.scatter [tilespmem:s22], [sflag:$0x2], $0x2800, $0x38;
	[tilespmem:$0x17900] =	vst v63  }
0x3e: {  	_ =	swait.ge [sflag:s23], $0x2800  }
0x3f: {  	[sflag:s23] =	ssyncset.done $0x0  }
0x40: {  	[sflag:s23] =	ssyncadd.s32 $0xFFFFD800  }
0x41: {  	[spmem:s16] =	stream.linear.scatter [tilespmem:s22], [sflag:$0x2], $0x2800, $0x38;
	[tilespmem:$0x17900] =	vst v63  }
0x42: {  	_ =	swait.ge [sflag:s23], $0x2800  }
0x43: {  	[sflag:s23] =	ssyncset.done $0x0  }
0x44: {  	[sflag:s23] =	ssyncadd.s32 $0xFFFFD800  }
0x45: {  	[spmem:s18] =	stream.linear.scatter [tilespmem:s22], [sflag:$0x2], $0x2800, $0x38;
	[tilespmem:$0x17900] =	vst v63  }
.Ltmp3:
0x46: {  	_ =	swait.ge [sflag:s23], $0x2800;
	(pc) =	sbr.rel @p0 .LBB2_8-.Ltmp3, $4  }
0x47: {  	[sflag:s23] =	ssyncset.done $0x0  }
0x48: {  	[sflag:s23] =	ssyncadd.s32 $0xFFFFD800  }
0x49: {  	[bflag:$0x0] =	sbarrier.arrive $0xFFFF  }
0x4a: {  	s0 =	simm.s32 $0x0;
	s31 =	simm.s32 $0x0  }
.LBB2_4:
0x4b: {  	s3 =	smul.u32 $0x7D0, s0;
	_ =	sdelay $0x1  }
0x4c: {  	s3 =	sadd.s32 s17, s3  }
0x4d: {  	s3 =	sshrl.u32 s3, $0x3  }
0x4e: {  	s19 =	sadd.s32 s5, s3  }
0x4f: {  	[tilespmem:s30], [sflag:$0x2] =	stream.linear.gather [hbm4b:s19+s30], $0x7D0, $0x38;
	[tilespmem:$0x17900] =	vst v63  }
0x50: {  	_ =	swait.ge [sflag:s23], $0x7D0  }
0x51: {  	[sflag:s23] =	ssyncset.done $0x0  }
0x52: {  	s3 =	sadd.s32 s6, s3;
	[sflag:s23] =	ssyncadd.s32 $0xFFFFF830  }
0x53: {  	[tilespmem:s24], [sflag:$0x2] =	stream.linear.gather [hbm4b:s3+s30], $0x7D0, $0x38;
	[tilespmem:$0x17900] =	vst v63  }
0x54: {  	_ =	swait.ge [sflag:s23], $0x7D0  }
0x55: {  	[sflag:s23] =	ssyncset.done $0x0  }
0x56: {  	s20 =	simm.s32 $0x0;
	[sflag:s23] =	ssyncadd.s32 $0xFFFFF830  }
0x57: {  	v1 =	vld [tilespmem:s20+$0x0];
	_ =	sdelay $0x4  }
0x58: {  	[tilespmem:$0x1000] =	vst v1  }
0x59: {  	v1 =	vld [tilespmem:s20+$0x800];
	_ =	sdelay $0x4  }
0x5a: {  	[tilespmem:$0x1080] =	vst v1  }
0x5b: {  	v1 =	vld [tilespmem:s20+$0x10];
	_ =	sdelay $0x4  }
0x5c: {  	[tilespmem:$0x1010] =	vst v1  }
0x5d: {  	v1 =	vld [tilespmem:s20+$0x810];
	_ =	sdelay $0x4  }
0x5e: {  	[tilespmem:$0x1090] =	vst v1  }
0x5f: {  	v1 =	vld [tilespmem:s20+$0x20];
	_ =	sdelay $0x4  }
0x60: {  	[tilespmem:$0x1020] =	vst v1  }
0x61: {  	v1 =	vld [tilespmem:s20+$0x820];
	_ =	sdelay $0x4  }
0x62: {  	[tilespmem:$0x10A0] =	vst v1  }
0x63: {  	v1 =	vld [tilespmem:s20+$0x30];
	_ =	sdelay $0x4  }
0x64: {  	[tilespmem:$0x1030] =	vst v1  }
0x65: {  	v1 =	vld [tilespmem:s20+$0x830];
	_ =	sdelay $0x4  }
0x66: {  	[tilespmem:$0x10B0] =	vst v1  }
0x67: {  	v1 =	vld [tilespmem:s20+$0x40];
	_ =	sdelay $0x4  }
0x68: {  	[tilespmem:$0x1040] =	vst v1  }
0x69: {  	v1 =	vld [tilespmem:s20+$0x840];
	_ =	sdelay $0x4  }
0x6a: {  	[tilespmem:$0x10C0] =	vst v1  }
0x6b: {  	[tilespmem:s22], [sflag:$0x1] =	stream.indirect.gather [hbm4b:s4+s25], $0x80, s26, s25, $0xb8;
	[tilespmem:$0x17900] =	vst v63  }
0x6c: {  	_ =	swait.ge [sflag:s28], $0x2800  }
0x6d: {  	[sflag:s28] =	ssyncset.done $0x0  }
0x6e: {  	[sflag:s28] =	ssyncadd.s32 $0xFFFFD800  }
0x6f: {  	[spmem:s1] =	stream.indirect.scatter.add.f32 [tilespmem:s22], [sflag:$0x2], $0x80, s29, s25, $0xb8;
	[tilespmem:$0x17900] =	vst v63  }
0x70: {  	_ =	swait.ge [sflag:s23], $0x2800  }
0x71: {  	s31 =	simm.s32 $0x140;
	s19 =	simm.s32 $0x280;
	[sflag:s23] =	ssyncset.done $0x0  }
.LBB2_5:
0x72: {  	s20 =	sshra.s32 s31, $0x2  }
0x73: {  	[sflag:s23] =	ssyncadd.s32 $0xFFFFD800;
	s31 =	smov.u32 s19;
	s3 =	sadd.s32 $0x140, s19  }
0x74: {  	p1 =	sne.s32 s19, $0x1E00;
	v1 =	vld [tilespmem:s20+$0x0];
	_ =	sdelay $0x4  }
0x75: {  	[tilespmem:$0x1000] =	vst v1  }
0x76: {  	v1 =	vld [tilespmem:s20+$0x800];
	_ =	sdelay $0x4  }
0x77: {  	[tilespmem:$0x1080] =	vst v1  }
0x78: {  	v1 =	vld [tilespmem:s20+$0x10];
	_ =	sdelay $0x4  }
0x79: {  	[tilespmem:$0x1010] =	vst v1  }
0x7a: {  	v1 =	vld [tilespmem:s20+$0x810];
	_ =	sdelay $0x4  }
0x7b: {  	[tilespmem:$0x1090] =	vst v1  }
0x7c: {  	v1 =	vld [tilespmem:s20+$0x20];
	_ =	sdelay $0x4  }
0x7d: {  	[tilespmem:$0x1020] =	vst v1  }
0x7e: {  	v1 =	vld [tilespmem:s20+$0x820];
	_ =	sdelay $0x4  }
0x7f: {  	[tilespmem:$0x10A0] =	vst v1  }
0x80: {  	v1 =	vld [tilespmem:s20+$0x30];
	_ =	sdelay $0x4  }
0x81: {  	[tilespmem:$0x1030] =	vst v1  }
0x82: {  	v1 =	vld [tilespmem:s20+$0x830];
	_ =	sdelay $0x4  }
0x83: {  	[tilespmem:$0x10B0] =	vst v1  }
0x84: {  	v1 =	vld [tilespmem:s20+$0x40];
	_ =	sdelay $0x4  }
0x85: {  	[tilespmem:$0x1040] =	vst v1  }
0x86: {  	v1 =	vld [tilespmem:s20+$0x840];
	_ =	sdelay $0x4  }
0x87: {  	[tilespmem:$0x10C0] =	vst v1  }
0x88: {  	[tilespmem:s22], [sflag:$0x1] =	stream.indirect.gather [hbm4b:s4+s25], $0x80, s26, s25, $0xb8;
	[tilespmem:$0x17900] =	vst v63  }
0x89: {  	_ =	swait.ge [sflag:s28], $0x2800  }
.Ltmp4:
0x8a: {  	[sflag:s28] =	ssyncset.done $0x0;
	(pc) =	sbr.rel @p1 .LBB2_5-.Ltmp4, $4  }
0x8b: {  	[sflag:s28] =	ssyncadd.s32 $0xFFFFD800  }
0x8c: {  	[spmem:s1] =	stream.indirect.scatter.add.f32 [tilespmem:s22], [sflag:$0x2], $0x80, s29, s25, $0xb8;
	[tilespmem:$0x17900] =	vst v63  }
0x8d: {  	_ =	swait.ge [sflag:s23], $0x2800  }
0x8e: {  	s19 =	smov.u32 s3;
	[sflag:s23] =	ssyncset.done $0x0  }
0x8f: {  	s3 =	sshra.s32 s31, $0x2;
	[sflag:s23] =	ssyncadd.s32 $0xFFFFD800  }
0x90: {  	v1 =	vld [tilespmem:s3+$0x0];
	_ =	sdelay $0x4  }
0x91: {  	[tilespmem:$0x1000] =	vst v1  }
0x92: {  	v1 =	vld [tilespmem:s3+$0x800];
	_ =	sdelay $0x4  }
0x93: {  	[tilespmem:$0x1080] =	vst v1  }
0x94: {  	v1 =	vld [tilespmem:s3+$0x10];
	_ =	sdelay $0x4  }
0x95: {  	[tilespmem:$0x1010] =	vst v1  }
0x96: {  	v1 =	vld [tilespmem:s3+$0x810];
	_ =	sdelay $0x4  }
0x97: {  	[tilespmem:$0x1090] =	vst v1  }
0x98: {  	v1 =	vld [tilespmem:s3+$0x20];
	_ =	sdelay $0x4  }
0x99: {  	[tilespmem:$0x1020] =	vst v1  }
0x9a: {  	v1 =	vld [tilespmem:s3+$0x820];
	_ =	sdelay $0x4  }
0x9b: {  	[tilespmem:$0x10A0] =	vst v1  }
0x9c: {  	v1 =	vld [tilespmem:s3+$0x30];
	_ =	sdelay $0x4  }
0x9d: {  	[tilespmem:$0x1030] =	vst v1  }
0x9e: {  	v1 =	vld [tilespmem:s3+$0x830];
	_ =	sdelay $0x4  }
0x9f: {  	[tilespmem:$0x10B0] =	vst v1  }
0xa0: {  	v1 =	vld [tilespmem:s3+$0x40];
	_ =	sdelay $0x4  }
0xa1: {  	[tilespmem:$0x1040] =	vst v1  }
0xa2: {  	v1 =	vld [tilespmem:s3+$0x840];
	_ =	sdelay $0x4  }
0xa3: {  	[tilespmem:$0x10C0] =	vst v1  }
0xa4: {  	[tilespmem:s22], [sflag:$0x1] =	stream.indirect.gather [hbm4b:s4+s25], $0x80, s26, s25, $0xb8;
	[tilespmem:$0x17900] =	vst v63  }
0xa5: {  	s0 =	sadd.s32 $0x1, s0;
	_ =	swait.ge [sflag:s28], $0x2800  }
0xa6: {  	p1 =	seq.s32 s0, $0xA;
	[sflag:s28] =	ssyncset.done $0x0  }
.Ltmp5:
0xa7: {  	[sflag:s28] =	ssyncadd.s32 $0xFFFFD800;
	(pc) =	sbr.rel @!p1 .LBB2_4-.Ltmp5, $4  }
0xa8: {  	[spmem:s1] =	stream.indirect.scatter.add.f32 [tilespmem:s22], [sflag:$0x2], $0x80, s29, s25, $0xb8;
	[tilespmem:$0x17900] =	vst v63  }
0xa9: {  	_ =	swait.ge [sflag:s23], $0x2800  }
0xaa: {  	[sflag:s23] =	ssyncset.done $0x0  }
0xab: {  	[sflag:s23] =	ssyncadd.s32 $0xFFFFD800  }
.Ltmp6:
0xac: {  	(pc) =	sbr.rel .LBB2_12-.Ltmp6, $2  }
0xad: {  	_ =	sdelay $0x2  }
0xae: {  	s0 =	rddreg [dreg:$0x4]  }
.LBB2_8:
0xaf: {  	s0 =	smul.u32 $0x7D0, s31;
	_ =	sdelay $0x1  }
0xb0: {  	s0 =	sadd.s32 s17, s0  }
0xb1: {  	s0 =	sshrl.u32 s0, $0x3  }
0xb2: {  	s3 =	sadd.s32 s7, s0  }
0xb3: {  	[tilespmem:s30], [sflag:$0x2] =	stream.linear.gather [hbm4b:s3+s30], $0x7D0, $0x38;
	[tilespmem:$0x17900] =	vst v63  }
0xb4: {  	_ =	swait.ge [sflag:s23], $0x7D0  }
0xb5: {  	[sflag:s23] =	ssyncset.done $0x0  }
0xb6: {  	s0 =	sadd.s32 s8, s0;
	[sflag:s23] =	ssyncadd.s32 $0xFFFFF830  }
0xb7: {  	[tilespmem:s24], [sflag:$0x2] =	stream.linear.gather [hbm4b:s0+s30], $0x7D0, $0x38;
	[tilespmem:$0x17900] =	vst v63  }
0xb8: {  	_ =	swait.ge [sflag:s23], $0x7D0  }
0xb9: {  	[sflag:s23] =	ssyncset.done $0x0  }
0xba: {  	s20 =	simm.s32 $0x0;
	[sflag:s23] =	ssyncadd.s32 $0xFFFFF830  }
0xbb: {  	v1 =	vld [tilespmem:s20+$0x0];
	_ =	sdelay $0x4  }
0xbc: {  	v1 =	vadd.s32 $0x2800, v1  }
0xbd: {  	[tilespmem:$0x1000] =	vst v1  }
0xbe: {  	v1 =	vld [tilespmem:s20+$0x800];
	_ =	sdelay $0x4  }
0xbf: {  	[tilespmem:$0x1080] =	vst v1  }
0xc0: {  	v1 =	vld [tilespmem:s20+$0x10];
	_ =	sdelay $0x4  }
0xc1: {  	v1 =	vadd.s32 $0x2800, v1  }
0xc2: {  	[tilespmem:$0x1010] =	vst v1  }
0xc3: {  	v1 =	vld [tilespmem:s20+$0x810];
	_ =	sdelay $0x4  }
0xc4: {  	[tilespmem:$0x1090] =	vst v1  }
0xc5: {  	v1 =	vld [tilespmem:s20+$0x20];
	_ =	sdelay $0x4  }
0xc6: {  	v1 =	vadd.s32 $0x2800, v1  }
0xc7: {  	[tilespmem:$0x1020] =	vst v1  }
0xc8: {  	v1 =	vld [tilespmem:s20+$0x820];
	_ =	sdelay $0x4  }
0xc9: {  	[tilespmem:$0x10A0] =	vst v1  }
0xca: {  	v1 =	vld [tilespmem:s20+$0x30];
	_ =	sdelay $0x4  }
0xcb: {  	v1 =	vadd.s32 $0x2800, v1  }
0xcc: {  	[tilespmem:$0x1030] =	vst v1  }
0xcd: {  	v1 =	vld [tilespmem:s20+$0x830];
	_ =	sdelay $0x4  }
0xce: {  	[tilespmem:$0x10B0] =	vst v1  }
0xcf: {  	v1 =	vld [tilespmem:s20+$0x40];
	_ =	sdelay $0x4  }
0xd0: {  	v1 =	vadd.s32 $0x2800, v1  }
0xd1: {  	[tilespmem:$0x1040] =	vst v1  }
0xd2: {  	v1 =	vld [tilespmem:s20+$0x840];
	_ =	sdelay $0x4  }
0xd3: {  	[tilespmem:$0x10C0] =	vst v1  }
0xd4: {  	[tilespmem:s22], [sflag:$0x1] =	stream.indirect.gather [hbm4b:s4+s25], $0x80, s26, s25, $0xb8;
	[tilespmem:$0x17900] =	vst v63  }
0xd5: {  	_ =	swait.ge [sflag:s28], $0x2800  }
0xd6: {  	[sflag:s28] =	ssyncset.done $0x0  }
0xd7: {  	[sflag:s28] =	ssyncadd.s32 $0xFFFFD800  }
0xd8: {  	[spmem:s1] =	stream.indirect.scatter.add.f32 [tilespmem:s22], [sflag:$0x2], $0x80, s29, s25, $0xb8;
	[tilespmem:$0x17900] =	vst v63  }
0xd9: {  	_ =	swait.ge [sflag:s23], $0x2800  }
0xda: {  	s3 =	simm.s32 $0x280;
	s0 =	simm.s32 $0x140;
	[sflag:s23] =	ssyncset.done $0x0  }
.LBB2_9:
0xdb: {  	s20 =	sshra.s32 s0, $0x2  }
0xdc: {  	[sflag:s23] =	ssyncadd.s32 $0xFFFFD800;
	s0 =	smov.u32 s3;
	s19 =	sadd.s32 $0x140, s3  }
0xdd: {  	p1 =	sne.s32 s3, $0x1E00;
	v1 =	vld [tilespmem:s20+$0x0];
	_ =	sdelay $0x4  }
0xde: {  	v1 =	vadd.s32 $0x2800, v1  }
0xdf: {  	[tilespmem:$0x1000] =	vst v1  }
0xe0: {  	v1 =	vld [tilespmem:s20+$0x800];
	_ =	sdelay $0x4  }
0xe1: {  	[tilespmem:$0x1080] =	vst v1  }
0xe2: {  	v1 =	vld [tilespmem:s20+$0x10];
	_ =	sdelay $0x4  }
0xe3: {  	v1 =	vadd.s32 $0x2800, v1  }
0xe4: {  	[tilespmem:$0x1010] =	vst v1  }
0xe5: {  	v1 =	vld [tilespmem:s20+$0x810];
	_ =	sdelay $0x4  }
0xe6: {  	[tilespmem:$0x1090] =	vst v1  }
0xe7: {  	v1 =	vld [tilespmem:s20+$0x20];
	_ =	sdelay $0x4  }
0xe8: {  	v1 =	vadd.s32 $0x2800, v1  }
0xe9: {  	[tilespmem:$0x1020] =	vst v1  }
0xea: {  	v1 =	vld [tilespmem:s20+$0x820];
	_ =	sdelay $0x4  }
0xeb: {  	[tilespmem:$0x10A0] =	vst v1  }
0xec: {  	v1 =	vld [tilespmem:s20+$0x30];
	_ =	sdelay $0x4  }
0xed: {  	v1 =	vadd.s32 $0x2800, v1  }
0xee: {  	[tilespmem:$0x1030] =	vst v1  }
0xef: {  	v1 =	vld [tilespmem:s20+$0x830];
	_ =	sdelay $0x4  }
0xf0: {  	[tilespmem:$0x10B0] =	vst v1  }
0xf1: {  	v1 =	vld [tilespmem:s20+$0x40];
	_ =	sdelay $0x4  }
0xf2: {  	v1 =	vadd.s32 $0x2800, v1  }
0xf3: {  	[tilespmem:$0x1040] =	vst v1  }
0xf4: {  	v1 =	vld [tilespmem:s20+$0x840];
	_ =	sdelay $0x4  }
0xf5: {  	[tilespmem:$0x10C0] =	vst v1  }
0xf6: {  	[tilespmem:s22], [sflag:$0x1] =	stream.indirect.gather [hbm4b:s4+s25], $0x80, s26, s25, $0xb8;
	[tilespmem:$0x17900] =	vst v63  }
0xf7: {  	_ =	swait.ge [sflag:s28], $0x2800  }
.Ltmp7:
0xf8: {  	[sflag:s28] =	ssyncset.done $0x0;
	(pc) =	sbr.rel @p1 .LBB2_9-.Ltmp7, $4  }
0xf9: {  	[sflag:s28] =	ssyncadd.s32 $0xFFFFD800  }
0xfa: {  	[spmem:s1] =	stream.indirect.scatter.add.f32 [tilespmem:s22], [sflag:$0x2], $0x80, s29, s25, $0xb8;
	[tilespmem:$0x17900] =	vst v63  }
0xfb: {  	_ =	swait.ge [sflag:s23], $0x2800  }
0xfc: {  	s3 =	smov.u32 s19;
	[sflag:s23] =	ssyncset.done $0x0  }
0xfd: {  	s0 =	sshra.s32 s0, $0x2;
	[sflag:s23] =	ssyncadd.s32 $0xFFFFD800  }
0xfe: {  	v1 =	vld [tilespmem:s0+$0x0];
	_ =	sdelay $0x4  }
0xff: {  	v1 =	vadd.s32 $0x2800, v1  }
0x100: {  	[tilespmem:$0x1000] =	vst v1  }
0x101: {  	v1 =	vld [tilespmem:s0+$0x800];
	_ =	sdelay $0x4  }
0x102: {  	[tilespmem:$0x1080] =	vst v1  }
0x103: {  	v1 =	vld [tilespmem:s0+$0x10];
	_ =	sdelay $0x4  }
0x104: {  	v1 =	vadd.s32 $0x2800, v1  }
0x105: {  	[tilespmem:$0x1010] =	vst v1  }
0x106: {  	v1 =	vld [tilespmem:s0+$0x810];
	_ =	sdelay $0x4  }
0x107: {  	[tilespmem:$0x1090] =	vst v1  }
0x108: {  	v1 =	vld [tilespmem:s0+$0x20];
	_ =	sdelay $0x4  }
0x109: {  	v1 =	vadd.s32 $0x2800, v1  }
0x10a: {  	[tilespmem:$0x1020] =	vst v1  }
0x10b: {  	v1 =	vld [tilespmem:s0+$0x820];
	_ =	sdelay $0x4  }
0x10c: {  	[tilespmem:$0x10A0] =	vst v1  }
0x10d: {  	v1 =	vld [tilespmem:s0+$0x30];
	_ =	sdelay $0x4  }
0x10e: {  	v1 =	vadd.s32 $0x2800, v1  }
0x10f: {  	[tilespmem:$0x1030] =	vst v1  }
0x110: {  	v1 =	vld [tilespmem:s0+$0x830];
	_ =	sdelay $0x4  }
0x111: {  	[tilespmem:$0x10B0] =	vst v1  }
0x112: {  	v1 =	vld [tilespmem:s0+$0x40];
	_ =	sdelay $0x4  }
0x113: {  	v1 =	vadd.s32 $0x2800, v1  }
0x114: {  	[tilespmem:$0x1040] =	vst v1  }
0x115: {  	v1 =	vld [tilespmem:s0+$0x840];
	_ =	sdelay $0x4  }
0x116: {  	[tilespmem:$0x10C0] =	vst v1  }
0x117: {  	[tilespmem:s22], [sflag:$0x1] =	stream.indirect.gather [hbm4b:s4+s25], $0x80, s26, s25, $0xb8;
	[tilespmem:$0x17900] =	vst v63  }
0x118: {  	s31 =	sadd.s32 $0x1, s31;
	_ =	swait.ge [sflag:s28], $0x2800  }
0x119: {  	p1 =	sne.s32 s31, $0xA;
	[sflag:s28] =	ssyncset.done $0x0  }
.Ltmp8:
0x11a: {  	[sflag:s28] =	ssyncadd.s32 $0xFFFFD800;
	(pc) =	sbr.rel @p1 .LBB2_8-.Ltmp8, $4  }
0x11b: {  	[spmem:s1] =	stream.indirect.scatter.add.f32 [tilespmem:s22], [sflag:$0x2], $0x80, s29, s25, $0xb8;
	[tilespmem:$0x17900] =	vst v63  }
0x11c: {  	_ =	swait.ge [sflag:s23], $0x2800  }
0x11d: {  	[sflag:s23] =	ssyncset.done $0x0  }
0x11e: {  	[sflag:s23] =	ssyncadd.s32 $0xFFFFD800  }
.Ltmp9:
0x11f: {  	(pc) =	sbr.rel .LBB2_12-.Ltmp9, $2  }
0x120: {  	_ =	sdelay $0x2  }
0x121: {  	s0 =	rddreg [dreg:$0x3]  }
.LBB2_13:
0x122: {  	_ =	sfence.sel $0x180000  }
0x123: {  	[bflag:$0x0] =	sbarrier.arrive $0xFFFF  }
0x124: {  	_ =	strace $0x9000004D  }
0x125: {  	s0 =	stileid.u32;
	[bflag:$0x2] =	sbarrier.arrive $0xFFFF  }
0x126: {  	p0 =	sne.s32 s0, $0x0;
	s0 =	rddreg [dreg:$0x2]  }
0x127: {  	s0 =	sadd.s32 @!p0 $0x100000, s0  }
0x128: {  	[sflag:s0] =	ssyncadd.tile.s32 @!p0 $0x1;
	_ =	shalt  }
.Lfunc_end2:
_tile_overlayer_lowered:
.L_overlay_start_2:
0x129: {  	(tag) =	ssettag $0x2  }
0x12a: {  	s0 =	rddreg [dreg:$0x0];
	s2 =	stileid.u32  }
0x12b: {  	s1 =	rddreg [dreg:$0x1];
	p0 =	sne.s32 s2, $0x0  }
0x12c: {  	s3 =	rddreg [dreg:$0x2];
	[bflag:$0x3] =	sbarrier.arrive $0xFFFF;
	s2 =	simm.s32 @!p0 $0x1C02  }
0x12d: {  	[timem:s3], [sflag:s2] =	dma.local @!p0 [hbm:s0], s1  }
0x12e: {  	s0 =	simm.s32 @!p0 $0x2  }
0x12f: {  	_ =	swait.ge @!p0 [sflag:s0], s1  }
0x130: {  	s1 =	ssub.s32 @!p0 $0x0, s1;
	[sflag:s0] =	ssyncset.done @!p0 $0x0  }
0x131: {  	[sflag:s0] =	ssyncadd.s32 @!p0 s1  }
0x132: {  	[bflag:$0x3] =	sbarrier.arrive $0xFFFF  }
0x133: {  	_ =	shalt  }

// kernel: kernel.8.cloned.1.call-start
scs
__scs_entry_jumppad:
0x0: {  	(pc) =	sbr.rel $0x88, $3  }
0x1: {  	(tag) =	ssettag $0x0;
	lr =	simm.s32 $0x1  }
0x2: {  	[smem:$0x3F94] =	sst lr;
	_ =	strace $0xD0000000  }
0x3: {  	_ = 	snop  }
0x4: {  	_ = 	snop  }
0x5: {  	_ = 	snop  }
0x6: {  	_ = 	snop  }
0x7: {  	_ = 	snop  }
__scs_overlays_trampoline_lowered:
0x8: {  	[smem:$0x3FA3] =	sst s0  }
0x9: {  	[smem:$0x3FA4] =	sst s1  }
0xa: {  	[smem:$0x3FA5] =	sst s2  }
0xb: {  	[smem:$0x3FA6] =	sst s3  }
0xc: {  	[smem:$0x3FA7] =	sst s4  }
0xd: {  	[smem:$0x3FA8] =	sst s5  }
0xe: {  	[smem:$0x3FA9] =	sst s6  }
0xf: {  	[smem:$0x3FAA] =	sst s7  }
0x10: {  	[smem:$0x3FAB] =	sst s8  }
0x11: {  	[smem:$0x3FAC] =	sst s9;
	s0 =	simm.s32 @!p0 $0x0  }
0x12: {  	s1 =	sld [smem:$0x3F92];
	s0 =	simm.s32 @p0 $0x1  }
0x13: {  	[smem:$0x3FAD] =	sst s0;
	s0 =	simm.s32 @!p1 $0x0  }
0x14: {  	s2 =	sld [smem:$0x3F91];
	s0 =	simm.s32 @p1 $0x1  }
0x15: {  	[smem:$0x3FAE] =	sst s0;
	s0 =	simm.s32 @!p2 $0x0  }
0x16: {  	s3 =	sld [smem:$0x3FDB];
	s0 =	simm.s32 @p2 $0x1  }
0x17: {  	s4 =	simm.s32 $0x1BF5;
	[smem:$0x3FB0] =	sst s0  }
0x18: {  	s0 =	sld [smem:$0x3F93];
	_ =	swait.ge [sflag:s4], $0x0  }
0x19: {  	s7 =	sld [smem:$0x3F94]  }
0x1a: {  	s8 =	sadd.s32 $0xFFFFE003, lr  }
0x1b: {  	s9 =	sadd.s32 $0xFFFFFEF7, lr;
	s5 =	simm.s32 $0xFFFFFFFF;
	p2 =	slt.u32 s8, $0xFFFFF086  }
0x1c: {  	p1 =	slt.u32 s9, $0xF7A;
	s5 =	simm.s32 @!p2 $0x0  }
0x1d: {  	s5 =	simm.s32 @p1 $0x1;
	p0 =	seq.s32 s7, s2  }
0x1e: {  	s7 =	smul.u32 @!p0 $0xF7A, s2;
	p2 =	seq.s32 @!p0 s5, $0x0  }
0x1f: {  	s9 =	smul.u32 $0xF7A, s1;
	s8 =	simm.s32 @!p0 $0x1BF5;
	p2 =	por !p2, p0  }
0x20: {  	[sflag:s8] =	ssyncset.s32 @!p0 $0xFFFFF086;
	s6 =	sadd.s32 @!p0 s3, s7;
	s7 =	simm.s32 @!p0 $0x108  }
0x21: {  	s3 =	sadd.s32 s3, s9;
	s6 =	sadd.s32 @!p0 $0x88, s6;
	s7 =	simm.s32 @p2 $0x1082  }
0x22: {  	[simem:s7], [sflag:s8] =	dma.local @!p0 [hbm:s6], $0xF7A  }
0x23: {  	s9 =	sor.u32 $0xD0000000, s2;
	s6 =	simm.s32 $0x108;
	_ =	swait.ge @!p0 [sflag:s8], $0x0  }
0x24: {  	s3 =	sadd.s32 $0x88, s3;
	s6 =	simm.s32 @!p1 $0x1082;
	[sflag:s4] =	ssyncset.s32 $0xFFFFF086  }
0x25: {  	[simem:s6], [sflag:s4] =	dma.local [hbm:s3], $0xF7A  }
0x26: {  	[smem:$0x3F94] =	sst s1;
	(tag) =	ssettag s2;
	_ =	strace s9  }
0x27: {  	s1 =	sld [smem:$0x3FA4]  }
0x28: {  	s2 =	sld [smem:$0x3FA5]  }
0x29: {  	s4 =	sld [smem:$0x3FA7]  }
0x2a: {  	p0 =	seq.s32 s5, $0x0;
	s5 =	sld [smem:$0x3FA8]  }
0x2b: {  	s6 =	sld [smem:$0x3FA9]  }
0x2c: {  	s7 =	sld [smem:$0x3FAA]  }
0x2d: {  	s3 =	simm.s32 $0x108;
	s8 =	sld [smem:$0x3FAB]  }
0x2e: {  	s3 =	simm.s32 @!p0 $0x1082;
	s9 =	sld [smem:$0x3FAC]  }
0x2f: {  	lr =	sadd.s32 s0, s3;
	s0 =	sld [smem:$0x3FA3]  }
0x30: {  	s3 =	sld [smem:$0x3FA6]  }
0x31: {  	[smem:$0x3FAF] =	sst s10  }
0x32: {  	s10 =	sld [smem:$0x3FAD];
	_ =	sdelay $0x3  }
0x33: {  	p0 =	seq.s32 s10, $0x1;
	s10 =	sld [smem:$0x3FAF];
	_ =	sdelay $0x3  }
0x34: {  	[smem:$0x3FAF] =	sst s10  }
0x35: {  	s10 =	sld [smem:$0x3FAE];
	_ =	sdelay $0x3  }
0x36: {  	p1 =	seq.s32 s10, $0x1;
	s10 =	sld [smem:$0x3FAF];
	_ =	sdelay $0x3  }
0x37: {  	[smem:$0x3FAF] =	sst s10  }
0x38: {  	s10 =	sld [smem:$0x3FB0]  }
0x39: {  	_ = 	snop;
	(pc) =	sbr.ind lr, $3  }
0x3a: {  	_ = 	snop  }
0x3b: {  	_ = 	snop  }
0x3c: {  	p2 =	seq.s32 s10, $0x1;
	s10 =	sld [smem:$0x3FAF]  }
0x3d: {  	_ =	shalt  }
0x3e: {  	_ =	shalt  }
0x3f: {  	_ =	shalt  }
0x40: {  	_ =	shalt  }
0x41: {  	_ =	shalt  }
0x42: {  	_ =	shalt  }
0x43: {  	_ =	shalt  }
0x44: {  	_ =	shalt  }
0x45: {  	_ =	shalt  }
0x46: {  	_ =	shalt  }
0x47: {  	_ =	shalt  }
0x48: {  	_ =	shalt  }
0x49: {  	_ =	shalt  }
0x4a: {  	_ =	shalt  }
0x4b: {  	_ =	shalt  }
0x4c: {  	_ =	shalt  }
0x4d: {  	_ =	shalt  }
0x4e: {  	_ =	shalt  }
0x4f: {  	_ =	shalt  }
0x50: {  	_ =	shalt  }
0x51: {  	_ =	shalt  }
0x52: {  	_ =	shalt  }
0x53: {  	_ =	shalt  }
0x54: {  	_ =	shalt  }
0x55: {  	_ =	shalt  }
0x56: {  	_ =	shalt  }
0x57: {  	_ =	shalt  }
0x58: {  	_ =	shalt  }
0x59: {  	_ =	shalt  }
0x5a: {  	_ =	shalt  }
0x5b: {  	_ =	shalt  }
0x5c: {  	_ =	shalt  }
0x5d: {  	_ =	shalt  }
0x5e: {  	_ =	shalt  }
0x5f: {  	_ =	shalt  }
0x60: {  	_ =	shalt  }
0x61: {  	_ =	shalt  }
0x62: {  	_ =	shalt  }
0x63: {  	_ =	shalt  }
0x64: {  	_ =	shalt  }
0x65: {  	_ =	shalt  }
0x66: {  	_ =	shalt  }
0x67: {  	_ =	shalt  }
0x68: {  	_ =	shalt  }
0x69: {  	_ =	shalt  }
0x6a: {  	_ =	shalt  }
0x6b: {  	_ =	shalt  }
0x6c: {  	_ =	shalt  }
0x6d: {  	_ =	shalt  }
0x6e: {  	_ =	shalt  }
0x6f: {  	_ =	shalt  }
0x70: {  	_ =	shalt  }
0x71: {  	_ =	shalt  }
0x72: {  	_ =	shalt  }
0x73: {  	_ =	shalt  }
0x74: {  	_ =	shalt  }
0x75: {  	_ =	shalt  }
0x76: {  	_ =	shalt  }
0x77: {  	_ =	shalt  }
0x78: {  	_ =	shalt  }
0x79: {  	_ =	shalt  }
0x7a: {  	_ =	shalt  }
0x7b: {  	_ =	shalt  }
0x7c: {  	_ =	shalt  }
0x7d: {  	_ =	shalt  }
0x7e: {  	_ =	shalt  }
0x7f: {  	_ =	shalt  }
0x80: {  	_ =	shalt  }
0x81: {  	_ =	shalt  }
0x82: {  	_ =	shalt  }
0x83: {  	_ =	shalt  }
0x84: {  	_ =	shalt  }
0x85: {  	_ =	shalt  }
0x86: {  	_ =	shalt  }
0x87: {  	_ =	shalt  }
.Lfunc_end0:
.L_simem_size_0:
called_computation_lowered:
.L_overlay_start_0:
0x88: {  	s2 =	sld [smem:$0x3FD9]  }
0x89: {  	s3 =	sld [smem:$0x3FFE];
	_ =	sdelay $0x1  }
0x8a: {  	s1 =	srdreg.scid  }
0x8b: {  	s0 =	sand.u32 $0x1, s1  }
0x8c: {  	s16 =	sshll.u32 s0, $0xA;
	s2 =	sadd.s32 s3, s2  }
0x8d: {  	s2 =	sadd.s32 s2, s16  }
0x8e: {  	[smem:$0x3FBB] =	sst s2  }
0x8f: {  	_ = 	snop  }
0x90: {  	(tm) =	ssettm $0x1  }
0x91: {  	s17 =	sld [smem:$0x3FFB];
	_ =	sdelay $0x3  }
0x92: {  	_ =	strace s17  }
0x93: {  	s2 =	sld [smem:$0x3FFC];
	_ =	sdelay $0x3  }
0x94: {  	_ =	strace s2  }
0x95: {  	s2 =	sld [smem:$0x3FFD];
	_ =	sdelay $0x3  }
0x96: {  	_ =	strace s2  }
0x97: {  	_ =	strace $0x8FFFFFFF  }
0x98: {  	s18 =	sld [smem:$0x3FDB];
	_ =	sdelay $0x1  }
0x99: {  	s19 =	simm.s32 $_scs_section_size  }
0x9a: {  	s4 =	simm.s32 $_size__tile_overlayer_lowered;
	s5 =	simm.s32 $_tile_overlayer_lowered  }
0x9b: {  	s22 =	simm.s32 $0x1BFF;
	s21 =	sshll.u32 s5, $0x1;
	s2 =	sadd.s32 s19, s18  }
0x9c: {  	s6 =	simm.s32 $0x0;
	s20 =	sshll.u32 s4, $0x1;
	s4 =	sadd.s32 s21, s2  }
0x9d: {  	[timem:s6], [sflag:s22] =	dma.local [hbm:s4], s20  }
0x9e: {  	_ =	swait.ge [sflag:s22], s20  }
0x9f: {  	s3 =	ssub.s32 $0x0, s20;
	[sflag:s22] =	ssyncset.done $0x0  }
0xa0: {  	[sflag:s22] =	ssyncadd.s32 s3;
	_ =	sdelay $0x1  }
0xa1: {  	s23 =	simm.s32 $0x1B8B  }
0xa2: {  	_ =	swait.ge [sflag:s23], $0x1  }
0xa3: {  	[sflag:s23] =	ssyncset.done $0x0  }
0xa4: {  	s25 =	simm.s32 $0x1B8E;
	s24 =	sld [smem:$0x3FFE];
	[sflag:s23] =	ssyncadd.s32 $0xFFFFFFFF  }
0xa5: {  	s26 =	simm.s32 $execute0_lowered;
	[smem:$0x3FD2] =	sst s25  }
0xa6: {  	s4 =	sshll.u32 s26, $0x1;
	_ =	strace $0x80000046;
	[dreg:$0x1] =	wrdreg $0xFFFFFFFF  }
0xa7: {  	s28 =	simm.s32 $_size_execute0_lowered;
	s2 =	sadd.s32 s2, s4;
	[dreg:$0x0] =	wrdreg $0x0  }
0xa8: {  	s4 =	sshll.u32 s28, $0x1;
	[dreg:$0x2] =	wrdreg s2  }
0xa9: {  	[dreg:$0x3] =	wrdreg s4  }
0xaa: {  	[dreg:$0x4] =	wrdreg $0xC0  }
0xab: {  	_ =	task [dreg:s6], $0x5FFFF  }
0xac: {  	[dreg:$0x1] =	wrdreg $0xFFFFFFFF  }
0xad: {  	[dreg:$0x0] =	wrdreg $0x60  }
0xae: {  	[dreg:$0x2] =	wrdreg s24  }
0xaf: {  	[dreg:$0x3] =	wrdreg $0x5A800  }
0xb0: {  	[dreg:$0x4] =	wrdreg $0x9  }
0xb1: {  	_ =	task.clear_ibuf [dreg:s6], $0x5FFFF;
	_ =	strace $0x90000046  }
0xb2: {  	s29 =	simm.s32 $0x9;
	_ =	strace $0x80000048  }
0xb3: {  	_ =	swait.ge [sflag:s29], $0x1  }
0xb4: {  	[sflag:s29] =	ssyncadd.s32 $0xFFFFFFFF  }
0xb5: {  	_ =	strace $0x90000048  }
0xb6: {  	_ =	sfence  }
0xb7: {  	s30 =	sld [smem:$0x0];
	_ =	sdelay $0x2  }
0xb8: {  	s31 =	sshll.u32 s1, $0xD;
	s1 =	sshrl.u32 s1, $0x2  }
0xb9: {  	s3 =	sand.u32 $0x4000, s31;
	s1 =	sadd.s32 s1, s30  }
0xba: {  	s0 =	sor.u32 s3, s0;
	s1 =	sshll.u32 s1, $0x11  }
0xbb: {  	s0 =	sor.u32 s1, s0  }
0xbc: {  	s0 =	sadd.s32 $0x8F2B, s0  }
0xbd: {  	[sflag:s0] =	ssyncadd.remote.s32 $0x1  }
0xbe: {  	_ =	sfence.sel $0xFFFF  }
0xbf: {  	[dreg:$0x0] =	wrdreg $0xFFFFFFFF;
	(pc) =	sbr.abs _section_cstart, $3  }
0xc0: {  	[dreg:$0x1] =	wrdreg $0xFFFFFFFF  }
0xc1: {  	_ =	task.clear_ibuf [dreg:s6], $0x2FFFF;
	_ =	strace $0x9FFFFFFF  }
0xc2: {  	(tm) =	ssettm $0x7FFFFFFF  }
0xc3: {  	_ =	shalt  }
tec
execute0_lowered:
.L_overlay_start_1:
0x0: {  	(tag) =	ssettag $0x1  }
0x1: {  	s5 =	rddreg [dreg:$0x0]  }
0x2: {  	s7 =	rddreg [dreg:$0x1]  }
0x3: {  	s0 =	rddreg [dreg:$0x2]  }
0x4: {  	s1 =	simm.s32 $0x0;
	s2 =	srdreg.scid;
	s14 =	simm.s32 $0x1400  }
0x5: {  	s15 =	simm.s32 $0x14000;
	s16 =	simm.s32 $0x3000;
	s17 =	simm.s32 $0x100  }
0x6: {  	s18 =	simm.s32 $0x5800;
	s19 =	simm.s32 $0x0;
	[smem:$0x7FF] =	sst s1  }
0x7: {  	s10 =	sand.u32 $0x1, s2;
	s2 =	stileid.u32;
	s3 =	sadd.s32 $0x16600, s5  }
0x8: {  	_ =	strace $0x80000047;
	s6 =	ssub.s32 $0x2, s10;
	s4 =	sshrl.u32 s2, $0x3  }
0x9: {  	s8 =	sshll.u32 s10, $0x4;
	s26 =	sshll.u32 s2, $0x7;
	s29 =	smul.u32 $0x5000, s2  }
0xa: {  	s13 =	smul.u32 $0xA0, s2;
	p0 =	sne.s32 s10, $0x0;
	s10 =	simm.s32 $0x2800  }
0xb: {  	s9 =	sshrl.u32 s6, $0x1;
	s11 =	smul.u32 $0x50000, s4;
	s4 =	sadd.s32 $0xC800, s5  }
0xc: {  	s12 =	sadd.s32 s8, s5;
	s30 =	sand.u32 $0x380, s26;
	s5 =	smul.u32 $0x4E20, s2  }
0xd: {  	s25 =	ssub.s32 s6, s9;
	s9 =	sshrl.u32 s29, $0x2;
	s31 =	sadd.s32 s13, s12  }
0xe: {  	s12 =	simm.s32 $0x80;
	s13 =	simm.s32 $0x400;
	s28 =	sshrl.u32 s11, $0x2  }
0xf: {  	s8 =	smax.u32 s25, $0x1;
	s11 =	simm.s32 $0x1;
	s6 =	sadd.s32 s28, s7  }
0x10: {  	v0 =	vimm.f32 $0.0e+00;
	v1 =	vimm.f32 $1.000000000e+00;
	s7 =	sadd.s32 s9, s7;
	s9 =	sadd.s32 $0x2A200, s31;
	s6 =	sadd.s32 s30, s6  }
.LBB2_1:
0x11: {  	s20 =	simm.s32 $0x40;
	s21 =	simm.s32 $0x0  }
.LBB2_2:
0x12: {  	p1 =	sne.s32 s20, $0x9FC0;
	[tilespmem:s21+$0x0] =	vst v0;
	s21 =	smov.u32 s20;
	s20 =	sadd.s32 $0x40, s20  }
.Ltmp0:
0x13: {  	(pc) =	sbr.rel @p1 .LBB2_2-.Ltmp0, $2  }
0x14: {  	_ =	sdelay $0x2  }
0x15: {  	s21 =	sshra.s32 s21, $0x2  }
.Ltmp1:
0x16: {  	(pc) =	sbr.rel @p0 .LBB2_7-.Ltmp1, $2  }
0x17: {  	_ =	sdelay $0x2  }
0x18: {  	[tilespmem:s21+$0x0] =	vst v0;
	s20 =	simm.s32 $0x0;
	s21 =	simm.s32 $0x0;
	s22 =	simm.s32 $0x0  }
.LBB2_4:
0x19: {  	s22 =	smul.u32 $0x7D0, s21;
	_ =	sdelay $0x1  }
0x1a: {  	s22 =	sadd.s32 s5, s22  }
0x1b: {  	s22 =	sshrl.u32 s22, $0x3  }
0x1c: {  	s22 =	sadd.s32 s3, s22  }
0x1d: {  	[tilespmem:s10], [sflag:$0x1] =	stream.linear.gather [hbm4b:s22+s20], $0x7D0, $0x38;
	[tilespmem:$0x8280] =	vst v63  }
0x1e: {  	_ =	swait.ge [sflag:s11], $0x7D0  }
0x1f: {  	[sflag:s11] =	ssyncset.done $0x0  }
0x20: {  	s23 =	simm.s32 $0x0;
	s22 =	simm.s32 $0x40;
	[sflag:s11] =	ssyncadd.s32 $0xFFFFF830  }
.LBB2_5:
0x21: {  	p1 =	sne.s32 s22, $0x1F00;
	v2 =	vld [tilespmem:s23+$0x2800];
	_ =	sdelay $0x3  }
.Ltmp2:
0x22: {  	(pc) =	sbr.rel @p1 .LBB2_5-.Ltmp2, $2  }
0x23: {  	_ =	sdelay $0x2  }
0x24: {  	s23 =	sshra.s32 s22, $0x2;
	s22 =	sadd.s32 $0x40, s22;
	[tilespmem:v2+s1+$0x0] =	vst.idx.add.f32.msk $0xffff, v1  }
0x25: {  	v2 =	vld [tilespmem:s23+$0x2800];
	_ =	sdelay $0x1  }
0x26: {  	s21 =	sadd.s32 $0x1, s21  }
0x27: {  	p1 =	seq.s32 s21, $0xA  }
.Ltmp3:
0x28: {  	_ = 	snop;
	(pc) =	sbr.rel @!p1 .LBB2_4-.Ltmp3, $4  }
.Ltmp4:
0x29: {  	_ = 	snop;
	(pc) =	sbr.rel @p1 .LBB2_10-.Ltmp4, $4  }
0x2a: {  	_ = 	snop  }
0x2b: {  	_ = 	snop  }
0x2c: {  	[tilespmem:v2+s1+$0x0] =	vst.idx.add.f32.msk $0xffff, v1  }
0x2d: {  	_ = 	snop  }
.LBB2_7:
0x2e: {  	s21 =	smul.u32 $0x7D0, s22;
	_ =	sdelay $0x1  }
0x2f: {  	s21 =	sadd.s32 s5, s21  }
0x30: {  	s21 =	sshrl.u32 s21, $0x3  }
0x31: {  	s21 =	sadd.s32 s4, s21  }
0x32: {  	[tilespmem:s10], [sflag:$0x1] =	stream.linear.gather [hbm4b:s21+s20], $0x7D0, $0x38;
	[tilespmem:$0x8280] =	vst v63  }
0x33: {  	_ =	swait.ge [sflag:s11], $0x7D0  }
0x34: {  	[sflag:s11] =	ssyncset.done $0x0  }
0x35: {  	s23 =	simm.s32 $0x0;
	s21 =	simm.s32 $0x40;
	[sflag:s11] =	ssyncadd.s32 $0xFFFFF830  }
.LBB2_8:
0x36: {  	p1 =	sne.s32 s21, $0x1F00;
	v2 =	vld [tilespmem:s23+$0x2800];
	_ =	sdelay $0x3  }
.Ltmp5:
0x37: {  	(pc) =	sbr.rel @p1 .LBB2_8-.Ltmp5, $2  }
0x38: {  	_ =	sdelay $0x2  }
0x39: {  	s23 =	sshra.s32 s21, $0x2;
	s21 =	sadd.s32 $0x40, s21;
	[tilespmem:v2+s1+$0x0] =	vst.idx.add.f32.msk $0xffff, v1  }
0x3a: {  	v2 =	vld [tilespmem:s23+$0x2800];
	_ =	sdelay $0x1  }
0x3b: {  	s22 =	sadd.s32 $0x1, s22  }
0x3c: {  	p1 =	sne.s32 s22, $0xA  }
.Ltmp6:
0x3d: {  	_ = 	snop;
	(pc) =	sbr.rel @p1 .LBB2_7-.Ltmp6, $2  }
0x3e: {  	_ =	sdelay $0x2  }
0x3f: {  	[tilespmem:v2+s1+$0x0] =	vst.idx.add.f32.msk $0xffff, v1  }
.LBB2_10:
0x40: {  	s20 =	simm.s32 $0x0  }
0x41: {  	[spmem:s6] =	stream.strided.scatter [tilespmem:s20], [sflag:$0x1], $0x2800, s13, s12, $0x38;
	[tilespmem:$0x8280] =	vst v63  }
0x42: {  	_ =	swait.ge [sflag:s11], $0x2800  }
0x43: {  	[sflag:s11] =	ssyncset.done $0x0  }
0x44: {  	[sflag:s11] =	ssyncadd.s32 $0xFFFFD800  }
0x45: {  	[bflag:$0x0] =	sbarrier.arrive $0xFFFF  }
0x46: {  	[tilespmem:s16], [sflag:$0x1] =	stream.strided.gather [spmem:s7], $0x2800, s15, s14, $0x38;
	[tilespmem:$0x8280] =	vst v63  }
0x47: {  	_ =	swait.ge [sflag:s11], $0x2800  }
0x48: {  	s21 =	sand.u32 $0x70, s20;
	s20 =	sand.u32 $0x1C00, s20;
	[sflag:s11] =	ssyncset.done $0x0  }
0x49: {  	s20 =	sor.u32 s21, s20;
	[sflag:s11] =	ssyncadd.s32 $0xFFFFD800  }
0x4a: {  	v2 =	vld [tilespmem:s20+$0x3080]  }
0x4b: {  	v3 =	vld [tilespmem:s20+$0x3000];
	_ =	sdelay $0x1  }
0x4c: {  	v4 =	vld [tilespmem:s20+$0x3100];
	_ =	sdelay $0x1  }
0x4d: {  	v5 =	vld [tilespmem:s20+$0x3180]  }
0x4e: {  	v2 =	vadd.f32 v2, v3  }
0x4f: {  	v3 =	vld [tilespmem:s20+$0x3200]  }
0x50: {  	v2 =	vadd.f32 v4, v2  }
0x51: {  	v56 =	vld [tilespmem:s20+$0x3280]  }
0x52: {  	v2 =	vadd.f32 v5, v2  }
0x53: {  	v57 =	vld [tilespmem:s20+$0x3300]  }
0x54: {  	v2 =	vadd.f32 v3, v2  }
0x55: {  	v3 =	vld [tilespmem:s20+$0x3380]  }
0x56: {  	v2 =	vadd.f32 v56, v2  }
0x57: {  	v58 =	vld [tilespmem:s20+$0x4400]  }
0x58: {  	v2 =	vadd.f32 v57, v2  }
0x59: {  	v59 =	vld [tilespmem:s20+$0x4480]  }
0x5a: {  	v2 =	vadd.f32 v3, v2  }
0x5b: {  	v3 =	vld [tilespmem:s20+$0x4500]  }
0x5c: {  	v2 =	vadd.f32 v58, v2  }
0x5d: {  	v60 =	vld [tilespmem:s20+$0x4580]  }
0x5e: {  	v2 =	vadd.f32 v59, v2  }
0x5f: {  	v61 =	vld [tilespmem:s20+$0x4600]  }
0x60: {  	v2 =	vadd.f32 v3, v2  }
0x61: {  	v3 =	vld [tilespmem:s20+$0x4680]  }
0x62: {  	v2 =	vadd.f32 v60, v2  }
0x63: {  	v62 =	vld [tilespmem:s20+$0x4700]  }
0x64: {  	v2 =	vadd.f32 v61, v2  }
0x65: {  	v63 =	vld [tilespmem:s20+$0x4780]  }
0x66: {  	v2 =	vadd.f32 v3, v2;
	_ =	sdelay $0x1  }
0x67: {  	v2 =	vadd.f32 v62, v2;
	_ =	sdelay $0x1  }
0x68: {  	s31 =	simm.s32 $0x10;
	s22 =	simm.s32 $0x80;
	v2 =	vadd.f32 v63, v2  }
0x69: {  	s23 =	sand.u32 $0x1C00, s22;
	s21 =	sand.u32 $0x70, s31;
	s20 =	simm.s32 $0x5800  }
0x6a: {  	s21 =	sor.u32 s21, s23;
	s23 =	simm.s32 $0x20;
	[tilespmem:s20+$0x0] =	vst v2  }
.LBB2_11:
0x6b: {  	p1 =	sne.s32 s23, $0x270;
	v2 =	vld [tilespmem:s21+$0x3080]  }
0x6c: {  	v3 =	vld [tilespmem:s21+$0x3000];
	_ =	sdelay $0x1  }
0x6d: {  	v4 =	vld [tilespmem:s21+$0x3100];
	_ =	sdelay $0x1  }
0x6e: {  	v5 =	vld [tilespmem:s21+$0x3180]  }
0x6f: {  	v2 =	vadd.f32 v2, v3  }
0x70: {  	v3 =	vld [tilespmem:s21+$0x3200]  }
0x71: {  	v2 =	vadd.f32 v4, v2  }
0x72: {  	v4 =	vld [tilespmem:s21+$0x3280]  }
0x73: {  	v2 =	vadd.f32 v5, v2  }
0x74: {  	v5 =	vld [tilespmem:s21+$0x3300]  }
0x75: {  	v2 =	vadd.f32 v3, v2  }
0x76: {  	v3 =	vld [tilespmem:s21+$0x3380]  }
0x77: {  	v2 =	vadd.f32 v4, v2  }
0x78: {  	v4 =	vld [tilespmem:s21+$0x4400]  }
0x79: {  	v2 =	vadd.f32 v5, v2  }
0x7a: {  	v5 =	vld [tilespmem:s21+$0x4480]  }
0x7b: {  	v2 =	vadd.f32 v3, v2  }
0x7c: {  	v3 =	vld [tilespmem:s21+$0x4500]  }
0x7d: {  	v2 =	vadd.f32 v4, v2  }
0x7e: {  	v4 =	vld [tilespmem:s21+$0x4580]  }
0x7f: {  	v2 =	vadd.f32 v5, v2  }
0x80: {  	v5 =	vld [tilespmem:s21+$0x4600]  }
0x81: {  	v2 =	vadd.f32 v3, v2  }
0x82: {  	v3 =	vld [tilespmem:s21+$0x4680]  }
0x83: {  	v2 =	vadd.f32 v4, v2  }
0x84: {  	v4 =	vld [tilespmem:s21+$0x4700]  }
0x85: {  	v2 =	vadd.f32 v5, v2  }
0x86: {  	v5 =	vld [tilespmem:s21+$0x4780]  }
0x87: {  	v2 =	vadd.f32 v3, v2;
	_ =	sdelay $0x1  }
.Ltmp7:
0x88: {  	v2 =	vadd.f32 v4, v2;
	(pc) =	sbr.rel @p1 .LBB2_11-.Ltmp7, $4  }
0x89: {  	_ = 	snop  }
0x8a: {  	s22 =	sadd.s32 $0x80, s22;
	v2 =	vadd.f32 v5, v2  }
0x8b: {  	s20 =	sadd.s32 $0x10, s20;
	s24 =	sand.u32 $0x1C00, s22;
	s21 =	sand.u32 $0x70, s23  }
0x8c: {  	s23 =	sadd.s32 $0x10, s23;
	s21 =	sor.u32 s21, s24;
	[tilespmem:s20+$0x0] =	vst v2  }
0x8d: {  	v2 =	vld [tilespmem:s21+$0x3080]  }
0x8e: {  	v3 =	vld [tilespmem:s21+$0x3000];
	_ =	sdelay $0x1  }
0x8f: {  	v4 =	vld [tilespmem:s21+$0x3100];
	_ =	sdelay $0x1  }
0x90: {  	v5 =	vld [tilespmem:s21+$0x3180]  }
0x91: {  	v2 =	vadd.f32 v2, v3  }
0x92: {  	v3 =	vld [tilespmem:s21+$0x3200]  }
0x93: {  	v2 =	vadd.f32 v4, v2  }
0x94: {  	v56 =	vld [tilespmem:s21+$0x3280]  }
0x95: {  	v2 =	vadd.f32 v5, v2  }
0x96: {  	v57 =	vld [tilespmem:s21+$0x3300]  }
0x97: {  	v2 =	vadd.f32 v3, v2  }
0x98: {  	v3 =	vld [tilespmem:s21+$0x3380]  }
0x99: {  	v2 =	vadd.f32 v56, v2  }
0x9a: {  	v58 =	vld [tilespmem:s21+$0x4400]  }
0x9b: {  	v2 =	vadd.f32 v57, v2  }
0x9c: {  	v59 =	vld [tilespmem:s21+$0x4480]  }
0x9d: {  	v2 =	vadd.f32 v3, v2  }
0x9e: {  	v3 =	vld [tilespmem:s21+$0x4500]  }
0x9f: {  	v2 =	vadd.f32 v58, v2  }
0xa0: {  	v60 =	vld [tilespmem:s21+$0x4580]  }
0xa1: {  	v2 =	vadd.f32 v59, v2  }
0xa2: {  	v61 =	vld [tilespmem:s21+$0x4600]  }
0xa3: {  	v2 =	vadd.f32 v3, v2  }
0xa4: {  	v3 =	vld [tilespmem:s21+$0x4680]  }
0xa5: {  	v2 =	vadd.f32 v60, v2  }
0xa6: {  	v62 =	vld [tilespmem:s21+$0x4700]  }
0xa7: {  	v2 =	vadd.f32 v61, v2  }
0xa8: {  	v63 =	vld [tilespmem:s21+$0x4780]  }
0xa9: {  	v2 =	vadd.f32 v3, v2;
	_ =	sdelay $0x1  }
0xaa: {  	v2 =	vadd.f32 v62, v2;
	_ =	sdelay $0x1  }
0xab: {  	s19 =	sadd.s32 $0x1, s19;
	v2 =	vadd.f32 v63, v2  }
0xac: {  	s20 =	sadd.s32 $0x10, s20;
	p1 =	sne.s32 s19, s8  }
.Ltmp8:
0xad: {  	[tilespmem:s20+$0x0] =	vst v2;
	(pc) =	sbr.rel @p1 .LBB2_1-.Ltmp8, $4  }
0xae: {  	[hbm4b:s9+s12] =	stream.strided.scatter [tilespmem:s18], [sflag:$0x1], $0x280, s17, s12, $0x38;
	[tilespmem:$0x8280] =	vst v63  }
0xaf: {  	_ =	swait.ge [sflag:s11], $0x280  }
0xb0: {  	[sflag:s11] =	ssyncset.done $0x0  }
0xb1: {  	[sflag:s11] =	ssyncadd.s32 $0xFFFFFD80  }
0xb2: {  	_ =	sfence.sel $0x180000  }
0xb3: {  	[bflag:$0x0] =	sbarrier.arrive $0xFFFF  }
0xb4: {  	p0 =	sne.s32 s2, $0x0;
	_ =	strace $0x90000047  }
0xb5: {  	s0 =	sadd.s32 @!p0 $0x100000, s0;
	[bflag:$0x2] =	sbarrier.arrive $0xFFFF  }
0xb6: {  	[sflag:s0] =	ssyncadd.tile.s32 @!p0 $0x1;
	_ =	shalt  }
.Lfunc_end2:
_tile_overlayer_lowered:
.L_overlay_start_2:
0xb7: {  	(tag) =	ssettag $0x2  }
0xb8: {  	s0 =	rddreg [dreg:$0x0];
	s2 =	stileid.u32  }
0xb9: {  	s1 =	rddreg [dreg:$0x1];
	p0 =	sne.s32 s2, $0x0  }
0xba: {  	s3 =	rddreg [dreg:$0x2];
	[bflag:$0x3] =	sbarrier.arrive $0xFFFF;
	s2 =	simm.s32 @!p0 $0x1C01  }
0xbb: {  	[timem:s3], [sflag:s2] =	dma.local @!p0 [hbm:s0], s1  }
0xbc: {  	s0 =	simm.s32 @!p0 $0x1  }
0xbd: {  	_ =	swait.ge @!p0 [sflag:s0], s1  }
0xbe: {  	s1 =	ssub.s32 @!p0 $0x0, s1;
	[sflag:s0] =	ssyncset.done @!p0 $0x0  }
0xbf: {  	[sflag:s0] =	ssyncadd.s32 @!p0 s1  }
0xc0: {  	[bflag:$0x3] =	sbarrier.arrive $0xFFFF  }
0xc1: {  	_ =	shalt  }

</sc_bundles>
